<compile_context>
chip_gen: v7x
topology: tpu7x:2x2x1
jax: 0.10.2.dev20260603
libtpu: 0.0.44.dev20260713+nightly
codegen_flags: <defaults>
</compile_context>

<pallas_src>
import functools

import jax
import jax.numpy as jnp
from jax import lax
from jax.experimental import pallas as pl
from jax.experimental.pallas import tpu as pltpu
from jax.experimental.pallas import tpu_sc as plsc

DIM = 128
B = 4096
L = 20
NW = 32
BW = B // NW
KW = BW * L
CHUNK = 128
NCHUNK = KW // CHUNK
SENTINEL = -1e30

_MESH = plsc.VectorSubcoreMesh(core_axis_name="c", subcore_axis_name="s")

_GATHER_DNUMS = lax.GatherDimensionNumbers(
    offset_dims=(), collapsed_slice_dims=(0,), start_index_map=(0,))


def _shfl(v, idx):
    return lax.gather(v, idx[:, None], _GATHER_DNUMS, slice_sizes=(1,),
                      mode=lax.GatherScatterMode.PROMISE_IN_BOUNDS)


@functools.partial(
    pl.kernel,
    out_type=jax.ShapeDtypeStruct((NW, KW), jnp.float32),
    mesh=_MESH,
    scratch_types=[
        pltpu.VMEM((NCHUNK, CHUNK), jnp.int32),
        pltpu.VMEM((4 * CHUNK, DIM), jnp.float32),
        pltpu.VMEM((BW, DIM), jnp.float32),
        pltpu.VMEM((BW, L), jnp.int32),
        pltpu.VMEM((BW + 16,), jnp.int32),
        pltpu.VMEM((KW,), jnp.float32),
        pltpu.SemaphoreType.DMA,
        pltpu.SemaphoreType.DMA,
        pltpu.SemaphoreType.DMA,
        pltpu.SemaphoreType.DMA,
    ],
)
def _sc_logits(table_hbm, tp_hbm, hid_hbm, code_hbm, len_hbm, out_hbm,
               idx_v, rows_v, hid_v, code_v, len_v, z_v,
               sem0, sem1, sem2, sem3):
    wid = lax.axis_index("c") * 16 + lax.axis_index("s")
    base = wid * BW
    pltpu.sync_copy(tp_hbm.at[wid], idx_v)
    pltpu.sync_copy(hid_hbm.at[pl.ds(base, BW)], hid_v)
    pltpu.sync_copy(code_hbm.at[pl.ds(base, BW)], code_v)
    pltpu.sync_copy(len_hbm.at[pl.ds(base, BW)], len_v.at[pl.ds(0, BW)])
    lanes = lax.iota(jnp.int32, 16)

    bufs = [rows_v.at[pl.ds(p * CHUNK, CHUNK)] for p in range(4)]
    sems = [sem0, sem1, sem2, sem3]

    def start_gather(c, buf, sem):
        cc = jnp.minimum(c, NCHUNK - 1)
        pltpu.async_copy(table_hbm.at[idx_v.at[cc]], buf, sem)

    def wait_gather(buf, sem):
        pltpu.make_async_copy(table_hbm.at[idx_v.at[0]], buf, sem).wait()

    def compute(c, off):
        def blk_body(t, _):
            k0 = c * CHUNK + t * 16
            b0 = k0 // L
            b1 = (k0 + 15) // L
            l0 = k0 - b0 * L
            ub = b1 * L - k0
            h0 = [hid_v[b0, pl.ds(s * 16, 16)] for s in range(DIM // 16)]
            h1 = [hid_v[b1, pl.ds(s * 16, 16)] for s in range(DIM // 16)]
            zvec = jnp.zeros((16,), jnp.float32)
            for u in range(16):
                r = t * 16 + u
                in_b0 = u < ub
                acc = None
                for s in range(DIM // 16):
                    h = jnp.where(in_b0, h0[s], h1[s])
                    prod = rows_v[off + r, pl.ds(s * 16, 16)] * h
                    acc = prod if acc is None else acc + prod
                for sh in (8, 4, 2, 1):
                    acc = acc + _shfl(acc, jnp.bitwise_xor(lanes, sh))
                zvec = jnp.where(lanes == u, acc, zvec)
            lvec = l0 + lanes
            lvec = jnp.where(lvec >= L, lvec - L, lvec)
            len0 = len_v[pl.ds(b0, 16)][0]
            len1 = len_v[pl.ds(b1, 16)][0]
            lenv = jnp.where(lanes < ub, len0, len1)
            st0 = jnp.minimum(l0, L - 16)
            code0 = _shfl(code_v[b0, pl.ds(st0, 16)],
                          jnp.minimum(lanes + (l0 - st0), 15))
            code1 = _shfl(code_v[b1, pl.ds(0, 16)],
                          jnp.maximum(lanes - ub, 0))
            codev = jnp.where(lanes < ub, code0, code1)
            sign = 1.0 - 2.0 * codev.astype(jnp.float32)
            x = jnp.where(lvec < lenv, zvec * sign, jnp.float32(SENTINEL))
            z_v[pl.ds(k0, 16)] = x
            return 0

        lax.fori_loop(0, CHUNK // 16, blk_body, 0)

    start_gather(0, bufs[0], sem0)
    start_gather(1, bufs[1], sem1)

    def chunk_body(c, _):
        ph = c % 4
        for p in range(4):
            @pl.when(ph == p)
            def _(p=p):
                wait_gather(bufs[p], sems[p])
                start_gather(c + 2, bufs[(p + 2) % 4], sems[(p + 2) % 4])

        compute(c, ph * CHUNK)
        return 0

    lax.fori_loop(0, NCHUNK, chunk_body, 0)
    wait_gather(bufs[0], sems[0])
    wait_gather(bufs[1], sems[1])
    pltpu.sync_copy(z_v, out_hbm.at[wid])


def _tc_loss_body(x_ref, out_ref):
    x = x_ref[...]
    loss = jnp.maximum(x, 0.0) + jnp.log(1.0 + jnp.exp(-jnp.abs(x)))
    cnt = jnp.sum((x > SENTINEL * 0.5).astype(jnp.float32))
    out_ref[...] = (jnp.sum(loss) / cnt).reshape(1, 1)


_tc_loss = pl.pallas_call(
    _tc_loss_body,
    out_shape=jax.ShapeDtypeStruct((1, 1), jnp.float32),
)


def kernel(hidden_, target, target_path, target_path_len, target_code, embed_table):
    tp = target_path.reshape(NW, NCHUNK, CHUNK)
    x = _sc_logits(embed_table, tp, hidden_, target_code, target_path_len)
    loss = _tc_loss(x)
    return loss[0, 0]

# --- scband reference (transcript-rebuilt; emitter-appended) ---
"""Pipeline reference for scband-hierarchical-softmax-91079076479535 (READ-ONLY COPY).

The authoritative reference and input builder live on the scoring server;
editing this copy changes nothing except your own understanding.
"""

import jax, jax.numpy as jnp
import numpy as np

DIM = 128
B = 4096
L = 20
V = 1000000


def setup_inputs(seed: int = 0) -> dict:
    key = jax.random.key(seed)
    ks = jax.random.split(key, 6)
    hidden_ = jax.random.normal(ks[0], (B, DIM), dtype=jnp.float32)
    target = jax.random.randint(ks[1], (B,), 0, V, dtype=jnp.int32)
    target_path = jax.random.randint(ks[2], (B, L), 0, V, dtype=jnp.int32)
    target_path_len = jax.random.randint(ks[3], (B,), 0, 21, dtype=jnp.int32)
    target_code = jax.random.randint(ks[4], (B, L), 0, 2, dtype=jnp.int32)
    # Keras Embedding default initializer: uniform(-0.05, 0.05)
    embed_table = jax.random.uniform(ks[5], (V, DIM), dtype=jnp.float32, minval=-0.05, maxval=0.05)
    return {
        "hidden_": hidden_,
        "target": target,
        "target_path": target_path,
        "target_path_len": target_path_len,
        "target_code": target_code,
        "embed_table": embed_table,
    }


def reference(hidden_, target, target_path, target_path_len, target_code, embed_table):
    # target is accepted but unused, mirroring the original call signature
    embeds = jnp.take(embed_table, target_path, axis=0)  # [B, L, DIM] gather
    flag = target_code.astype(jnp.float32)
    logits = jnp.squeeze(jnp.matmul(embeds, hidden_[:, :, None]), axis=-1)  # [B, L]
    score = jax.nn.sigmoid(logits)
    score_ = -jnp.log(flag * score + (1.0 - flag) * (1.0 - score))
    # batch_gather over ragged ranges == mask positions < target_path_len,
    # then reduce_mean over all ragged values
    mask = (jnp.arange(L)[None, :] < target_path_len[:, None]).astype(jnp.float32)
    return jnp.sum(score_ * mask) / jnp.sum(mask)

if __name__ == "__main__":
    import jax
    _d = setup_inputs()
    print(jax.jit(kernel)(*tuple(_d.values())))

</pallas_src>

<mosaic_0001>
#map = affine_map<(d0, d1) -> (0, 0)>
#map1 = affine_map<(d0, d1) -> (0, 0, 0)>
#map2 = affine_map<(d0, d1) -> (0)>
module attributes {stable_mosaic.version = 14 : i64} {
  func.func @_sc_logits(%arg0: i32, %arg1: i32, %arg2: memref<1000000x128xf32, #tpu.memory_space<hbm>>, %arg3: memref<32x20x128xi32, #tpu.memory_space<hbm>>, %arg4: memref<4096x128xf32, #tpu.memory_space<hbm>>, %arg5: memref<4096x20xi32, #tpu.memory_space<hbm>>, %arg6: memref<4096xi32, #tpu.memory_space<hbm>>, %arg7: memref<32x2560xf32, #tpu.memory_space<hbm>>, %arg8: memref<20x128xi32, #tpu.memory_space<vmem>>, %arg9: memref<512x128xf32, #tpu.memory_space<vmem>>, %arg10: memref<128x128xf32, #tpu.memory_space<vmem>>, %arg11: memref<128x20xi32, #tpu.memory_space<vmem>>, %arg12: memref<144xi32, #tpu.memory_space<vmem>>, %arg13: memref<2560xf32, #tpu.memory_space<vmem>>, %arg14: memref<!tpu.dma_semaphore, #tpu.memory_space<semaphore_mem>>, %arg15: memref<!tpu.dma_semaphore, #tpu.memory_space<semaphore_mem>>, %arg16: memref<!tpu.dma_semaphore, #tpu.memory_space<semaphore_mem>>, %arg17: memref<!tpu.dma_semaphore, #tpu.memory_space<semaphore_mem>>) attributes {dimension_semantics = [#tpu.dimension_semantics<core_parallel>, #tpu.dimension_semantics<subcore_parallel>], iteration_bounds = array<i64: 2, 16>, scalar_prefetch = 0 : i64, scratch_operands = 10 : i64, tpu.core_type = #tpu.core_type<sc_vector_subcore>, window_params = [{transform_indices = #map}, {transform_indices = #map1}, {transform_indices = #map}, {transform_indices = #map}, {transform_indices = #map2}, {transform_indices = #map}]} {
    %mul3A = arith.constant 16 : i32
    %mul3A_0 = arith.muli %arg0, %mul3A : i32
    %add3A = arith.addi %mul3A_0, %arg1 : i32
    %mul3A_1 = arith.constant 128 : i32
    %mul3A_2 = arith.muli %add3A, %mul3A_1 : i32
    "tpu.region"() ({
      %run_scoped3A = tpu.sem_alloc : memref<!tpu.dma_semaphore, #tpu.memory_space<semaphore_mem>>
      %dma_start3A_50 = arith.constant 0 : i32
      %dma_start3A_51 = arith.constant 0 : i32
      %dma_start3A_52 = tpu.memref_slice %arg3[%add3A, %dma_start3A_50, %dma_start3A_51] : memref<32x20x128xi32, #tpu.memory_space<hbm>> -> memref<1x20x128xi32, #tpu.memory_space<hbm>>
      %dma_start3A_53 = tpu.memref_squeeze %dma_start3A_52 : memref<1x20x128xi32, #tpu.memory_space<hbm>> -> memref<20x128xi32, #tpu.memory_space<hbm>>
      %dma_start3A_54 = arith.constant 0 : i32
      %dma_start3A_55 = arith.constant 0 : i32
      %dma_start3A_56 = tpu.memref_slice %arg3[%add3A, %dma_start3A_54, %dma_start3A_55] : memref<32x20x128xi32, #tpu.memory_space<hbm>> -> memref<1x20x128xi32, #tpu.memory_space<hbm>>
      %dma_start3A_57 = tpu.memref_squeeze %dma_start3A_56 : memref<1x20x128xi32, #tpu.memory_space<hbm>> -> memref<20x128xi32, #tpu.memory_space<hbm>>
      tpu.enqueue_dma source(%dma_start3A_57 : memref<20x128xi32, #tpu.memory_space<hbm>>) target(%arg8 : memref<20x128xi32, #tpu.memory_space<vmem>>) target_semaphore(%run_scoped3A : memref<!tpu.dma_semaphore, #tpu.memory_space<semaphore_mem>>)
      %dma_wait3A_58 = arith.constant 0 : i32
      %dma_wait3A_59 = arith.constant 0 : i32
      %dma_wait3A_60 = tpu.memref_slice %arg3[%add3A, %dma_wait3A_58, %dma_wait3A_59] : memref<32x20x128xi32, #tpu.memory_space<hbm>> -> memref<1x20x128xi32, #tpu.memory_space<hbm>>
      %dma_wait3A_61 = tpu.memref_squeeze %dma_wait3A_60 : memref<1x20x128xi32, #tpu.memory_space<hbm>> -> memref<20x128xi32, #tpu.memory_space<hbm>>
      %dma_wait3A_62 = arith.constant 0 : i32
      %dma_wait3A_63 = arith.constant 0 : i32
      %dma_wait3A_64 = tpu.memref_slice %arg3[%add3A, %dma_wait3A_62, %dma_wait3A_63] : memref<32x20x128xi32, #tpu.memory_space<hbm>> -> memref<1x20x128xi32, #tpu.memory_space<hbm>>
      %dma_wait3A_65 = tpu.memref_squeeze %dma_wait3A_64 : memref<1x20x128xi32, #tpu.memory_space<hbm>> -> memref<20x128xi32, #tpu.memory_space<hbm>>
      tpu.wait_dma2 semaphore(%run_scoped3A : memref<!tpu.dma_semaphore, #tpu.memory_space<semaphore_mem>>) src(%dma_wait3A_65 : memref<20x128xi32, #tpu.memory_space<hbm>>) dst(%arg8 : memref<20x128xi32, #tpu.memory_space<vmem>>)
      tpu.yield
    }) : () -> ()
    "tpu.region"() ({
      %run_scoped3A = tpu.sem_alloc : memref<!tpu.dma_semaphore, #tpu.memory_space<semaphore_mem>>
      %dma_start3A_50 = arith.constant 0 : i32
      %dma_start3A_51 = tpu.memref_slice %arg4[%mul3A_2, %dma_start3A_50] : memref<4096x128xf32, #tpu.memory_space<hbm>> -> memref<128x128xf32, #tpu.memory_space<hbm>>
      %dma_start3A_52 = arith.constant 0 : i32
      %dma_start3A_53 = tpu.memref_slice %arg4[%mul3A_2, %dma_start3A_52] : memref<4096x128xf32, #tpu.memory_space<hbm>> -> memref<128x128xf32, #tpu.memory_space<hbm>>
      tpu.enqueue_dma source(%dma_start3A_53 : memref<128x128xf32, #tpu.memory_space<hbm>>) target(%arg10 : memref<128x128xf32, #tpu.memory_space<vmem>>) target_semaphore(%run_scoped3A : memref<!tpu.dma_semaphore, #tpu.memory_space<semaphore_mem>>)
      %dma_wait3A_54 = arith.constant 0 : i32
      %dma_wait3A_55 = tpu.memref_slice %arg4[%mul3A_2, %dma_wait3A_54] : memref<4096x128xf32, #tpu.memory_space<hbm>> -> memref<128x128xf32, #tpu.memory_space<hbm>>
      %dma_wait3A_56 = arith.constant 0 : i32
      %dma_wait3A_57 = tpu.memref_slice %arg4[%mul3A_2, %dma_wait3A_56] : memref<4096x128xf32, #tpu.memory_space<hbm>> -> memref<128x128xf32, #tpu.memory_space<hbm>>
      tpu.wait_dma2 semaphore(%run_scoped3A : memref<!tpu.dma_semaphore, #tpu.memory_space<semaphore_mem>>) src(%dma_wait3A_57 : memref<128x128xf32, #tpu.memory_space<hbm>>) dst(%arg10 : memref<128x128xf32, #tpu.memory_space<vmem>>)
      tpu.yield
    }) : () -> ()
    "tpu.region"() ({
      %run_scoped3A = tpu.sem_alloc : memref<!tpu.dma_semaphore, #tpu.memory_space<semaphore_mem>>
      %dma_start3A_50 = arith.constant 0 : i32
      %dma_start3A_51 = tpu.memref_slice %arg5[%mul3A_2, %dma_start3A_50] : memref<4096x20xi32, #tpu.memory_space<hbm>> -> memref<128x20xi32, #tpu.memory_space<hbm>>
      %dma_start3A_52 = arith.constant 0 : i32
      %dma_start3A_53 = tpu.memref_slice %arg5[%mul3A_2, %dma_start3A_52] : memref<4096x20xi32, #tpu.memory_space<hbm>> -> memref<128x20xi32, #tpu.memory_space<hbm>>
      tpu.enqueue_dma source(%dma_start3A_53 : memref<128x20xi32, #tpu.memory_space<hbm>>) target(%arg11 : memref<128x20xi32, #tpu.memory_space<vmem>>) target_semaphore(%run_scoped3A : memref<!tpu.dma_semaphore, #tpu.memory_space<semaphore_mem>>)
      %dma_wait3A_54 = arith.constant 0 : i32
      %dma_wait3A_55 = tpu.memref_slice %arg5[%mul3A_2, %dma_wait3A_54] : memref<4096x20xi32, #tpu.memory_space<hbm>> -> memref<128x20xi32, #tpu.memory_space<hbm>>
      %dma_wait3A_56 = arith.constant 0 : i32
      %dma_wait3A_57 = tpu.memref_slice %arg5[%mul3A_2, %dma_wait3A_56] : memref<4096x20xi32, #tpu.memory_space<hbm>> -> memref<128x20xi32, #tpu.memory_space<hbm>>
      tpu.wait_dma2 semaphore(%run_scoped3A : memref<!tpu.dma_semaphore, #tpu.memory_space<semaphore_mem>>) src(%dma_wait3A_57 : memref<128x20xi32, #tpu.memory_space<hbm>>) dst(%arg11 : memref<128x20xi32, #tpu.memory_space<vmem>>)
      tpu.yield
    }) : () -> ()
    "tpu.region"() ({
      %run_scoped3A = tpu.sem_alloc : memref<!tpu.dma_semaphore, #tpu.memory_space<semaphore_mem>>
      %dma_start3A_50 = arith.constant 0 : i32
      %dma_start3A_51 = tpu.memref_slice %arg12[%dma_start3A_50] : memref<144xi32, #tpu.memory_space<vmem>> -> memref<128xi32, #tpu.memory_space<vmem>>
      %dma_start3A_52 = tpu.memref_slice %arg6[%mul3A_2] : memref<4096xi32, #tpu.memory_space<hbm>> -> memref<128xi32, #tpu.memory_space<hbm>>
      %dma_start3A_53 = arith.constant 0 : i32
      %dma_start3A_54 = tpu.memref_slice %arg12[%dma_start3A_53] : memref<144xi32, #tpu.memory_space<vmem>> -> memref<128xi32, #tpu.memory_space<vmem>>
      %dma_start3A_55 = tpu.memref_slice %arg6[%mul3A_2] : memref<4096xi32, #tpu.memory_space<hbm>> -> memref<128xi32, #tpu.memory_space<hbm>>
      tpu.enqueue_dma source(%dma_start3A_55 : memref<128xi32, #tpu.memory_space<hbm>>) target(%dma_start3A_54 : memref<128xi32, #tpu.memory_space<vmem>>) target_semaphore(%run_scoped3A : memref<!tpu.dma_semaphore, #tpu.memory_space<semaphore_mem>>)
      %dma_wait3A_56 = arith.constant 0 : i32
      %dma_wait3A_57 = tpu.memref_slice %arg12[%dma_wait3A_56] : memref<144xi32, #tpu.memory_space<vmem>> -> memref<128xi32, #tpu.memory_space<vmem>>
      %dma_wait3A_58 = tpu.memref_slice %arg6[%mul3A_2] : memref<4096xi32, #tpu.memory_space<hbm>> -> memref<128xi32, #tpu.memory_space<hbm>>
      %dma_wait3A_59 = arith.constant 0 : i32
      %dma_wait3A_60 = tpu.memref_slice %arg12[%dma_wait3A_59] : memref<144xi32, #tpu.memory_space<vmem>> -> memref<128xi32, #tpu.memory_space<vmem>>
      %dma_wait3A_61 = tpu.memref_slice %arg6[%mul3A_2] : memref<4096xi32, #tpu.memory_space<hbm>> -> memref<128xi32, #tpu.memory_space<hbm>>
      tpu.wait_dma2 semaphore(%run_scoped3A : memref<!tpu.dma_semaphore, #tpu.memory_space<semaphore_mem>>) src(%dma_wait3A_61 : memref<128xi32, #tpu.memory_space<hbm>>) dst(%dma_wait3A_60 : memref<128xi32, #tpu.memory_space<vmem>>)
      tpu.yield
    }) : () -> ()
    %iota3A = tpu.iota {dimensions = array<i32: 0>} : vector<16xi32>
    %min3A = arith.constant 0 : i32
    %min3A_3 = arith.constant 19 : i32
    %min3A_4 = arith.minsi %min3A, %min3A_3 : i32
    %dma_start3A = arith.constant 0 : i32
    %dma_start3A_5 = arith.constant 0 : i32
    %dma_start3A_6 = tpu.memref_slice %arg9[%dma_start3A, %dma_start3A_5] : memref<512x128xf32, #tpu.memory_space<vmem>> -> memref<128x128xf32, #tpu.memory_space<vmem>>
    %dma_start3A_7 = arith.constant 0 : i32
    %dma_start3A_8 = tpu.memref_slice %arg8[%min3A_4, %dma_start3A_7] : memref<20x128xi32, #tpu.memory_space<vmem>> -> memref<1x128xi32, #tpu.memory_space<vmem>>
    %dma_start3A_9 = tpu.memref_squeeze %dma_start3A_8 : memref<1x128xi32, #tpu.memory_space<vmem>> -> memref<128xi32, #tpu.memory_space<vmem>>
    %dma_start3A_10 = arith.constant 0 : i32
    %dma_start3A_11 = arith.constant 0 : i32
    %dma_start3A_12 = tpu.memref_slice %arg2[%dma_start3A_10, %dma_start3A_11] : memref<1000000x128xf32, #tpu.memory_space<hbm>> -> memref<1000000x128xf32, #tpu.memory_space<hbm>>
    tpu.enqueue_indirect_dma source(%dma_start3A_12 : memref<1000000x128xf32, #tpu.memory_space<hbm>>) target(%dma_start3A_6 : memref<128x128xf32, #tpu.memory_space<vmem>>) offsets(%dma_start3A_9 : memref<128xi32, #tpu.memory_space<vmem>>) semaphore(%arg14 : memref<!tpu.dma_semaphore, #tpu.memory_space<semaphore_mem>>)
    %min3A_13 = arith.constant 1 : i32
    %min3A_14 = arith.constant 19 : i32
    %min3A_15 = arith.minsi %min3A_13, %min3A_14 : i32
    %dma_start3A_16 = arith.constant 128 : i32
    %dma_start3A_17 = arith.constant 0 : i32
    %dma_start3A_18 = tpu.memref_slice %arg9[%dma_start3A_16, %dma_start3A_17] : memref<512x128xf32, #tpu.memory_space<vmem>> -> memref<128x128xf32, #tpu.memory_space<vmem>>
    %dma_start3A_19 = arith.constant 0 : i32
    %dma_start3A_20 = tpu.memref_slice %arg8[%min3A_15, %dma_start3A_19] : memref<20x128xi32, #tpu.memory_space<vmem>> -> memref<1x128xi32, #tpu.memory_space<vmem>>
    %dma_start3A_21 = tpu.memref_squeeze %dma_start3A_20 : memref<1x128xi32, #tpu.memory_space<vmem>> -> memref<128xi32, #tpu.memory_space<vmem>>
    %dma_start3A_22 = arith.constant 0 : i32
    %dma_start3A_23 = arith.constant 0 : i32
    %dma_start3A_24 = tpu.memref_slice %arg2[%dma_start3A_22, %dma_start3A_23] : memref<1000000x128xf32, #tpu.memory_space<hbm>> -> memref<1000000x128xf32, #tpu.memory_space<hbm>>
    tpu.enqueue_indirect_dma source(%dma_start3A_24 : memref<1000000x128xf32, #tpu.memory_space<hbm>>) target(%dma_start3A_18 : memref<128x128xf32, #tpu.memory_space<vmem>>) offsets(%dma_start3A_21 : memref<128xi32, #tpu.memory_space<vmem>>) semaphore(%arg15 : memref<!tpu.dma_semaphore, #tpu.memory_space<semaphore_mem>>)
    %scan3A = arith.constant 0 : i32
    %scan3A_25 = arith.constant 0 : i32
    %scan3A_26 = arith.constant 20 : i32
    %scan3A_27 = arith.addi %scan3A_25, %scan3A_26 : i32
    %scan3A_28 = arith.constant 1 : i32
    %scan3A_29 = scf.for %scan3A_50 = %scan3A_25 to %scan3A_27 step %scan3A_28 iter_args(%scan3A_51 = %scan3A) -> (i32)  : i32 {
      %jit3A = arith.constant 4 : i32
      %eq3A = arith.constant 0 : i32
      %eq3A_52 = arith.cmpi eq, %jit3A, %eq3A : i32
      %jit3A_53 = arith.constant 1 : i32
      %select_n3A = arith.select %eq3A_52, %jit3A_53, %jit3A : i32
      %rem3A = arith.remsi %scan3A_50, %select_n3A : i32
      %ne3A = arith.constant 0 : i32
      %ne3A_54 = arith.cmpi ne, %rem3A, %ne3A : i32
      %lt3A = arith.constant 0 : i32
      %lt3A_55 = arith.cmpi slt, %rem3A, %lt3A : i32
      %lt3A_56 = arith.constant 0 : i32
      %lt3A_57 = arith.cmpi slt, %select_n3A, %lt3A_56 : i32
      %ne3A_58 = arith.xori %lt3A_55, %lt3A_57 : i1
      %and3A = arith.andi %ne3A_58, %ne3A_54 : i1
      %add3A_59 = arith.addi %rem3A, %select_n3A : i32
      %select_n3A_60 = arith.select %and3A, %add3A_59, %rem3A : i32
      %eq3A_61 = arith.constant 0 : i32
      %eq3A_62 = arith.cmpi eq, %select_n3A_60, %eq3A_61 : i32
      %convert_element_type3A = arith.extui %eq3A_62 : i1 to i32
      %cond3A = arith.constant 0 : i32
      %cond3A_63 = arith.cmpi ne, %convert_element_type3A, %cond3A : i32
      scf.if %cond3A_63 {
        %dma_wait3A_89 = arith.constant 0 : i32
        %dma_wait3A_90 = arith.constant 0 : i32
        %dma_wait3A_91 = arith.constant 0 : i32
        %dma_wait3A_92 = tpu.memref_slice %arg9[%dma_wait3A_90, %dma_wait3A_91] : memref<512x128xf32, #tpu.memory_space<vmem>> -> memref<128x128xf32, #tpu.memory_space<vmem>>
        %dma_wait3A_93 = arith.constant 0 : i32
        %dma_wait3A_94 = tpu.memref_slice %arg8[%dma_wait3A_89, %dma_wait3A_93] : memref<20x128xi32, #tpu.memory_space<vmem>> -> memref<1x128xi32, #tpu.memory_space<vmem>>
        %dma_wait3A_95 = tpu.memref_squeeze %dma_wait3A_94 : memref<1x128xi32, #tpu.memory_space<vmem>> -> memref<128xi32, #tpu.memory_space<vmem>>
        %dma_wait3A_96 = arith.constant 0 : i32
        %dma_wait3A_97 = arith.constant 0 : i32
        %dma_wait3A_98 = tpu.memref_slice %arg2[%dma_wait3A_96, %dma_wait3A_97] : memref<1000000x128xf32, #tpu.memory_space<hbm>> -> memref<1000000x128xf32, #tpu.memory_space<hbm>>
        tpu.wait_indirect_dma semaphore(%arg14 : memref<!tpu.dma_semaphore, #tpu.memory_space<semaphore_mem>>) src(%dma_wait3A_98 : memref<1000000x128xf32, #tpu.memory_space<hbm>>) dst(%dma_wait3A_92 : memref<128x128xf32, #tpu.memory_space<vmem>>)
        %add3A_99 = arith.constant 2 : i32
        %add3A_100 = arith.addi %scan3A_50, %add3A_99 : i32
        %min3A_101 = arith.constant 19 : i32
        %min3A_102 = arith.minsi %add3A_100, %min3A_101 : i32
        %dma_start3A_103 = arith.constant 256 : i32
        %dma_start3A_104 = arith.constant 0 : i32
        %dma_start3A_105 = tpu.memref_slice %arg9[%dma_start3A_103, %dma_start3A_104] : memref<512x128xf32, #tpu.memory_space<vmem>> -> memref<128x128xf32, #tpu.memory_space<vmem>>
        %dma_start3A_106 = arith.constant 0 : i32
        %dma_start3A_107 = tpu.memref_slice %arg8[%min3A_102, %dma_start3A_106] : memref<20x128xi32, #tpu.memory_space<vmem>> -> memref<1x128xi32, #tpu.memory_space<vmem>>
        %dma_start3A_108 = tpu.memref_squeeze %dma_start3A_107 : memref<1x128xi32, #tpu.memory_space<vmem>> -> memref<128xi32, #tpu.memory_space<vmem>>
        %dma_start3A_109 = arith.constant 0 : i32
        %dma_start3A_110 = arith.constant 0 : i32
        %dma_start3A_111 = tpu.memref_slice %arg2[%dma_start3A_109, %dma_start3A_110] : memref<1000000x128xf32, #tpu.memory_space<hbm>> -> memref<1000000x128xf32, #tpu.memory_space<hbm>>
        tpu.enqueue_indirect_dma source(%dma_start3A_111 : memref<1000000x128xf32, #tpu.memory_space<hbm>>) target(%dma_start3A_105 : memref<128x128xf32, #tpu.memory_space<vmem>>) offsets(%dma_start3A_108 : memref<128xi32, #tpu.memory_space<vmem>>) semaphore(%arg16 : memref<!tpu.dma_semaphore, #tpu.memory_space<semaphore_mem>>)
      } else {
      }
      %eq3A_64 = arith.constant 1 : i32
      %eq3A_65 = arith.cmpi eq, %select_n3A_60, %eq3A_64 : i32
      %convert_element_type3A_66 = arith.extui %eq3A_65 : i1 to i32
      %cond3A_67 = arith.constant 0 : i32
      %cond3A_68 = arith.cmpi ne, %convert_element_type3A_66, %cond3A_67 : i32
      scf.if %cond3A_68 {
        %dma_wait3A_89 = arith.constant 0 : i32
        %dma_wait3A_90 = arith.constant 128 : i32
        %dma_wait3A_91 = arith.constant 0 : i32
        %dma_wait3A_92 = tpu.memref_slice %arg9[%dma_wait3A_90, %dma_wait3A_91] : memref<512x128xf32, #tpu.memory_space<vmem>> -> memref<128x128xf32, #tpu.memory_space<vmem>>
        %dma_wait3A_93 = arith.constant 0 : i32
        %dma_wait3A_94 = tpu.memref_slice %arg8[%dma_wait3A_89, %dma_wait3A_93] : memref<20x128xi32, #tpu.memory_space<vmem>> -> memref<1x128xi32, #tpu.memory_space<vmem>>
        %dma_wait3A_95 = tpu.memref_squeeze %dma_wait3A_94 : memref<1x128xi32, #tpu.memory_space<vmem>> -> memref<128xi32, #tpu.memory_space<vmem>>
        %dma_wait3A_96 = arith.constant 0 : i32
        %dma_wait3A_97 = arith.constant 0 : i32
        %dma_wait3A_98 = tpu.memref_slice %arg2[%dma_wait3A_96, %dma_wait3A_97] : memref<1000000x128xf32, #tpu.memory_space<hbm>> -> memref<1000000x128xf32, #tpu.memory_space<hbm>>
        tpu.wait_indirect_dma semaphore(%arg15 : memref<!tpu.dma_semaphore, #tpu.memory_space<semaphore_mem>>) src(%dma_wait3A_98 : memref<1000000x128xf32, #tpu.memory_space<hbm>>) dst(%dma_wait3A_92 : memref<128x128xf32, #tpu.memory_space<vmem>>)
        %add3A_99 = arith.constant 2 : i32
        %add3A_100 = arith.addi %scan3A_50, %add3A_99 : i32
        %min3A_101 = arith.constant 19 : i32
        %min3A_102 = arith.minsi %add3A_100, %min3A_101 : i32
        %dma_start3A_103 = arith.constant 384 : i32
        %dma_start3A_104 = arith.constant 0 : i32
        %dma_start3A_105 = tpu.memref_slice %arg9[%dma_start3A_103, %dma_start3A_104] : memref<512x128xf32, #tpu.memory_space<vmem>> -> memref<128x128xf32, #tpu.memory_space<vmem>>
        %dma_start3A_106 = arith.constant 0 : i32
        %dma_start3A_107 = tpu.memref_slice %arg8[%min3A_102, %dma_start3A_106] : memref<20x128xi32, #tpu.memory_space<vmem>> -> memref<1x128xi32, #tpu.memory_space<vmem>>
        %dma_start3A_108 = tpu.memref_squeeze %dma_start3A_107 : memref<1x128xi32, #tpu.memory_space<vmem>> -> memref<128xi32, #tpu.memory_space<vmem>>
        %dma_start3A_109 = arith.constant 0 : i32
        %dma_start3A_110 = arith.constant 0 : i32
        %dma_start3A_111 = tpu.memref_slice %arg2[%dma_start3A_109, %dma_start3A_110] : memref<1000000x128xf32, #tpu.memory_space<hbm>> -> memref<1000000x128xf32, #tpu.memory_space<hbm>>
        tpu.enqueue_indirect_dma source(%dma_start3A_111 : memref<1000000x128xf32, #tpu.memory_space<hbm>>) target(%dma_start3A_105 : memref<128x128xf32, #tpu.memory_space<vmem>>) offsets(%dma_start3A_108 : memref<128xi32, #tpu.memory_space<vmem>>) semaphore(%arg17 : memref<!tpu.dma_semaphore, #tpu.memory_space<semaphore_mem>>)
      } else {
      }
      %eq3A_69 = arith.constant 2 : i32
      %eq3A_70 = arith.cmpi eq, %select_n3A_60, %eq3A_69 : i32
      %convert_element_type3A_71 = arith.extui %eq3A_70 : i1 to i32
      %cond3A_72 = arith.constant 0 : i32
      %cond3A_73 = arith.cmpi ne, %convert_element_type3A_71, %cond3A_72 : i32
      scf.if %cond3A_73 {
        %dma_wait3A_89 = arith.constant 0 : i32
        %dma_wait3A_90 = arith.constant 256 : i32
        %dma_wait3A_91 = arith.constant 0 : i32
        %dma_wait3A_92 = tpu.memref_slice %arg9[%dma_wait3A_90, %dma_wait3A_91] : memref<512x128xf32, #tpu.memory_space<vmem>> -> memref<128x128xf32, #tpu.memory_space<vmem>>
        %dma_wait3A_93 = arith.constant 0 : i32
        %dma_wait3A_94 = tpu.memref_slice %arg8[%dma_wait3A_89, %dma_wait3A_93] : memref<20x128xi32, #tpu.memory_space<vmem>> -> memref<1x128xi32, #tpu.memory_space<vmem>>
        %dma_wait3A_95 = tpu.memref_squeeze %dma_wait3A_94 : memref<1x128xi32, #tpu.memory_space<vmem>> -> memref<128xi32, #tpu.memory_space<vmem>>
        %dma_wait3A_96 = arith.constant 0 : i32
        %dma_wait3A_97 = arith.constant 0 : i32
        %dma_wait3A_98 = tpu.memref_slice %arg2[%dma_wait3A_96, %dma_wait3A_97] : memref<1000000x128xf32, #tpu.memory_space<hbm>> -> memref<1000000x128xf32, #tpu.memory_space<hbm>>
        tpu.wait_indirect_dma semaphore(%arg16 : memref<!tpu.dma_semaphore, #tpu.memory_space<semaphore_mem>>) src(%dma_wait3A_98 : memref<1000000x128xf32, #tpu.memory_space<hbm>>) dst(%dma_wait3A_92 : memref<128x128xf32, #tpu.memory_space<vmem>>)
        %add3A_99 = arith.constant 2 : i32
        %add3A_100 = arith.addi %scan3A_50, %add3A_99 : i32
        %min3A_101 = arith.constant 19 : i32
        %min3A_102 = arith.minsi %add3A_100, %min3A_101 : i32
        %dma_start3A_103 = arith.constant 0 : i32
        %dma_start3A_104 = arith.constant 0 : i32
        %dma_start3A_105 = tpu.memref_slice %arg9[%dma_start3A_103, %dma_start3A_104] : memref<512x128xf32, #tpu.memory_space<vmem>> -> memref<128x128xf32, #tpu.memory_space<vmem>>
        %dma_start3A_106 = arith.constant 0 : i32
        %dma_start3A_107 = tpu.memref_slice %arg8[%min3A_102, %dma_start3A_106] : memref<20x128xi32, #tpu.memory_space<vmem>> -> memref<1x128xi32, #tpu.memory_space<vmem>>
        %dma_start3A_108 = tpu.memref_squeeze %dma_start3A_107 : memref<1x128xi32, #tpu.memory_space<vmem>> -> memref<128xi32, #tpu.memory_space<vmem>>
        %dma_start3A_109 = arith.constant 0 : i32
        %dma_start3A_110 = arith.constant 0 : i32
        %dma_start3A_111 = tpu.memref_slice %arg2[%dma_start3A_109, %dma_start3A_110] : memref<1000000x128xf32, #tpu.memory_space<hbm>> -> memref<1000000x128xf32, #tpu.memory_space<hbm>>
        tpu.enqueue_indirect_dma source(%dma_start3A_111 : memref<1000000x128xf32, #tpu.memory_space<hbm>>) target(%dma_start3A_105 : memref<128x128xf32, #tpu.memory_space<vmem>>) offsets(%dma_start3A_108 : memref<128xi32, #tpu.memory_space<vmem>>) semaphore(%arg14 : memref<!tpu.dma_semaphore, #tpu.memory_space<semaphore_mem>>)
      } else {
      }
      %eq3A_74 = arith.constant 3 : i32
      %eq3A_75 = arith.cmpi eq, %select_n3A_60, %eq3A_74 : i32
      %convert_element_type3A_76 = arith.extui %eq3A_75 : i1 to i32
      %cond3A_77 = arith.constant 0 : i32
      %cond3A_78 = arith.cmpi ne, %convert_element_type3A_76, %cond3A_77 : i32
      scf.if %cond3A_78 {
        %dma_wait3A_89 = arith.constant 0 : i32
        %dma_wait3A_90 = arith.constant 384 : i32
        %dma_wait3A_91 = arith.constant 0 : i32
        %dma_wait3A_92 = tpu.memref_slice %arg9[%dma_wait3A_90, %dma_wait3A_91] : memref<512x128xf32, #tpu.memory_space<vmem>> -> memref<128x128xf32, #tpu.memory_space<vmem>>
        %dma_wait3A_93 = arith.constant 0 : i32
        %dma_wait3A_94 = tpu.memref_slice %arg8[%dma_wait3A_89, %dma_wait3A_93] : memref<20x128xi32, #tpu.memory_space<vmem>> -> memref<1x128xi32, #tpu.memory_space<vmem>>
        %dma_wait3A_95 = tpu.memref_squeeze %dma_wait3A_94 : memref<1x128xi32, #tpu.memory_space<vmem>> -> memref<128xi32, #tpu.memory_space<vmem>>
        %dma_wait3A_96 = arith.constant 0 : i32
        %dma_wait3A_97 = arith.constant 0 : i32
        %dma_wait3A_98 = tpu.memref_slice %arg2[%dma_wait3A_96, %dma_wait3A_97] : memref<1000000x128xf32, #tpu.memory_space<hbm>> -> memref<1000000x128xf32, #tpu.memory_space<hbm>>
        tpu.wait_indirect_dma semaphore(%arg17 : memref<!tpu.dma_semaphore, #tpu.memory_space<semaphore_mem>>) src(%dma_wait3A_98 : memref<1000000x128xf32, #tpu.memory_space<hbm>>) dst(%dma_wait3A_92 : memref<128x128xf32, #tpu.memory_space<vmem>>)
        %add3A_99 = arith.constant 2 : i32
        %add3A_100 = arith.addi %scan3A_50, %add3A_99 : i32
        %min3A_101 = arith.constant 19 : i32
        %min3A_102 = arith.minsi %add3A_100, %min3A_101 : i32
        %dma_start3A_103 = arith.constant 128 : i32
        %dma_start3A_104 = arith.constant 0 : i32
        %dma_start3A_105 = tpu.memref_slice %arg9[%dma_start3A_103, %dma_start3A_104] : memref<512x128xf32, #tpu.memory_space<vmem>> -> memref<128x128xf32, #tpu.memory_space<vmem>>
        %dma_start3A_106 = arith.constant 0 : i32
        %dma_start3A_107 = tpu.memref_slice %arg8[%min3A_102, %dma_start3A_106] : memref<20x128xi32, #tpu.memory_space<vmem>> -> memref<1x128xi32, #tpu.memory_space<vmem>>
        %dma_start3A_108 = tpu.memref_squeeze %dma_start3A_107 : memref<1x128xi32, #tpu.memory_space<vmem>> -> memref<128xi32, #tpu.memory_space<vmem>>
        %dma_start3A_109 = arith.constant 0 : i32
        %dma_start3A_110 = arith.constant 0 : i32
        %dma_start3A_111 = tpu.memref_slice %arg2[%dma_start3A_109, %dma_start3A_110] : memref<1000000x128xf32, #tpu.memory_space<hbm>> -> memref<1000000x128xf32, #tpu.memory_space<hbm>>
        tpu.enqueue_indirect_dma source(%dma_start3A_111 : memref<1000000x128xf32, #tpu.memory_space<hbm>>) target(%dma_start3A_105 : memref<128x128xf32, #tpu.memory_space<vmem>>) offsets(%dma_start3A_108 : memref<128xi32, #tpu.memory_space<vmem>>) semaphore(%arg15 : memref<!tpu.dma_semaphore, #tpu.memory_space<semaphore_mem>>)
      } else {
      }
      %mul3A_79 = arith.constant 128 : i32
      %mul3A_80 = arith.muli %select_n3A_60, %mul3A_79 : i32
      %scan3A_81 = arith.constant 0 : i32
      %scan3A_82 = arith.constant 0 : i32
      %scan3A_83 = arith.constant 8 : i32
      %scan3A_84 = arith.addi %scan3A_82, %scan3A_83 : i32
      %scan3A_85 = arith.constant 1 : i32
      %scan3A_86 = scf.for %scan3A_89 = %scan3A_82 to %scan3A_84 step %scan3A_85 iter_args(%scan3A_90 = %scan3A_81) -> (i32)  : i32 {
        %mul3A_91 = arith.constant 128 : i32
        %mul3A_92 = arith.muli %scan3A_50, %mul3A_91 : i32
        %mul3A_93 = arith.constant 16 : i32
        %mul3A_94 = arith.muli %scan3A_89, %mul3A_93 : i32
        %add3A_95 = arith.addi %mul3A_92, %mul3A_94 : i32
        %jit3A_96 = arith.constant 20 : i32
        %div3A = arith.divsi %add3A_95, %jit3A_96 : i32
        %sign3A = arith.constant 0 : i32
        %sign3A_97 = arith.cmpi sgt, %add3A_95, %sign3A : i32
        %sign3A_98 = arith.extui %sign3A_97 : i1 to i32
        %sign3A_99 = arith.constant 0 : i32
        %sign3A_100 = arith.cmpi slt, %add3A_95, %sign3A_99 : i32
        %sign3A_101 = arith.extui %sign3A_100 : i1 to i32
        %sign3A_102 = arith.subi %sign3A_98, %sign3A_101 : i32
        %sign3A_103 = arith.constant 0 : i32
        %sign3A_104 = arith.cmpi sgt, %jit3A_96, %sign3A_103 : i32
        %sign3A_105 = arith.extui %sign3A_104 : i1 to i32
        %sign3A_106 = arith.constant 0 : i32
        %sign3A_107 = arith.cmpi slt, %jit3A_96, %sign3A_106 : i32
        %sign3A_108 = arith.extui %sign3A_107 : i1 to i32
        %sign3A_109 = arith.subi %sign3A_105, %sign3A_108 : i32
        %ne3A_110 = arith.cmpi ne, %sign3A_102, %sign3A_109 : i32
        %rem3A_111 = arith.remsi %add3A_95, %jit3A_96 : i32
        %ne3A_112 = arith.constant 0 : i32
        %ne3A_113 = arith.cmpi ne, %rem3A_111, %ne3A_112 : i32
        %and3A_114 = arith.andi %ne3A_110, %ne3A_113 : i1
        %sub3A = arith.constant 1 : i32
        %sub3A_115 = arith.subi %div3A, %sub3A : i32
        %select_n3A_116 = arith.select %and3A_114, %sub3A_115, %div3A : i32
        %add3A_117 = arith.constant 15 : i32
        %add3A_118 = arith.addi %add3A_95, %add3A_117 : i32
        %jit3A_119 = arith.constant 20 : i32
        %div3A_120 = arith.divsi %add3A_118, %jit3A_119 : i32
        %sign3A_121 = arith.constant 0 : i32
        %sign3A_122 = arith.cmpi sgt, %add3A_118, %sign3A_121 : i32
        %sign3A_123 = arith.extui %sign3A_122 : i1 to i32
        %sign3A_124 = arith.constant 0 : i32
        %sign3A_125 = arith.cmpi slt, %add3A_118, %sign3A_124 : i32
        %sign3A_126 = arith.extui %sign3A_125 : i1 to i32
        %sign3A_127 = arith.subi %sign3A_123, %sign3A_126 : i32
        %sign3A_128 = arith.constant 0 : i32
        %sign3A_129 = arith.cmpi sgt, %jit3A_119, %sign3A_128 : i32
        %sign3A_130 = arith.extui %sign3A_129 : i1 to i32
        %sign3A_131 = arith.constant 0 : i32
        %sign3A_132 = arith.cmpi slt, %jit3A_119, %sign3A_131 : i32
        %sign3A_133 = arith.extui %sign3A_132 : i1 to i32
        %sign3A_134 = arith.subi %sign3A_130, %sign3A_133 : i32
        %ne3A_135 = arith.cmpi ne, %sign3A_127, %sign3A_134 : i32
        %rem3A_136 = arith.remsi %add3A_118, %jit3A_119 : i32
        %ne3A_137 = arith.constant 0 : i32
        %ne3A_138 = arith.cmpi ne, %rem3A_136, %ne3A_137 : i32
        %and3A_139 = arith.andi %ne3A_135, %ne3A_138 : i1
        %sub3A_140 = arith.constant 1 : i32
        %sub3A_141 = arith.subi %div3A_120, %sub3A_140 : i32
        %select_n3A_142 = arith.select %and3A_139, %sub3A_141, %div3A_120 : i32
        %mul3A_143 = arith.constant 20 : i32
        %mul3A_144 = arith.muli %select_n3A_116, %mul3A_143 : i32
        %sub3A_145 = arith.subi %add3A_95, %mul3A_144 : i32
        %mul3A_146 = arith.constant 20 : i32
        %mul3A_147 = arith.muli %select_n3A_142, %mul3A_146 : i32
        %sub3A_148 = arith.subi %mul3A_147, %add3A_95 : i32
        %get3A = arith.index_cast %select_n3A_116 : i32 to index
        %get3A_149 = arith.constant 0 : index
        %get3A_150 = tpu.vector_load %arg10[%get3A, %get3A_149] {strides = array<i32>} : memref<128x128xf32, #tpu.memory_space<vmem>>, vector<1x16xf32>,
        %get3A_151 = vector.shape_cast %get3A_150 : vector<1x16xf32> to vector<16xf32>
        %get3A_152 = arith.index_cast %select_n3A_116 : i32 to index
        %get3A_153 = arith.constant 16 : index
        %get3A_154 = tpu.vector_load %arg10[%get3A_152, %get3A_153] {strides = array<i32>} : memref<128x128xf32, #tpu.memory_space<vmem>>, vector<1x16xf32>,
        %get3A_155 = vector.shape_cast %get3A_154 : vector<1x16xf32> to vector<16xf32>
        %get3A_156 = arith.index_cast %select_n3A_116 : i32 to index
        %get3A_157 = arith.constant 32 : index
        %get3A_158 = tpu.vector_load %arg10[%get3A_156, %get3A_157] {strides = array<i32>} : memref<128x128xf32, #tpu.memory_space<vmem>>, vector<1x16xf32>,
        %get3A_159 = vector.shape_cast %get3A_158 : vector<1x16xf32> to vector<16xf32>
        %get3A_160 = arith.index_cast %select_n3A_116 : i32 to index
        %get3A_161 = arith.constant 48 : index
        %get3A_162 = tpu.vector_load %arg10[%get3A_160, %get3A_161] {strides = array<i32>} : memref<128x128xf32, #tpu.memory_space<vmem>>, vector<1x16xf32>,
        %get3A_163 = vector.shape_cast %get3A_162 : vector<1x16xf32> to vector<16xf32>
        %get3A_164 = arith.index_cast %select_n3A_116 : i32 to index
        %get3A_165 = arith.constant 64 : index
        %get3A_166 = tpu.vector_load %arg10[%get3A_164, %get3A_165] {strides = array<i32>} : memref<128x128xf32, #tpu.memory_space<vmem>>, vector<1x16xf32>,
        %get3A_167 = vector.shape_cast %get3A_166 : vector<1x16xf32> to vector<16xf32>
        %get3A_168 = arith.index_cast %select_n3A_116 : i32 to index
        %get3A_169 = arith.constant 80 : index
        %get3A_170 = tpu.vector_load %arg10[%get3A_168, %get3A_169] {strides = array<i32>} : memref<128x128xf32, #tpu.memory_space<vmem>>, vector<1x16xf32>,
        %get3A_171 = vector.shape_cast %get3A_170 : vector<1x16xf32> to vector<16xf32>
        %get3A_172 = arith.index_cast %select_n3A_116 : i32 to index
        %get3A_173 = arith.constant 96 : index
        %get3A_174 = tpu.vector_load %arg10[%get3A_172, %get3A_173] {strides = array<i32>} : memref<128x128xf32, #tpu.memory_space<vmem>>, vector<1x16xf32>,
        %get3A_175 = vector.shape_cast %get3A_174 : vector<1x16xf32> to vector<16xf32>
        %get3A_176 = arith.index_cast %select_n3A_116 : i32 to index
        %get3A_177 = arith.constant 112 : index
        %get3A_178 = tpu.vector_load %arg10[%get3A_176, %get3A_177] {strides = array<i32>} : memref<128x128xf32, #tpu.memory_space<vmem>>, vector<1x16xf32>,
        %get3A_179 = vector.shape_cast %get3A_178 : vector<1x16xf32> to vector<16xf32>
        %get3A_180 = arith.index_cast %select_n3A_142 : i32 to index
        %get3A_181 = arith.constant 0 : index
        %get3A_182 = tpu.vector_load %arg10[%get3A_180, %get3A_181] {strides = array<i32>} : memref<128x128xf32, #tpu.memory_space<vmem>>, vector<1x16xf32>,
        %get3A_183 = vector.shape_cast %get3A_182 : vector<1x16xf32> to vector<16xf32>
        %get3A_184 = arith.index_cast %select_n3A_142 : i32 to index
        %get3A_185 = arith.constant 16 : index
        %get3A_186 = tpu.vector_load %arg10[%get3A_184, %get3A_185] {strides = array<i32>} : memref<128x128xf32, #tpu.memory_space<vmem>>, vector<1x16xf32>,
        %get3A_187 = vector.shape_cast %get3A_186 : vector<1x16xf32> to vector<16xf32>
        %get3A_188 = arith.index_cast %select_n3A_142 : i32 to index
        %get3A_189 = arith.constant 32 : index
        %get3A_190 = tpu.vector_load %arg10[%get3A_188, %get3A_189] {strides = array<i32>} : memref<128x128xf32, #tpu.memory_space<vmem>>, vector<1x16xf32>,
        %get3A_191 = vector.shape_cast %get3A_190 : vector<1x16xf32> to vector<16xf32>
        %get3A_192 = arith.index_cast %select_n3A_142 : i32 to index
        %get3A_193 = arith.constant 48 : index
        %get3A_194 = tpu.vector_load %arg10[%get3A_192, %get3A_193] {strides = array<i32>} : memref<128x128xf32, #tpu.memory_space<vmem>>, vector<1x16xf32>,
        %get3A_195 = vector.shape_cast %get3A_194 : vector<1x16xf32> to vector<16xf32>
        %get3A_196 = arith.index_cast %select_n3A_142 : i32 to index
        %get3A_197 = arith.constant 64 : index
        %get3A_198 = tpu.vector_load %arg10[%get3A_196, %get3A_197] {strides = array<i32>} : memref<128x128xf32, #tpu.memory_space<vmem>>, vector<1x16xf32>,
        %get3A_199 = vector.shape_cast %get3A_198 : vector<1x16xf32> to vector<16xf32>
        %get3A_200 = arith.index_cast %select_n3A_142 : i32 to index
        %get3A_201 = arith.constant 80 : index
        %get3A_202 = tpu.vector_load %arg10[%get3A_200, %get3A_201] {strides = array<i32>} : memref<128x128xf32, #tpu.memory_space<vmem>>, vector<1x16xf32>,
        %get3A_203 = vector.shape_cast %get3A_202 : vector<1x16xf32> to vector<16xf32>
        %get3A_204 = arith.index_cast %select_n3A_142 : i32 to index
        %get3A_205 = arith.constant 96 : index
        %get3A_206 = tpu.vector_load %arg10[%get3A_204, %get3A_205] {strides = array<i32>} : memref<128x128xf32, #tpu.memory_space<vmem>>, vector<1x16xf32>,
        %get3A_207 = vector.shape_cast %get3A_206 : vector<1x16xf32> to vector<16xf32>
        %get3A_208 = arith.index_cast %select_n3A_142 : i32 to index
        %get3A_209 = arith.constant 112 : index
        %get3A_210 = tpu.vector_load %arg10[%get3A_208, %get3A_209] {strides = array<i32>} : memref<128x128xf32, #tpu.memory_space<vmem>>, vector<1x16xf32>,
        %get3A_211 = vector.shape_cast %get3A_210 : vector<1x16xf32> to vector<16xf32>
        %broadcast_in_dim3A = arith.constant 0.000000e+00 : f32
        %broadcast_in_dim3A_212 = vector.broadcast %broadcast_in_dim3A : f32 to vector<16xf32>
        %mul3A_213 = arith.constant 16 : i32
        %mul3A_214 = arith.muli %scan3A_89, %mul3A_213 : i32
        %add3A_215 = arith.constant 0 : i32
        %add3A_216 = arith.addi %mul3A_214, %add3A_215 : i32
        %gt3A = arith.constant 0 : i32
        %gt3A_217 = arith.cmpi sgt, %sub3A_148, %gt3A : i32
        %select_n3A_218 = arith.select %gt3A_217, %get3A_151, %get3A_183 : vector<16xf32>
        %add3A_219 = arith.addi %mul3A_80, %add3A_216 : i32
        %get3A_220 = arith.index_cast %add3A_219 : i32 to index
        %get3A_221 = arith.constant 0 : index
        %get3A_222 = tpu.vector_load %arg9[%get3A_220, %get3A_221] {strides = array<i32>} : memref<512x128xf32, #tpu.memory_space<vmem>>, vector<1x16xf32>,
        %get3A_223 = vector.shape_cast %get3A_222 : vector<1x16xf32> to vector<16xf32>
        %mul3A_224 = arith.mulf %get3A_223, %select_n3A_218 : vector<16xf32>
        %select_n3A_225 = arith.select %gt3A_217, %get3A_155, %get3A_187 : vector<16xf32>
        %add3A_226 = arith.addi %mul3A_80, %add3A_216 : i32
        %get3A_227 = arith.index_cast %add3A_226 : i32 to index
        %get3A_228 = arith.constant 16 : index
        %get3A_229 = tpu.vector_load %arg9[%get3A_227, %get3A_228] {strides = array<i32>} : memref<512x128xf32, #tpu.memory_space<vmem>>, vector<1x16xf32>,
        %get3A_230 = vector.shape_cast %get3A_229 : vector<1x16xf32> to vector<16xf32>
        %mul3A_231 = arith.mulf %get3A_230, %select_n3A_225 : vector<16xf32>
        %add3A_232 = arith.addf %mul3A_224, %mul3A_231 : vector<16xf32>
        %select_n3A_233 = arith.select %gt3A_217, %get3A_159, %get3A_191 : vector<16xf32>
        %add3A_234 = arith.addi %mul3A_80, %add3A_216 : i32
        %get3A_235 = arith.index_cast %add3A_234 : i32 to index
        %get3A_236 = arith.constant 32 : index
        %get3A_237 = tpu.vector_load %arg9[%get3A_235, %get3A_236] {strides = array<i32>} : memref<512x128xf32, #tpu.memory_space<vmem>>, vector<1x16xf32>,
        %get3A_238 = vector.shape_cast %get3A_237 : vector<1x16xf32> to vector<16xf32>
        %mul3A_239 = arith.mulf %get3A_238, %select_n3A_233 : vector<16xf32>
        %add3A_240 = arith.addf %add3A_232, %mul3A_239 : vector<16xf32>
        %select_n3A_241 = arith.select %gt3A_217, %get3A_163, %get3A_195 : vector<16xf32>
        %add3A_242 = arith.addi %mul3A_80, %add3A_216 : i32
        %get3A_243 = arith.index_cast %add3A_242 : i32 to index
        %get3A_244 = arith.constant 48 : index
        %get3A_245 = tpu.vector_load %arg9[%get3A_243, %get3A_244] {strides = array<i32>} : memref<512x128xf32, #tpu.memory_space<vmem>>, vector<1x16xf32>,
        %get3A_246 = vector.shape_cast %get3A_245 : vector<1x16xf32> to vector<16xf32>
        %mul3A_247 = arith.mulf %get3A_246, %select_n3A_241 : vector<16xf32>
        %add3A_248 = arith.addf %add3A_240, %mul3A_247 : vector<16xf32>
        %select_n3A_249 = arith.select %gt3A_217, %get3A_167, %get3A_199 : vector<16xf32>
        %add3A_250 = arith.addi %mul3A_80, %add3A_216 : i32
        %get3A_251 = arith.index_cast %add3A_250 : i32 to index
        %get3A_252 = arith.constant 64 : index
        %get3A_253 = tpu.vector_load %arg9[%get3A_251, %get3A_252] {strides = array<i32>} : memref<512x128xf32, #tpu.memory_space<vmem>>, vector<1x16xf32>,
        %get3A_254 = vector.shape_cast %get3A_253 : vector<1x16xf32> to vector<16xf32>
        %mul3A_255 = arith.mulf %get3A_254, %select_n3A_249 : vector<16xf32>
        %add3A_256 = arith.addf %add3A_248, %mul3A_255 : vector<16xf32>
        %select_n3A_257 = arith.select %gt3A_217, %get3A_171, %get3A_203 : vector<16xf32>
        %add3A_258 = arith.addi %mul3A_80, %add3A_216 : i32
        %get3A_259 = arith.index_cast %add3A_258 : i32 to index
        %get3A_260 = arith.constant 80 : index
        %get3A_261 = tpu.vector_load %arg9[%get3A_259, %get3A_260] {strides = array<i32>} : memref<512x128xf32, #tpu.memory_space<vmem>>, vector<1x16xf32>,
        %get3A_262 = vector.shape_cast %get3A_261 : vector<1x16xf32> to vector<16xf32>
        %mul3A_263 = arith.mulf %get3A_262, %select_n3A_257 : vector<16xf32>
        %add3A_264 = arith.addf %add3A_256, %mul3A_263 : vector<16xf32>
        %select_n3A_265 = arith.select %gt3A_217, %get3A_175, %get3A_207 : vector<16xf32>
        %add3A_266 = arith.addi %mul3A_80, %add3A_216 : i32
        %get3A_267 = arith.index_cast %add3A_266 : i32 to index
        %get3A_268 = arith.constant 96 : index
        %get3A_269 = tpu.vector_load %arg9[%get3A_267, %get3A_268] {strides = array<i32>} : memref<512x128xf32, #tpu.memory_space<vmem>>, vector<1x16xf32>,
        %get3A_270 = vector.shape_cast %get3A_269 : vector<1x16xf32> to vector<16xf32>
        %mul3A_271 = arith.mulf %get3A_270, %select_n3A_265 : vector<16xf32>
        %add3A_272 = arith.addf %add3A_264, %mul3A_271 : vector<16xf32>
        %select_n3A_273 = arith.select %gt3A_217, %get3A_179, %get3A_211 : vector<16xf32>
        %add3A_274 = arith.addi %mul3A_80, %add3A_216 : i32
        %get3A_275 = arith.index_cast %add3A_274 : i32 to index
        %get3A_276 = arith.constant 112 : index
        %get3A_277 = tpu.vector_load %arg9[%get3A_275, %get3A_276] {strides = array<i32>} : memref<512x128xf32, #tpu.memory_space<vmem>>, vector<1x16xf32>,
        %get3A_278 = vector.shape_cast %get3A_277 : vector<1x16xf32> to vector<16xf32>
        %mul3A_279 = arith.mulf %get3A_278, %select_n3A_273 : vector<16xf32>
        %add3A_280 = arith.addf %add3A_272, %mul3A_279 : vector<16xf32>
        %xor3A = arith.constant 8 : i32
        %xor3A_281 = vector.broadcast %xor3A : i32 to vector<16xi32>
        %xor3A_282 = arith.xori %iota3A, %xor3A_281 : vector<16xi32>
        %broadcast_in_dim3A_283 = vector.shape_cast %xor3A_282 : vector<16xi32> to vector<16x1xi32>
        %gather3A = vector.shape_cast %broadcast_in_dim3A_283 : vector<16x1xi32> to vector<16xi32>
        %gather3A_284 = tpu.dynamic_gather %add3A_280[%gather3A] in [0] : vector<16xf32>, vector<16xi32> -> vector<16xf32>
        %add3A_285 = arith.addf %add3A_280, %gather3A_284 : vector<16xf32>
        %xor3A_286 = arith.constant 4 : i32
        %xor3A_287 = vector.broadcast %xor3A_286 : i32 to vector<16xi32>
        %xor3A_288 = arith.xori %iota3A, %xor3A_287 : vector<16xi32>
        %broadcast_in_dim3A_289 = vector.shape_cast %xor3A_288 : vector<16xi32> to vector<16x1xi32>
        %gather3A_290 = vector.shape_cast %broadcast_in_dim3A_289 : vector<16x1xi32> to vector<16xi32>
        %gather3A_291 = tpu.dynamic_gather %add3A_285[%gather3A_290] in [0] : vector<16xf32>, vector<16xi32> -> vector<16xf32>
        %add3A_292 = arith.addf %add3A_285, %gather3A_291 : vector<16xf32>
        %xor3A_293 = arith.constant 2 : i32
        %xor3A_294 = vector.broadcast %xor3A_293 : i32 to vector<16xi32>
        %xor3A_295 = arith.xori %iota3A, %xor3A_294 : vector<16xi32>
        %broadcast_in_dim3A_296 = vector.shape_cast %xor3A_295 : vector<16xi32> to vector<16x1xi32>
        %gather3A_297 = vector.shape_cast %broadcast_in_dim3A_296 : vector<16x1xi32> to vector<16xi32>
        %gather3A_298 = tpu.dynamic_gather %add3A_292[%gather3A_297] in [0] : vector<16xf32>, vector<16xi32> -> vector<16xf32>
        %add3A_299 = arith.addf %add3A_292, %gather3A_298 : vector<16xf32>
        %xor3A_300 = arith.constant 1 : i32
        %xor3A_301 = vector.broadcast %xor3A_300 : i32 to vector<16xi32>
        %xor3A_302 = arith.xori %iota3A, %xor3A_301 : vector<16xi32>
        %broadcast_in_dim3A_303 = vector.shape_cast %xor3A_302 : vector<16xi32> to vector<16x1xi32>
        %gather3A_304 = vector.shape_cast %broadcast_in_dim3A_303 : vector<16x1xi32> to vector<16xi32>
        %gather3A_305 = tpu.dynamic_gather %add3A_299[%gather3A_304] in [0] : vector<16xf32>, vector<16xi32> -> vector<16xf32>
        %add3A_306 = arith.addf %add3A_299, %gather3A_305 : vector<16xf32>
        %eq3A_307 = arith.constant 0 : i32
        %eq3A_308 = vector.broadcast %eq3A_307 : i32 to vector<16xi32>
        %eq3A_309 = arith.cmpi eq, %iota3A, %eq3A_308 : vector<16xi32>
        %select_n3A_310 = arith.select %eq3A_309, %add3A_306, %broadcast_in_dim3A_212 : vector<16xi1>, vector<16xf32>
        %mul3A_311 = arith.constant 16 : i32
        %mul3A_312 = arith.muli %scan3A_89, %mul3A_311 : i32
        %add3A_313 = arith.constant 1 : i32
        %add3A_314 = arith.addi %mul3A_312, %add3A_313 : i32
        %gt3A_315 = arith.constant 1 : i32
        %gt3A_316 = arith.cmpi sgt, %sub3A_148, %gt3A_315 : i32
        %select_n3A_317 = arith.select %gt3A_316, %get3A_151, %get3A_183 : vector<16xf32>
        %add3A_318 = arith.addi %mul3A_80, %add3A_314 : i32
        %get3A_319 = arith.index_cast %add3A_318 : i32 to index
        %get3A_320 = arith.constant 0 : index
        %get3A_321 = tpu.vector_load %arg9[%get3A_319, %get3A_320] {strides = array<i32>} : memref<512x128xf32, #tpu.memory_space<vmem>>, vector<1x16xf32>,
        %get3A_322 = vector.shape_cast %get3A_321 : vector<1x16xf32> to vector<16xf32>
        %mul3A_323 = arith.mulf %get3A_322, %select_n3A_317 : vector<16xf32>
        %select_n3A_324 = arith.select %gt3A_316, %get3A_155, %get3A_187 : vector<16xf32>
        %add3A_325 = arith.addi %mul3A_80, %add3A_314 : i32
        %get3A_326 = arith.index_cast %add3A_325 : i32 to index
        %get3A_327 = arith.constant 16 : index
        %get3A_328 = tpu.vector_load %arg9[%get3A_326, %get3A_327] {strides = array<i32>} : memref<512x128xf32, #tpu.memory_space<vmem>>, vector<1x16xf32>,
        %get3A_329 = vector.shape_cast %get3A_328 : vector<1x16xf32> to vector<16xf32>
        %mul3A_330 = arith.mulf %get3A_329, %select_n3A_324 : vector<16xf32>
        %add3A_331 = arith.addf %mul3A_323, %mul3A_330 : vector<16xf32>
        %select_n3A_332 = arith.select %gt3A_316, %get3A_159, %get3A_191 : vector<16xf32>
        %add3A_333 = arith.addi %mul3A_80, %add3A_314 : i32
        %get3A_334 = arith.index_cast %add3A_333 : i32 to index
        %get3A_335 = arith.constant 32 : index
        %get3A_336 = tpu.vector_load %arg9[%get3A_334, %get3A_335] {strides = array<i32>} : memref<512x128xf32, #tpu.memory_space<vmem>>, vector<1x16xf32>,
        %get3A_337 = vector.shape_cast %get3A_336 : vector<1x16xf32> to vector<16xf32>
        %mul3A_338 = arith.mulf %get3A_337, %select_n3A_332 : vector<16xf32>
        %add3A_339 = arith.addf %add3A_331, %mul3A_338 : vector<16xf32>
        %select_n3A_340 = arith.select %gt3A_316, %get3A_163, %get3A_195 : vector<16xf32>
        %add3A_341 = arith.addi %mul3A_80, %add3A_314 : i32
        %get3A_342 = arith.index_cast %add3A_341 : i32 to index
        %get3A_343 = arith.constant 48 : index
        %get3A_344 = tpu.vector_load %arg9[%get3A_342, %get3A_343] {strides = array<i32>} : memref<512x128xf32, #tpu.memory_space<vmem>>, vector<1x16xf32>,
        %get3A_345 = vector.shape_cast %get3A_344 : vector<1x16xf32> to vector<16xf32>
        %mul3A_346 = arith.mulf %get3A_345, %select_n3A_340 : vector<16xf32>
        %add3A_347 = arith.addf %add3A_339, %mul3A_346 : vector<16xf32>
        %select_n3A_348 = arith.select %gt3A_316, %get3A_167, %get3A_199 : vector<16xf32>
        %add3A_349 = arith.addi %mul3A_80, %add3A_314 : i32
        %get3A_350 = arith.index_cast %add3A_349 : i32 to index
        %get3A_351 = arith.constant 64 : index
        %get3A_352 = tpu.vector_load %arg9[%get3A_350, %get3A_351] {strides = array<i32>} : memref<512x128xf32, #tpu.memory_space<vmem>>, vector<1x16xf32>,
        %get3A_353 = vector.shape_cast %get3A_352 : vector<1x16xf32> to vector<16xf32>
        %mul3A_354 = arith.mulf %get3A_353, %select_n3A_348 : vector<16xf32>
        %add3A_355 = arith.addf %add3A_347, %mul3A_354 : vector<16xf32>
        %select_n3A_356 = arith.select %gt3A_316, %get3A_171, %get3A_203 : vector<16xf32>
        %add3A_357 = arith.addi %mul3A_80, %add3A_314 : i32
        %get3A_358 = arith.index_cast %add3A_357 : i32 to index
        %get3A_359 = arith.constant 80 : index
        %get3A_360 = tpu.vector_load %arg9[%get3A_358, %get3A_359] {strides = array<i32>} : memref<512x128xf32, #tpu.memory_space<vmem>>, vector<1x16xf32>,
        %get3A_361 = vector.shape_cast %get3A_360 : vector<1x16xf32> to vector<16xf32>
        %mul3A_362 = arith.mulf %get3A_361, %select_n3A_356 : vector<16xf32>
        %add3A_363 = arith.addf %add3A_355, %mul3A_362 : vector<16xf32>
        %select_n3A_364 = arith.select %gt3A_316, %get3A_175, %get3A_207 : vector<16xf32>
        %add3A_365 = arith.addi %mul3A_80, %add3A_314 : i32
        %get3A_366 = arith.index_cast %add3A_365 : i32 to index
        %get3A_367 = arith.constant 96 : index
        %get3A_368 = tpu.vector_load %arg9[%get3A_366, %get3A_367] {strides = array<i32>} : memref<512x128xf32, #tpu.memory_space<vmem>>, vector<1x16xf32>,
        %get3A_369 = vector.shape_cast %get3A_368 : vector<1x16xf32> to vector<16xf32>
        %mul3A_370 = arith.mulf %get3A_369, %select_n3A_364 : vector<16xf32>
        %add3A_371 = arith.addf %add3A_363, %mul3A_370 : vector<16xf32>
        %select_n3A_372 = arith.select %gt3A_316, %get3A_179, %get3A_211 : vector<16xf32>
        %add3A_373 = arith.addi %mul3A_80, %add3A_314 : i32
        %get3A_374 = arith.index_cast %add3A_373 : i32 to index
        %get3A_375 = arith.constant 112 : index
        %get3A_376 = tpu.vector_load %arg9[%get3A_374, %get3A_375] {strides = array<i32>} : memref<512x128xf32, #tpu.memory_space<vmem>>, vector<1x16xf32>,
        %get3A_377 = vector.shape_cast %get3A_376 : vector<1x16xf32> to vector<16xf32>
        %mul3A_378 = arith.mulf %get3A_377, %select_n3A_372 : vector<16xf32>
        %add3A_379 = arith.addf %add3A_371, %mul3A_378 : vector<16xf32>
        %xor3A_380 = arith.constant 8 : i32
        %xor3A_381 = vector.broadcast %xor3A_380 : i32 to vector<16xi32>
        %xor3A_382 = arith.xori %iota3A, %xor3A_381 : vector<16xi32>
        %broadcast_in_dim3A_383 = vector.shape_cast %xor3A_382 : vector<16xi32> to vector<16x1xi32>
        %gather3A_384 = vector.shape_cast %broadcast_in_dim3A_383 : vector<16x1xi32> to vector<16xi32>
        %gather3A_385 = tpu.dynamic_gather %add3A_379[%gather3A_384] in [0] : vector<16xf32>, vector<16xi32> -> vector<16xf32>
        %add3A_386 = arith.addf %add3A_379, %gather3A_385 : vector<16xf32>
        %xor3A_387 = arith.constant 4 : i32
        %xor3A_388 = vector.broadcast %xor3A_387 : i32 to vector<16xi32>
        %xor3A_389 = arith.xori %iota3A, %xor3A_388 : vector<16xi32>
        %broadcast_in_dim3A_390 = vector.shape_cast %xor3A_389 : vector<16xi32> to vector<16x1xi32>
        %gather3A_391 = vector.shape_cast %broadcast_in_dim3A_390 : vector<16x1xi32> to vector<16xi32>
        %gather3A_392 = tpu.dynamic_gather %add3A_386[%gather3A_391] in [0] : vector<16xf32>, vector<16xi32> -> vector<16xf32>
        %add3A_393 = arith.addf %add3A_386, %gather3A_392 : vector<16xf32>
        %xor3A_394 = arith.constant 2 : i32
        %xor3A_395 = vector.broadcast %xor3A_394 : i32 to vector<16xi32>
        %xor3A_396 = arith.xori %iota3A, %xor3A_395 : vector<16xi32>
        %broadcast_in_dim3A_397 = vector.shape_cast %xor3A_396 : vector<16xi32> to vector<16x1xi32>
        %gather3A_398 = vector.shape_cast %broadcast_in_dim3A_397 : vector<16x1xi32> to vector<16xi32>
        %gather3A_399 = tpu.dynamic_gather %add3A_393[%gather3A_398] in [0] : vector<16xf32>, vector<16xi32> -> vector<16xf32>
        %add3A_400 = arith.addf %add3A_393, %gather3A_399 : vector<16xf32>
        %xor3A_401 = arith.constant 1 : i32
        %xor3A_402 = vector.broadcast %xor3A_401 : i32 to vector<16xi32>
        %xor3A_403 = arith.xori %iota3A, %xor3A_402 : vector<16xi32>
        %broadcast_in_dim3A_404 = vector.shape_cast %xor3A_403 : vector<16xi32> to vector<16x1xi32>
        %gather3A_405 = vector.shape_cast %broadcast_in_dim3A_404 : vector<16x1xi32> to vector<16xi32>
        %gather3A_406 = tpu.dynamic_gather %add3A_400[%gather3A_405] in [0] : vector<16xf32>, vector<16xi32> -> vector<16xf32>
        %add3A_407 = arith.addf %add3A_400, %gather3A_406 : vector<16xf32>
        %eq3A_408 = arith.constant 1 : i32
        %eq3A_409 = vector.broadcast %eq3A_408 : i32 to vector<16xi32>
        %eq3A_410 = arith.cmpi eq, %iota3A, %eq3A_409 : vector<16xi32>
        %select_n3A_411 = arith.select %eq3A_410, %add3A_407, %select_n3A_310 : vector<16xi1>, vector<16xf32>
        %mul3A_412 = arith.constant 16 : i32
        %mul3A_413 = arith.muli %scan3A_89, %mul3A_412 : i32
        %add3A_414 = arith.constant 2 : i32
        %add3A_415 = arith.addi %mul3A_413, %add3A_414 : i32
        %gt3A_416 = arith.constant 2 : i32
        %gt3A_417 = arith.cmpi sgt, %sub3A_148, %gt3A_416 : i32
        %select_n3A_418 = arith.select %gt3A_417, %get3A_151, %get3A_183 : vector<16xf32>
        %add3A_419 = arith.addi %mul3A_80, %add3A_415 : i32
        %get3A_420 = arith.index_cast %add3A_419 : i32 to index
        %get3A_421 = arith.constant 0 : index
        %get3A_422 = tpu.vector_load %arg9[%get3A_420, %get3A_421] {strides = array<i32>} : memref<512x128xf32, #tpu.memory_space<vmem>>, vector<1x16xf32>,
        %get3A_423 = vector.shape_cast %get3A_422 : vector<1x16xf32> to vector<16xf32>
        %mul3A_424 = arith.mulf %get3A_423, %select_n3A_418 : vector<16xf32>
        %select_n3A_425 = arith.select %gt3A_417, %get3A_155, %get3A_187 : vector<16xf32>
        %add3A_426 = arith.addi %mul3A_80, %add3A_415 : i32
        %get3A_427 = arith.index_cast %add3A_426 : i32 to index
        %get3A_428 = arith.constant 16 : index
        %get3A_429 = tpu.vector_load %arg9[%get3A_427, %get3A_428] {strides = array<i32>} : memref<512x128xf32, #tpu.memory_space<vmem>>, vector<1x16xf32>,
        %get3A_430 = vector.shape_cast %get3A_429 : vector<1x16xf32> to vector<16xf32>
        %mul3A_431 = arith.mulf %get3A_430, %select_n3A_425 : vector<16xf32>
        %add3A_432 = arith.addf %mul3A_424, %mul3A_431 : vector<16xf32>
        %select_n3A_433 = arith.select %gt3A_417, %get3A_159, %get3A_191 : vector<16xf32>
        %add3A_434 = arith.addi %mul3A_80, %add3A_415 : i32
        %get3A_435 = arith.index_cast %add3A_434 : i32 to index
        %get3A_436 = arith.constant 32 : index
        %get3A_437 = tpu.vector_load %arg9[%get3A_435, %get3A_436] {strides = array<i32>} : memref<512x128xf32, #tpu.memory_space<vmem>>, vector<1x16xf32>,
        %get3A_438 = vector.shape_cast %get3A_437 : vector<1x16xf32> to vector<16xf32>
        %mul3A_439 = arith.mulf %get3A_438, %select_n3A_433 : vector<16xf32>
        %add3A_440 = arith.addf %add3A_432, %mul3A_439 : vector<16xf32>
        %select_n3A_441 = arith.select %gt3A_417, %get3A_163, %get3A_195 : vector<16xf32>
        %add3A_442 = arith.addi %mul3A_80, %add3A_415 : i32
        %get3A_443 = arith.index_cast %add3A_442 : i32 to index
        %get3A_444 = arith.constant 48 : index
        %get3A_445 = tpu.vector_load %arg9[%get3A_443, %get3A_444] {strides = array<i32>} : memref<512x128xf32, #tpu.memory_space<vmem>>, vector<1x16xf32>,
        %get3A_446 = vector.shape_cast %get3A_445 : vector<1x16xf32> to vector<16xf32>
        %mul3A_447 = arith.mulf %get3A_446, %select_n3A_441 : vector<16xf32>
        %add3A_448 = arith.addf %add3A_440, %mul3A_447 : vector<16xf32>
        %select_n3A_449 = arith.select %gt3A_417, %get3A_167, %get3A_199 : vector<16xf32>
        %add3A_450 = arith.addi %mul3A_80, %add3A_415 : i32
        %get3A_451 = arith.index_cast %add3A_450 : i32 to index
        %get3A_452 = arith.constant 64 : index
        %get3A_453 = tpu.vector_load %arg9[%get3A_451, %get3A_452] {strides = array<i32>} : memref<512x128xf32, #tpu.memory_space<vmem>>, vector<1x16xf32>,
        %get3A_454 = vector.shape_cast %get3A_453 : vector<1x16xf32> to vector<16xf32>
        %mul3A_455 = arith.mulf %get3A_454, %select_n3A_449 : vector<16xf32>
        %add3A_456 = arith.addf %add3A_448, %mul3A_455 : vector<16xf32>
        %select_n3A_457 = arith.select %gt3A_417, %get3A_171, %get3A_203 : vector<16xf32>
        %add3A_458 = arith.addi %mul3A_80, %add3A_415 : i32
        %get3A_459 = arith.index_cast %add3A_458 : i32 to index
        %get3A_460 = arith.constant 80 : index
        %get3A_461 = tpu.vector_load %arg9[%get3A_459, %get3A_460] {strides = array<i32>} : memref<512x128xf32, #tpu.memory_space<vmem>>, vector<1x16xf32>,
        %get3A_462 = vector.shape_cast %get3A_461 : vector<1x16xf32> to vector<16xf32>
        %mul3A_463 = arith.mulf %get3A_462, %select_n3A_457 : vector<16xf32>
        %add3A_464 = arith.addf %add3A_456, %mul3A_463 : vector<16xf32>
        %select_n3A_465 = arith.select %gt3A_417, %get3A_175, %get3A_207 : vector<16xf32>
        %add3A_466 = arith.addi %mul3A_80, %add3A_415 : i32
        %get3A_467 = arith.index_cast %add3A_466 : i32 to index
        %get3A_468 = arith.constant 96 : index
        %get3A_469 = tpu.vector_load %arg9[%get3A_467, %get3A_468] {strides = array<i32>} : memref<512x128xf32, #tpu.memory_space<vmem>>, vector<1x16xf32>,
        %get3A_470 = vector.shape_cast %get3A_469 : vector<1x16xf32> to vector<16xf32>
        %mul3A_471 = arith.mulf %get3A_470, %select_n3A_465 : vector<16xf32>
        %add3A_472 = arith.addf %add3A_464, %mul3A_471 : vector<16xf32>
        %select_n3A_473 = arith.select %gt3A_417, %get3A_179, %get3A_211 : vector<16xf32>
        %add3A_474 = arith.addi %mul3A_80, %add3A_415 : i32
        %get3A_475 = arith.index_cast %add3A_474 : i32 to index
        %get3A_476 = arith.constant 112 : index
        %get3A_477 = tpu.vector_load %arg9[%get3A_475, %get3A_476] {strides = array<i32>} : memref<512x128xf32, #tpu.memory_space<vmem>>, vector<1x16xf32>,
        %get3A_478 = vector.shape_cast %get3A_477 : vector<1x16xf32> to vector<16xf32>
        %mul3A_479 = arith.mulf %get3A_478, %select_n3A_473 : vector<16xf32>
        %add3A_480 = arith.addf %add3A_472, %mul3A_479 : vector<16xf32>
        %xor3A_481 = arith.constant 8 : i32
        %xor3A_482 = vector.broadcast %xor3A_481 : i32 to vector<16xi32>
        %xor3A_483 = arith.xori %iota3A, %xor3A_482 : vector<16xi32>
        %broadcast_in_dim3A_484 = vector.shape_cast %xor3A_483 : vector<16xi32> to vector<16x1xi32>
        %gather3A_485 = vector.shape_cast %broadcast_in_dim3A_484 : vector<16x1xi32> to vector<16xi32>
        %gather3A_486 = tpu.dynamic_gather %add3A_480[%gather3A_485] in [0] : vector<16xf32>, vector<16xi32> -> vector<16xf32>
        %add3A_487 = arith.addf %add3A_480, %gather3A_486 : vector<16xf32>
        %xor3A_488 = arith.constant 4 : i32
        %xor3A_489 = vector.broadcast %xor3A_488 : i32 to vector<16xi32>
        %xor3A_490 = arith.xori %iota3A, %xor3A_489 : vector<16xi32>
        %broadcast_in_dim3A_491 = vector.shape_cast %xor3A_490 : vector<16xi32> to vector<16x1xi32>
        %gather3A_492 = vector.shape_cast %broadcast_in_dim3A_491 : vector<16x1xi32> to vector<16xi32>
        %gather3A_493 = tpu.dynamic_gather %add3A_487[%gather3A_492] in [0] : vector<16xf32>, vector<16xi32> -> vector<16xf32>
        %add3A_494 = arith.addf %add3A_487, %gather3A_493 : vector<16xf32>
        %xor3A_495 = arith.constant 2 : i32
        %xor3A_496 = vector.broadcast %xor3A_495 : i32 to vector<16xi32>
        %xor3A_497 = arith.xori %iota3A, %xor3A_496 : vector<16xi32>
        %broadcast_in_dim3A_498 = vector.shape_cast %xor3A_497 : vector<16xi32> to vector<16x1xi32>
        %gather3A_499 = vector.shape_cast %broadcast_in_dim3A_498 : vector<16x1xi32> to vector<16xi32>
        %gather3A_500 = tpu.dynamic_gather %add3A_494[%gather3A_499] in [0] : vector<16xf32>, vector<16xi32> -> vector<16xf32>
        %add3A_501 = arith.addf %add3A_494, %gather3A_500 : vector<16xf32>
        %xor3A_502 = arith.constant 1 : i32
        %xor3A_503 = vector.broadcast %xor3A_502 : i32 to vector<16xi32>
        %xor3A_504 = arith.xori %iota3A, %xor3A_503 : vector<16xi32>
        %broadcast_in_dim3A_505 = vector.shape_cast %xor3A_504 : vector<16xi32> to vector<16x1xi32>
        %gather3A_506 = vector.shape_cast %broadcast_in_dim3A_505 : vector<16x1xi32> to vector<16xi32>
        %gather3A_507 = tpu.dynamic_gather %add3A_501[%gather3A_506] in [0] : vector<16xf32>, vector<16xi32> -> vector<16xf32>
        %add3A_508 = arith.addf %add3A_501, %gather3A_507 : vector<16xf32>
        %eq3A_509 = arith.constant 2 : i32
        %eq3A_510 = vector.broadcast %eq3A_509 : i32 to vector<16xi32>
        %eq3A_511 = arith.cmpi eq, %iota3A, %eq3A_510 : vector<16xi32>
        %select_n3A_512 = arith.select %eq3A_511, %add3A_508, %select_n3A_411 : vector<16xi1>, vector<16xf32>
        %mul3A_513 = arith.constant 16 : i32
        %mul3A_514 = arith.muli %scan3A_89, %mul3A_513 : i32
        %add3A_515 = arith.constant 3 : i32
        %add3A_516 = arith.addi %mul3A_514, %add3A_515 : i32
        %gt3A_517 = arith.constant 3 : i32
        %gt3A_518 = arith.cmpi sgt, %sub3A_148, %gt3A_517 : i32
        %select_n3A_519 = arith.select %gt3A_518, %get3A_151, %get3A_183 : vector<16xf32>
        %add3A_520 = arith.addi %mul3A_80, %add3A_516 : i32
        %get3A_521 = arith.index_cast %add3A_520 : i32 to index
        %get3A_522 = arith.constant 0 : index
        %get3A_523 = tpu.vector_load %arg9[%get3A_521, %get3A_522] {strides = array<i32>} : memref<512x128xf32, #tpu.memory_space<vmem>>, vector<1x16xf32>,
        %get3A_524 = vector.shape_cast %get3A_523 : vector<1x16xf32> to vector<16xf32>
        %mul3A_525 = arith.mulf %get3A_524, %select_n3A_519 : vector<16xf32>
        %select_n3A_526 = arith.select %gt3A_518, %get3A_155, %get3A_187 : vector<16xf32>
        %add3A_527 = arith.addi %mul3A_80, %add3A_516 : i32
        %get3A_528 = arith.index_cast %add3A_527 : i32 to index
        %get3A_529 = arith.constant 16 : index
        %get3A_530 = tpu.vector_load %arg9[%get3A_528, %get3A_529] {strides = array<i32>} : memref<512x128xf32, #tpu.memory_space<vmem>>, vector<1x16xf32>,
        %get3A_531 = vector.shape_cast %get3A_530 : vector<1x16xf32> to vector<16xf32>
        %mul3A_532 = arith.mulf %get3A_531, %select_n3A_526 : vector<16xf32>
        %add3A_533 = arith.addf %mul3A_525, %mul3A_532 : vector<16xf32>
        %select_n3A_534 = arith.select %gt3A_518, %get3A_159, %get3A_191 : vector<16xf32>
        %add3A_535 = arith.addi %mul3A_80, %add3A_516 : i32
        %get3A_536 = arith.index_cast %add3A_535 : i32 to index
        %get3A_537 = arith.constant 32 : index
        %get3A_538 = tpu.vector_load %arg9[%get3A_536, %get3A_537] {strides = array<i32>} : memref<512x128xf32, #tpu.memory_space<vmem>>, vector<1x16xf32>,
        %get3A_539 = vector.shape_cast %get3A_538 : vector<1x16xf32> to vector<16xf32>
        %mul3A_540 = arith.mulf %get3A_539, %select_n3A_534 : vector<16xf32>
        %add3A_541 = arith.addf %add3A_533, %mul3A_540 : vector<16xf32>
        %select_n3A_542 = arith.select %gt3A_518, %get3A_163, %get3A_195 : vector<16xf32>
        %add3A_543 = arith.addi %mul3A_80, %add3A_516 : i32
        %get3A_544 = arith.index_cast %add3A_543 : i32 to index
        %get3A_545 = arith.constant 48 : index
        %get3A_546 = tpu.vector_load %arg9[%get3A_544, %get3A_545] {strides = array<i32>} : memref<512x128xf32, #tpu.memory_space<vmem>>, vector<1x16xf32>,
        %get3A_547 = vector.shape_cast %get3A_546 : vector<1x16xf32> to vector<16xf32>
        %mul3A_548 = arith.mulf %get3A_547, %select_n3A_542 : vector<16xf32>
        %add3A_549 = arith.addf %add3A_541, %mul3A_548 : vector<16xf32>
        %select_n3A_550 = arith.select %gt3A_518, %get3A_167, %get3A_199 : vector<16xf32>
        %add3A_551 = arith.addi %mul3A_80, %add3A_516 : i32
        %get3A_552 = arith.index_cast %add3A_551 : i32 to index
        %get3A_553 = arith.constant 64 : index
        %get3A_554 = tpu.vector_load %arg9[%get3A_552, %get3A_553] {strides = array<i32>} : memref<512x128xf32, #tpu.memory_space<vmem>>, vector<1x16xf32>,
        %get3A_555 = vector.shape_cast %get3A_554 : vector<1x16xf32> to vector<16xf32>
        %mul3A_556 = arith.mulf %get3A_555, %select_n3A_550 : vector<16xf32>
        %add3A_557 = arith.addf %add3A_549, %mul3A_556 : vector<16xf32>
        %select_n3A_558 = arith.select %gt3A_518, %get3A_171, %get3A_203 : vector<16xf32>
        %add3A_559 = arith.addi %mul3A_80, %add3A_516 : i32
        %get3A_560 = arith.index_cast %add3A_559 : i32 to index
        %get3A_561 = arith.constant 80 : index
        %get3A_562 = tpu.vector_load %arg9[%get3A_560, %get3A_561] {strides = array<i32>} : memref<512x128xf32, #tpu.memory_space<vmem>>, vector<1x16xf32>,
        %get3A_563 = vector.shape_cast %get3A_562 : vector<1x16xf32> to vector<16xf32>
        %mul3A_564 = arith.mulf %get3A_563, %select_n3A_558 : vector<16xf32>
        %add3A_565 = arith.addf %add3A_557, %mul3A_564 : vector<16xf32>
        %select_n3A_566 = arith.select %gt3A_518, %get3A_175, %get3A_207 : vector<16xf32>
        %add3A_567 = arith.addi %mul3A_80, %add3A_516 : i32
        %get3A_568 = arith.index_cast %add3A_567 : i32 to index
        %get3A_569 = arith.constant 96 : index
        %get3A_570 = tpu.vector_load %arg9[%get3A_568, %get3A_569] {strides = array<i32>} : memref<512x128xf32, #tpu.memory_space<vmem>>, vector<1x16xf32>,
        %get3A_571 = vector.shape_cast %get3A_570 : vector<1x16xf32> to vector<16xf32>
        %mul3A_572 = arith.mulf %get3A_571, %select_n3A_566 : vector<16xf32>
        %add3A_573 = arith.addf %add3A_565, %mul3A_572 : vector<16xf32>
        %select_n3A_574 = arith.select %gt3A_518, %get3A_179, %get3A_211 : vector<16xf32>
        %add3A_575 = arith.addi %mul3A_80, %add3A_516 : i32
        %get3A_576 = arith.index_cast %add3A_575 : i32 to index
        %get3A_577 = arith.constant 112 : index
        %get3A_578 = tpu.vector_load %arg9[%get3A_576, %get3A_577] {strides = array<i32>} : memref<512x128xf32, #tpu.memory_space<vmem>>, vector<1x16xf32>,
        %get3A_579 = vector.shape_cast %get3A_578 : vector<1x16xf32> to vector<16xf32>
        %mul3A_580 = arith.mulf %get3A_579, %select_n3A_574 : vector<16xf32>
        %add3A_581 = arith.addf %add3A_573, %mul3A_580 : vector<16xf32>
        %xor3A_582 = arith.constant 8 : i32
        %xor3A_583 = vector.broadcast %xor3A_582 : i32 to vector<16xi32>
        %xor3A_584 = arith.xori %iota3A, %xor3A_583 : vector<16xi32>
        %broadcast_in_dim3A_585 = vector.shape_cast %xor3A_584 : vector<16xi32> to vector<16x1xi32>
        %gather3A_586 = vector.shape_cast %broadcast_in_dim3A_585 : vector<16x1xi32> to vector<16xi32>
        %gather3A_587 = tpu.dynamic_gather %add3A_581[%gather3A_586] in [0] : vector<16xf32>, vector<16xi32> -> vector<16xf32>
        %add3A_588 = arith.addf %add3A_581, %gather3A_587 : vector<16xf32>
        %xor3A_589 = arith.constant 4 : i32
        %xor3A_590 = vector.broadcast %xor3A_589 : i32 to vector<16xi32>
        %xor3A_591 = arith.xori %iota3A, %xor3A_590 : vector<16xi32>
        %broadcast_in_dim3A_592 = vector.shape_cast %xor3A_591 : vector<16xi32> to vector<16x1xi32>
        %gather3A_593 = vector.shape_cast %broadcast_in_dim3A_592 : vector<16x1xi32> to vector<16xi32>
        %gather3A_594 = tpu.dynamic_gather %add3A_588[%gather3A_593] in [0] : vector<16xf32>, vector<16xi32> -> vector<16xf32>
        %add3A_595 = arith.addf %add3A_588, %gather3A_594 : vector<16xf32>
        %xor3A_596 = arith.constant 2 : i32
        %xor3A_597 = vector.broadcast %xor3A_596 : i32 to vector<16xi32>
        %xor3A_598 = arith.xori %iota3A, %xor3A_597 : vector<16xi32>
        %broadcast_in_dim3A_599 = vector.shape_cast %xor3A_598 : vector<16xi32> to vector<16x1xi32>
        %gather3A_600 = vector.shape_cast %broadcast_in_dim3A_599 : vector<16x1xi32> to vector<16xi32>
        %gather3A_601 = tpu.dynamic_gather %add3A_595[%gather3A_600] in [0] : vector<16xf32>, vector<16xi32> -> vector<16xf32>
        %add3A_602 = arith.addf %add3A_595, %gather3A_601 : vector<16xf32>
        %xor3A_603 = arith.constant 1 : i32
        %xor3A_604 = vector.broadcast %xor3A_603 : i32 to vector<16xi32>
        %xor3A_605 = arith.xori %iota3A, %xor3A_604 : vector<16xi32>
        %broadcast_in_dim3A_606 = vector.shape_cast %xor3A_605 : vector<16xi32> to vector<16x1xi32>
        %gather3A_607 = vector.shape_cast %broadcast_in_dim3A_606 : vector<16x1xi32> to vector<16xi32>
        %gather3A_608 = tpu.dynamic_gather %add3A_602[%gather3A_607] in [0] : vector<16xf32>, vector<16xi32> -> vector<16xf32>
        %add3A_609 = arith.addf %add3A_602, %gather3A_608 : vector<16xf32>
        %eq3A_610 = arith.constant 3 : i32
        %eq3A_611 = vector.broadcast %eq3A_610 : i32 to vector<16xi32>
        %eq3A_612 = arith.cmpi eq, %iota3A, %eq3A_611 : vector<16xi32>
        %select_n3A_613 = arith.select %eq3A_612, %add3A_609, %select_n3A_512 : vector<16xi1>, vector<16xf32>
        %mul3A_614 = arith.constant 16 : i32
        %mul3A_615 = arith.muli %scan3A_89, %mul3A_614 : i32
        %add3A_616 = arith.constant 4 : i32
        %add3A_617 = arith.addi %mul3A_615, %add3A_616 : i32
        %gt3A_618 = arith.constant 4 : i32
        %gt3A_619 = arith.cmpi sgt, %sub3A_148, %gt3A_618 : i32
        %select_n3A_620 = arith.select %gt3A_619, %get3A_151, %get3A_183 : vector<16xf32>
        %add3A_621 = arith.addi %mul3A_80, %add3A_617 : i32
        %get3A_622 = arith.index_cast %add3A_621 : i32 to index
        %get3A_623 = arith.constant 0 : index
        %get3A_624 = tpu.vector_load %arg9[%get3A_622, %get3A_623] {strides = array<i32>} : memref<512x128xf32, #tpu.memory_space<vmem>>, vector<1x16xf32>,
        %get3A_625 = vector.shape_cast %get3A_624 : vector<1x16xf32> to vector<16xf32>
        %mul3A_626 = arith.mulf %get3A_625, %select_n3A_620 : vector<16xf32>
        %select_n3A_627 = arith.select %gt3A_619, %get3A_155, %get3A_187 : vector<16xf32>
        %add3A_628 = arith.addi %mul3A_80, %add3A_617 : i32
        %get3A_629 = arith.index_cast %add3A_628 : i32 to index
        %get3A_630 = arith.constant 16 : index
        %get3A_631 = tpu.vector_load %arg9[%get3A_629, %get3A_630] {strides = array<i32>} : memref<512x128xf32, #tpu.memory_space<vmem>>, vector<1x16xf32>,
        %get3A_632 = vector.shape_cast %get3A_631 : vector<1x16xf32> to vector<16xf32>
        %mul3A_633 = arith.mulf %get3A_632, %select_n3A_627 : vector<16xf32>
        %add3A_634 = arith.addf %mul3A_626, %mul3A_633 : vector<16xf32>
        %select_n3A_635 = arith.select %gt3A_619, %get3A_159, %get3A_191 : vector<16xf32>
        %add3A_636 = arith.addi %mul3A_80, %add3A_617 : i32
        %get3A_637 = arith.index_cast %add3A_636 : i32 to index
        %get3A_638 = arith.constant 32 : index
        %get3A_639 = tpu.vector_load %arg9[%get3A_637, %get3A_638] {strides = array<i32>} : memref<512x128xf32, #tpu.memory_space<vmem>>, vector<1x16xf32>,
        %get3A_640 = vector.shape_cast %get3A_639 : vector<1x16xf32> to vector<16xf32>
        %mul3A_641 = arith.mulf %get3A_640, %select_n3A_635 : vector<16xf32>
        %add3A_642 = arith.addf %add3A_634, %mul3A_641 : vector<16xf32>
        %select_n3A_643 = arith.select %gt3A_619, %get3A_163, %get3A_195 : vector<16xf32>
        %add3A_644 = arith.addi %mul3A_80, %add3A_617 : i32
        %get3A_645 = arith.index_cast %add3A_644 : i32 to index
        %get3A_646 = arith.constant 48 : index
        %get3A_647 = tpu.vector_load %arg9[%get3A_645, %get3A_646] {strides = array<i32>} : memref<512x128xf32, #tpu.memory_space<vmem>>, vector<1x16xf32>,
        %get3A_648 = vector.shape_cast %get3A_647 : vector<1x16xf32> to vector<16xf32>
        %mul3A_649 = arith.mulf %get3A_648, %select_n3A_643 : vector<16xf32>
        %add3A_650 = arith.addf %add3A_642, %mul3A_649 : vector<16xf32>
        %select_n3A_651 = arith.select %gt3A_619, %get3A_167, %get3A_199 : vector<16xf32>
        %add3A_652 = arith.addi %mul3A_80, %add3A_617 : i32
        %get3A_653 = arith.index_cast %add3A_652 : i32 to index
        %get3A_654 = arith.constant 64 : index
        %get3A_655 = tpu.vector_load %arg9[%get3A_653, %get3A_654] {strides = array<i32>} : memref<512x128xf32, #tpu.memory_space<vmem>>, vector<1x16xf32>,
        %get3A_656 = vector.shape_cast %get3A_655 : vector<1x16xf32> to vector<16xf32>
        %mul3A_657 = arith.mulf %get3A_656, %select_n3A_651 : vector<16xf32>
        %add3A_658 = arith.addf %add3A_650, %mul3A_657 : vector<16xf32>
        %select_n3A_659 = arith.select %gt3A_619, %get3A_171, %get3A_203 : vector<16xf32>
        %add3A_660 = arith.addi %mul3A_80, %add3A_617 : i32
        %get3A_661 = arith.index_cast %add3A_660 : i32 to index
        %get3A_662 = arith.constant 80 : index
        %get3A_663 = tpu.vector_load %arg9[%get3A_661, %get3A_662] {strides = array<i32>} : memref<512x128xf32, #tpu.memory_space<vmem>>, vector<1x16xf32>,
        %get3A_664 = vector.shape_cast %get3A_663 : vector<1x16xf32> to vector<16xf32>
        %mul3A_665 = arith.mulf %get3A_664, %select_n3A_659 : vector<16xf32>
        %add3A_666 = arith.addf %add3A_658, %mul3A_665 : vector<16xf32>
        %select_n3A_667 = arith.select %gt3A_619, %get3A_175, %get3A_207 : vector<16xf32>
        %add3A_668 = arith.addi %mul3A_80, %add3A_617 : i32
        %get3A_669 = arith.index_cast %add3A_668 : i32 to index
        %get3A_670 = arith.constant 96 : index
        %get3A_671 = tpu.vector_load %arg9[%get3A_669, %get3A_670] {strides = array<i32>} : memref<512x128xf32, #tpu.memory_space<vmem>>, vector<1x16xf32>,
        %get3A_672 = vector.shape_cast %get3A_671 : vector<1x16xf32> to vector<16xf32>
        %mul3A_673 = arith.mulf %get3A_672, %select_n3A_667 : vector<16xf32>
        %add3A_674 = arith.addf %add3A_666, %mul3A_673 : vector<16xf32>
        %select_n3A_675 = arith.select %gt3A_619, %get3A_179, %get3A_211 : vector<16xf32>
        %add3A_676 = arith.addi %mul3A_80, %add3A_617 : i32
        %get3A_677 = arith.index_cast %add3A_676 : i32 to index
        %get3A_678 = arith.constant 112 : index
        %get3A_679 = tpu.vector_load %arg9[%get3A_677, %get3A_678] {strides = array<i32>} : memref<512x128xf32, #tpu.memory_space<vmem>>, vector<1x16xf32>,
        %get3A_680 = vector.shape_cast %get3A_679 : vector<1x16xf32> to vector<16xf32>
        %mul3A_681 = arith.mulf %get3A_680, %select_n3A_675 : vector<16xf32>
        %add3A_682 = arith.addf %add3A_674, %mul3A_681 : vector<16xf32>
        %xor3A_683 = arith.constant 8 : i32
        %xor3A_684 = vector.broadcast %xor3A_683 : i32 to vector<16xi32>
        %xor3A_685 = arith.xori %iota3A, %xor3A_684 : vector<16xi32>
        %broadcast_in_dim3A_686 = vector.shape_cast %xor3A_685 : vector<16xi32> to vector<16x1xi32>
        %gather3A_687 = vector.shape_cast %broadcast_in_dim3A_686 : vector<16x1xi32> to vector<16xi32>
        %gather3A_688 = tpu.dynamic_gather %add3A_682[%gather3A_687] in [0] : vector<16xf32>, vector<16xi32> -> vector<16xf32>
        %add3A_689 = arith.addf %add3A_682, %gather3A_688 : vector<16xf32>
        %xor3A_690 = arith.constant 4 : i32
        %xor3A_691 = vector.broadcast %xor3A_690 : i32 to vector<16xi32>
        %xor3A_692 = arith.xori %iota3A, %xor3A_691 : vector<16xi32>
        %broadcast_in_dim3A_693 = vector.shape_cast %xor3A_692 : vector<16xi32> to vector<16x1xi32>
        %gather3A_694 = vector.shape_cast %broadcast_in_dim3A_693 : vector<16x1xi32> to vector<16xi32>
        %gather3A_695 = tpu.dynamic_gather %add3A_689[%gather3A_694] in [0] : vector<16xf32>, vector<16xi32> -> vector<16xf32>
        %add3A_696 = arith.addf %add3A_689, %gather3A_695 : vector<16xf32>
        %xor3A_697 = arith.constant 2 : i32
        %xor3A_698 = vector.broadcast %xor3A_697 : i32 to vector<16xi32>
        %xor3A_699 = arith.xori %iota3A, %xor3A_698 : vector<16xi32>
        %broadcast_in_dim3A_700 = vector.shape_cast %xor3A_699 : vector<16xi32> to vector<16x1xi32>
        %gather3A_701 = vector.shape_cast %broadcast_in_dim3A_700 : vector<16x1xi32> to vector<16xi32>
        %gather3A_702 = tpu.dynamic_gather %add3A_696[%gather3A_701] in [0] : vector<16xf32>, vector<16xi32> -> vector<16xf32>
        %add3A_703 = arith.addf %add3A_696, %gather3A_702 : vector<16xf32>
        %xor3A_704 = arith.constant 1 : i32
        %xor3A_705 = vector.broadcast %xor3A_704 : i32 to vector<16xi32>
        %xor3A_706 = arith.xori %iota3A, %xor3A_705 : vector<16xi32>
        %broadcast_in_dim3A_707 = vector.shape_cast %xor3A_706 : vector<16xi32> to vector<16x1xi32>
        %gather3A_708 = vector.shape_cast %broadcast_in_dim3A_707 : vector<16x1xi32> to vector<16xi32>
        %gather3A_709 = tpu.dynamic_gather %add3A_703[%gather3A_708] in [0] : vector<16xf32>, vector<16xi32> -> vector<16xf32>
        %add3A_710 = arith.addf %add3A_703, %gather3A_709 : vector<16xf32>
        %eq3A_711 = arith.constant 4 : i32
        %eq3A_712 = vector.broadcast %eq3A_711 : i32 to vector<16xi32>
        %eq3A_713 = arith.cmpi eq, %iota3A, %eq3A_712 : vector<16xi32>
        %select_n3A_714 = arith.select %eq3A_713, %add3A_710, %select_n3A_613 : vector<16xi1>, vector<16xf32>
        %mul3A_715 = arith.constant 16 : i32
        %mul3A_716 = arith.muli %scan3A_89, %mul3A_715 : i32
        %add3A_717 = arith.constant 5 : i32
        %add3A_718 = arith.addi %mul3A_716, %add3A_717 : i32
        %gt3A_719 = arith.constant 5 : i32
        %gt3A_720 = arith.cmpi sgt, %sub3A_148, %gt3A_719 : i32
        %select_n3A_721 = arith.select %gt3A_720, %get3A_151, %get3A_183 : vector<16xf32>
        %add3A_722 = arith.addi %mul3A_80, %add3A_718 : i32
        %get3A_723 = arith.index_cast %add3A_722 : i32 to index
        %get3A_724 = arith.constant 0 : index
        %get3A_725 = tpu.vector_load %arg9[%get3A_723, %get3A_724] {strides = array<i32>} : memref<512x128xf32, #tpu.memory_space<vmem>>, vector<1x16xf32>,
        %get3A_726 = vector.shape_cast %get3A_725 : vector<1x16xf32> to vector<16xf32>
        %mul3A_727 = arith.mulf %get3A_726, %select_n3A_721 : vector<16xf32>
        %select_n3A_728 = arith.select %gt3A_720, %get3A_155, %get3A_187 : vector<16xf32>
        %add3A_729 = arith.addi %mul3A_80, %add3A_718 : i32
        %get3A_730 = arith.index_cast %add3A_729 : i32 to index
        %get3A_731 = arith.constant 16 : index
        %get3A_732 = tpu.vector_load %arg9[%get3A_730, %get3A_731] {strides = array<i32>} : memref<512x128xf32, #tpu.memory_space<vmem>>, vector<1x16xf32>,
        %get3A_733 = vector.shape_cast %get3A_732 : vector<1x16xf32> to vector<16xf32>
        %mul3A_734 = arith.mulf %get3A_733, %select_n3A_728 : vector<16xf32>
        %add3A_735 = arith.addf %mul3A_727, %mul3A_734 : vector<16xf32>
        %select_n3A_736 = arith.select %gt3A_720, %get3A_159, %get3A_191 : vector<16xf32>
        %add3A_737 = arith.addi %mul3A_80, %add3A_718 : i32
        %get3A_738 = arith.index_cast %add3A_737 : i32 to index
        %get3A_739 = arith.constant 32 : index
        %get3A_740 = tpu.vector_load %arg9[%get3A_738, %get3A_739] {strides = array<i32>} : memref<512x128xf32, #tpu.memory_space<vmem>>, vector<1x16xf32>,
        %get3A_741 = vector.shape_cast %get3A_740 : vector<1x16xf32> to vector<16xf32>
        %mul3A_742 = arith.mulf %get3A_741, %select_n3A_736 : vector<16xf32>
        %add3A_743 = arith.addf %add3A_735, %mul3A_742 : vector<16xf32>
        %select_n3A_744 = arith.select %gt3A_720, %get3A_163, %get3A_195 : vector<16xf32>
        %add3A_745 = arith.addi %mul3A_80, %add3A_718 : i32
        %get3A_746 = arith.index_cast %add3A_745 : i32 to index
        %get3A_747 = arith.constant 48 : index
        %get3A_748 = tpu.vector_load %arg9[%get3A_746, %get3A_747] {strides = array<i32>} : memref<512x128xf32, #tpu.memory_space<vmem>>, vector<1x16xf32>,
        %get3A_749 = vector.shape_cast %get3A_748 : vector<1x16xf32> to vector<16xf32>
        %mul3A_750 = arith.mulf %get3A_749, %select_n3A_744 : vector<16xf32>
        %add3A_751 = arith.addf %add3A_743, %mul3A_750 : vector<16xf32>
        %select_n3A_752 = arith.select %gt3A_720, %get3A_167, %get3A_199 : vector<16xf32>
        %add3A_753 = arith.addi %mul3A_80, %add3A_718 : i32
        %get3A_754 = arith.index_cast %add3A_753 : i32 to index
        %get3A_755 = arith.constant 64 : index
        %get3A_756 = tpu.vector_load %arg9[%get3A_754, %get3A_755] {strides = array<i32>} : memref<512x128xf32, #tpu.memory_space<vmem>>, vector<1x16xf32>,
        %get3A_757 = vector.shape_cast %get3A_756 : vector<1x16xf32> to vector<16xf32>
        %mul3A_758 = arith.mulf %get3A_757, %select_n3A_752 : vector<16xf32>
        %add3A_759 = arith.addf %add3A_751, %mul3A_758 : vector<16xf32>
        %select_n3A_760 = arith.select %gt3A_720, %get3A_171, %get3A_203 : vector<16xf32>
        %add3A_761 = arith.addi %mul3A_80, %add3A_718 : i32
        %get3A_762 = arith.index_cast %add3A_761 : i32 to index
        %get3A_763 = arith.constant 80 : index
        %get3A_764 = tpu.vector_load %arg9[%get3A_762, %get3A_763] {strides = array<i32>} : memref<512x128xf32, #tpu.memory_space<vmem>>, vector<1x16xf32>,
        %get3A_765 = vector.shape_cast %get3A_764 : vector<1x16xf32> to vector<16xf32>
        %mul3A_766 = arith.mulf %get3A_765, %select_n3A_760 : vector<16xf32>
        %add3A_767 = arith.addf %add3A_759, %mul3A_766 : vector<16xf32>
        %select_n3A_768 = arith.select %gt3A_720, %get3A_175, %get3A_207 : vector<16xf32>
        %add3A_769 = arith.addi %mul3A_80, %add3A_718 : i32
        %get3A_770 = arith.index_cast %add3A_769 : i32 to index
        %get3A_771 = arith.constant 96 : index
        %get3A_772 = tpu.vector_load %arg9[%get3A_770, %get3A_771] {strides = array<i32>} : memref<512x128xf32, #tpu.memory_space<vmem>>, vector<1x16xf32>,
        %get3A_773 = vector.shape_cast %get3A_772 : vector<1x16xf32> to vector<16xf32>
        %mul3A_774 = arith.mulf %get3A_773, %select_n3A_768 : vector<16xf32>
        %add3A_775 = arith.addf %add3A_767, %mul3A_774 : vector<16xf32>
        %select_n3A_776 = arith.select %gt3A_720, %get3A_179, %get3A_211 : vector<16xf32>
        %add3A_777 = arith.addi %mul3A_80, %add3A_718 : i32
        %get3A_778 = arith.index_cast %add3A_777 : i32 to index
        %get3A_779 = arith.constant 112 : index
        %get3A_780 = tpu.vector_load %arg9[%get3A_778, %get3A_779] {strides = array<i32>} : memref<512x128xf32, #tpu.memory_space<vmem>>, vector<1x16xf32>,
        %get3A_781 = vector.shape_cast %get3A_780 : vector<1x16xf32> to vector<16xf32>
        %mul3A_782 = arith.mulf %get3A_781, %select_n3A_776 : vector<16xf32>
        %add3A_783 = arith.addf %add3A_775, %mul3A_782 : vector<16xf32>
        %xor3A_784 = arith.constant 8 : i32
        %xor3A_785 = vector.broadcast %xor3A_784 : i32 to vector<16xi32>
        %xor3A_786 = arith.xori %iota3A, %xor3A_785 : vector<16xi32>
        %broadcast_in_dim3A_787 = vector.shape_cast %xor3A_786 : vector<16xi32> to vector<16x1xi32>
        %gather3A_788 = vector.shape_cast %broadcast_in_dim3A_787 : vector<16x1xi32> to vector<16xi32>
        %gather3A_789 = tpu.dynamic_gather %add3A_783[%gather3A_788] in [0] : vector<16xf32>, vector<16xi32> -> vector<16xf32>
        %add3A_790 = arith.addf %add3A_783, %gather3A_789 : vector<16xf32>
        %xor3A_791 = arith.constant 4 : i32
        %xor3A_792 = vector.broadcast %xor3A_791 : i32 to vector<16xi32>
        %xor3A_793 = arith.xori %iota3A, %xor3A_792 : vector<16xi32>
        %broadcast_in_dim3A_794 = vector.shape_cast %xor3A_793 : vector<16xi32> to vector<16x1xi32>
        %gather3A_795 = vector.shape_cast %broadcast_in_dim3A_794 : vector<16x1xi32> to vector<16xi32>
        %gather3A_796 = tpu.dynamic_gather %add3A_790[%gather3A_795] in [0] : vector<16xf32>, vector<16xi32> -> vector<16xf32>
        %add3A_797 = arith.addf %add3A_790, %gather3A_796 : vector<16xf32>
        %xor3A_798 = arith.constant 2 : i32
        %xor3A_799 = vector.broadcast %xor3A_798 : i32 to vector<16xi32>
        %xor3A_800 = arith.xori %iota3A, %xor3A_799 : vector<16xi32>
        %broadcast_in_dim3A_801 = vector.shape_cast %xor3A_800 : vector<16xi32> to vector<16x1xi32>
        %gather3A_802 = vector.shape_cast %broadcast_in_dim3A_801 : vector<16x1xi32> to vector<16xi32>
        %gather3A_803 = tpu.dynamic_gather %add3A_797[%gather3A_802] in [0] : vector<16xf32>, vector<16xi32> -> vector<16xf32>
        %add3A_804 = arith.addf %add3A_797, %gather3A_803 : vector<16xf32>
        %xor3A_805 = arith.constant 1 : i32
        %xor3A_806 = vector.broadcast %xor3A_805 : i32 to vector<16xi32>
        %xor3A_807 = arith.xori %iota3A, %xor3A_806 : vector<16xi32>
        %broadcast_in_dim3A_808 = vector.shape_cast %xor3A_807 : vector<16xi32> to vector<16x1xi32>
        %gather3A_809 = vector.shape_cast %broadcast_in_dim3A_808 : vector<16x1xi32> to vector<16xi32>
        %gather3A_810 = tpu.dynamic_gather %add3A_804[%gather3A_809] in [0] : vector<16xf32>, vector<16xi32> -> vector<16xf32>
        %add3A_811 = arith.addf %add3A_804, %gather3A_810 : vector<16xf32>
        %eq3A_812 = arith.constant 5 : i32
        %eq3A_813 = vector.broadcast %eq3A_812 : i32 to vector<16xi32>
        %eq3A_814 = arith.cmpi eq, %iota3A, %eq3A_813 : vector<16xi32>
        %select_n3A_815 = arith.select %eq3A_814, %add3A_811, %select_n3A_714 : vector<16xi1>, vector<16xf32>
        %mul3A_816 = arith.constant 16 : i32
        %mul3A_817 = arith.muli %scan3A_89, %mul3A_816 : i32
        %add3A_818 = arith.constant 6 : i32
        %add3A_819 = arith.addi %mul3A_817, %add3A_818 : i32
        %gt3A_820 = arith.constant 6 : i32
        %gt3A_821 = arith.cmpi sgt, %sub3A_148, %gt3A_820 : i32
        %select_n3A_822 = arith.select %gt3A_821, %get3A_151, %get3A_183 : vector<16xf32>
        %add3A_823 = arith.addi %mul3A_80, %add3A_819 : i32
        %get3A_824 = arith.index_cast %add3A_823 : i32 to index
        %get3A_825 = arith.constant 0 : index
        %get3A_826 = tpu.vector_load %arg9[%get3A_824, %get3A_825] {strides = array<i32>} : memref<512x128xf32, #tpu.memory_space<vmem>>, vector<1x16xf32>,
        %get3A_827 = vector.shape_cast %get3A_826 : vector<1x16xf32> to vector<16xf32>
        %mul3A_828 = arith.mulf %get3A_827, %select_n3A_822 : vector<16xf32>
        %select_n3A_829 = arith.select %gt3A_821, %get3A_155, %get3A_187 : vector<16xf32>
        %add3A_830 = arith.addi %mul3A_80, %add3A_819 : i32
        %get3A_831 = arith.index_cast %add3A_830 : i32 to index
        %get3A_832 = arith.constant 16 : index
        %get3A_833 = tpu.vector_load %arg9[%get3A_831, %get3A_832] {strides = array<i32>} : memref<512x128xf32, #tpu.memory_space<vmem>>, vector<1x16xf32>,
        %get3A_834 = vector.shape_cast %get3A_833 : vector<1x16xf32> to vector<16xf32>
        %mul3A_835 = arith.mulf %get3A_834, %select_n3A_829 : vector<16xf32>
        %add3A_836 = arith.addf %mul3A_828, %mul3A_835 : vector<16xf32>
        %select_n3A_837 = arith.select %gt3A_821, %get3A_159, %get3A_191 : vector<16xf32>
        %add3A_838 = arith.addi %mul3A_80, %add3A_819 : i32
        %get3A_839 = arith.index_cast %add3A_838 : i32 to index
        %get3A_840 = arith.constant 32 : index
        %get3A_841 = tpu.vector_load %arg9[%get3A_839, %get3A_840] {strides = array<i32>} : memref<512x128xf32, #tpu.memory_space<vmem>>, vector<1x16xf32>,
        %get3A_842 = vector.shape_cast %get3A_841 : vector<1x16xf32> to vector<16xf32>
        %mul3A_843 = arith.mulf %get3A_842, %select_n3A_837 : vector<16xf32>
        %add3A_844 = arith.addf %add3A_836, %mul3A_843 : vector<16xf32>
        %select_n3A_845 = arith.select %gt3A_821, %get3A_163, %get3A_195 : vector<16xf32>
        %add3A_846 = arith.addi %mul3A_80, %add3A_819 : i32
        %get3A_847 = arith.index_cast %add3A_846 : i32 to index
        %get3A_848 = arith.constant 48 : index
        %get3A_849 = tpu.vector_load %arg9[%get3A_847, %get3A_848] {strides = array<i32>} : memref<512x128xf32, #tpu.memory_space<vmem>>, vector<1x16xf32>,
        %get3A_850 = vector.shape_cast %get3A_849 : vector<1x16xf32> to vector<16xf32>
        %mul3A_851 = arith.mulf %get3A_850, %select_n3A_845 : vector<16xf32>
        %add3A_852 = arith.addf %add3A_844, %mul3A_851 : vector<16xf32>
        %select_n3A_853 = arith.select %gt3A_821, %get3A_167, %get3A_199 : vector<16xf32>
        %add3A_854 = arith.addi %mul3A_80, %add3A_819 : i32
        %get3A_855 = arith.index_cast %add3A_854 : i32 to index
        %get3A_856 = arith.constant 64 : index
        %get3A_857 = tpu.vector_load %arg9[%get3A_855, %get3A_856] {strides = array<i32>} : memref<512x128xf32, #tpu.memory_space<vmem>>, vector<1x16xf32>,
        %get3A_858 = vector.shape_cast %get3A_857 : vector<1x16xf32> to vector<16xf32>
        %mul3A_859 = arith.mulf %get3A_858, %select_n3A_853 : vector<16xf32>
        %add3A_860 = arith.addf %add3A_852, %mul3A_859 : vector<16xf32>
        %select_n3A_861 = arith.select %gt3A_821, %get3A_171, %get3A_203 : vector<16xf32>
        %add3A_862 = arith.addi %mul3A_80, %add3A_819 : i32
        %get3A_863 = arith.index_cast %add3A_862 : i32 to index
        %get3A_864 = arith.constant 80 : index
        %get3A_865 = tpu.vector_load %arg9[%get3A_863, %get3A_864] {strides = array<i32>} : memref<512x128xf32, #tpu.memory_space<vmem>>, vector<1x16xf32>,
        %get3A_866 = vector.shape_cast %get3A_865 : vector<1x16xf32> to vector<16xf32>
        %mul3A_867 = arith.mulf %get3A_866, %select_n3A_861 : vector<16xf32>
        %add3A_868 = arith.addf %add3A_860, %mul3A_867 : vector<16xf32>
        %select_n3A_869 = arith.select %gt3A_821, %get3A_175, %get3A_207 : vector<16xf32>
        %add3A_870 = arith.addi %mul3A_80, %add3A_819 : i32
        %get3A_871 = arith.index_cast %add3A_870 : i32 to index
        %get3A_872 = arith.constant 96 : index
        %get3A_873 = tpu.vector_load %arg9[%get3A_871, %get3A_872] {strides = array<i32>} : memref<512x128xf32, #tpu.memory_space<vmem>>, vector<1x16xf32>,
        %get3A_874 = vector.shape_cast %get3A_873 : vector<1x16xf32> to vector<16xf32>
        %mul3A_875 = arith.mulf %get3A_874, %select_n3A_869 : vector<16xf32>
        %add3A_876 = arith.addf %add3A_868, %mul3A_875 : vector<16xf32>
        %select_n3A_877 = arith.select %gt3A_821, %get3A_179, %get3A_211 : vector<16xf32>
        %add3A_878 = arith.addi %mul3A_80, %add3A_819 : i32
        %get3A_879 = arith.index_cast %add3A_878 : i32 to index
        %get3A_880 = arith.constant 112 : index
        %get3A_881 = tpu.vector_load %arg9[%get3A_879, %get3A_880] {strides = array<i32>} : memref<512x128xf32, #tpu.memory_space<vmem>>, vector<1x16xf32>,
        %get3A_882 = vector.shape_cast %get3A_881 : vector<1x16xf32> to vector<16xf32>
        %mul3A_883 = arith.mulf %get3A_882, %select_n3A_877 : vector<16xf32>
        %add3A_884 = arith.addf %add3A_876, %mul3A_883 : vector<16xf32>
        %xor3A_885 = arith.constant 8 : i32
        %xor3A_886 = vector.broadcast %xor3A_885 : i32 to vector<16xi32>
        %xor3A_887 = arith.xori %iota3A, %xor3A_886 : vector<16xi32>
        %broadcast_in_dim3A_888 = vector.shape_cast %xor3A_887 : vector<16xi32> to vector<16x1xi32>
        %gather3A_889 = vector.shape_cast %broadcast_in_dim3A_888 : vector<16x1xi32> to vector<16xi32>
        %gather3A_890 = tpu.dynamic_gather %add3A_884[%gather3A_889] in [0] : vector<16xf32>, vector<16xi32> -> vector<16xf32>
        %add3A_891 = arith.addf %add3A_884, %gather3A_890 : vector<16xf32>
        %xor3A_892 = arith.constant 4 : i32
        %xor3A_893 = vector.broadcast %xor3A_892 : i32 to vector<16xi32>
        %xor3A_894 = arith.xori %iota3A, %xor3A_893 : vector<16xi32>
        %broadcast_in_dim3A_895 = vector.shape_cast %xor3A_894 : vector<16xi32> to vector<16x1xi32>
        %gather3A_896 = vector.shape_cast %broadcast_in_dim3A_895 : vector<16x1xi32> to vector<16xi32>
        %gather3A_897 = tpu.dynamic_gather %add3A_891[%gather3A_896] in [0] : vector<16xf32>, vector<16xi32> -> vector<16xf32>
        %add3A_898 = arith.addf %add3A_891, %gather3A_897 : vector<16xf32>
        %xor3A_899 = arith.constant 2 : i32
        %xor3A_900 = vector.broadcast %xor3A_899 : i32 to vector<16xi32>
        %xor3A_901 = arith.xori %iota3A, %xor3A_900 : vector<16xi32>
        %broadcast_in_dim3A_902 = vector.shape_cast %xor3A_901 : vector<16xi32> to vector<16x1xi32>
        %gather3A_903 = vector.shape_cast %broadcast_in_dim3A_902 : vector<16x1xi32> to vector<16xi32>
        %gather3A_904 = tpu.dynamic_gather %add3A_898[%gather3A_903] in [0] : vector<16xf32>, vector<16xi32> -> vector<16xf32>
        %add3A_905 = arith.addf %add3A_898, %gather3A_904 : vector<16xf32>
        %xor3A_906 = arith.constant 1 : i32
        %xor3A_907 = vector.broadcast %xor3A_906 : i32 to vector<16xi32>
        %xor3A_908 = arith.xori %iota3A, %xor3A_907 : vector<16xi32>
        %broadcast_in_dim3A_909 = vector.shape_cast %xor3A_908 : vector<16xi32> to vector<16x1xi32>
        %gather3A_910 = vector.shape_cast %broadcast_in_dim3A_909 : vector<16x1xi32> to vector<16xi32>
        %gather3A_911 = tpu.dynamic_gather %add3A_905[%gather3A_910] in [0] : vector<16xf32>, vector<16xi32> -> vector<16xf32>
        %add3A_912 = arith.addf %add3A_905, %gather3A_911 : vector<16xf32>
        %eq3A_913 = arith.constant 6 : i32
        %eq3A_914 = vector.broadcast %eq3A_913 : i32 to vector<16xi32>
        %eq3A_915 = arith.cmpi eq, %iota3A, %eq3A_914 : vector<16xi32>
        %select_n3A_916 = arith.select %eq3A_915, %add3A_912, %select_n3A_815 : vector<16xi1>, vector<16xf32>
        %mul3A_917 = arith.constant 16 : i32
        %mul3A_918 = arith.muli %scan3A_89, %mul3A_917 : i32
        %add3A_919 = arith.constant 7 : i32
        %add3A_920 = arith.addi %mul3A_918, %add3A_919 : i32
        %gt3A_921 = arith.constant 7 : i32
        %gt3A_922 = arith.cmpi sgt, %sub3A_148, %gt3A_921 : i32
        %select_n3A_923 = arith.select %gt3A_922, %get3A_151, %get3A_183 : vector<16xf32>
        %add3A_924 = arith.addi %mul3A_80, %add3A_920 : i32
        %get3A_925 = arith.index_cast %add3A_924 : i32 to index
        %get3A_926 = arith.constant 0 : index
        %get3A_927 = tpu.vector_load %arg9[%get3A_925, %get3A_926] {strides = array<i32>} : memref<512x128xf32, #tpu.memory_space<vmem>>, vector<1x16xf32>,
        %get3A_928 = vector.shape_cast %get3A_927 : vector<1x16xf32> to vector<16xf32>
        %mul3A_929 = arith.mulf %get3A_928, %select_n3A_923 : vector<16xf32>
        %select_n3A_930 = arith.select %gt3A_922, %get3A_155, %get3A_187 : vector<16xf32>
        %add3A_931 = arith.addi %mul3A_80, %add3A_920 : i32
        %get3A_932 = arith.index_cast %add3A_931 : i32 to index
        %get3A_933 = arith.constant 16 : index
        %get3A_934 = tpu.vector_load %arg9[%get3A_932, %get3A_933] {strides = array<i32>} : memref<512x128xf32, #tpu.memory_space<vmem>>, vector<1x16xf32>,
        %get3A_935 = vector.shape_cast %get3A_934 : vector<1x16xf32> to vector<16xf32>
        %mul3A_936 = arith.mulf %get3A_935, %select_n3A_930 : vector<16xf32>
        %add3A_937 = arith.addf %mul3A_929, %mul3A_936 : vector<16xf32>
        %select_n3A_938 = arith.select %gt3A_922, %get3A_159, %get3A_191 : vector<16xf32>
        %add3A_939 = arith.addi %mul3A_80, %add3A_920 : i32
        %get3A_940 = arith.index_cast %add3A_939 : i32 to index
        %get3A_941 = arith.constant 32 : index
        %get3A_942 = tpu.vector_load %arg9[%get3A_940, %get3A_941] {strides = array<i32>} : memref<512x128xf32, #tpu.memory_space<vmem>>, vector<1x16xf32>,
        %get3A_943 = vector.shape_cast %get3A_942 : vector<1x16xf32> to vector<16xf32>
        %mul3A_944 = arith.mulf %get3A_943, %select_n3A_938 : vector<16xf32>
        %add3A_945 = arith.addf %add3A_937, %mul3A_944 : vector<16xf32>
        %select_n3A_946 = arith.select %gt3A_922, %get3A_163, %get3A_195 : vector<16xf32>
        %add3A_947 = arith.addi %mul3A_80, %add3A_920 : i32
        %get3A_948 = arith.index_cast %add3A_947 : i32 to index
        %get3A_949 = arith.constant 48 : index
        %get3A_950 = tpu.vector_load %arg9[%get3A_948, %get3A_949] {strides = array<i32>} : memref<512x128xf32, #tpu.memory_space<vmem>>, vector<1x16xf32>,
        %get3A_951 = vector.shape_cast %get3A_950 : vector<1x16xf32> to vector<16xf32>
        %mul3A_952 = arith.mulf %get3A_951, %select_n3A_946 : vector<16xf32>
        %add3A_953 = arith.addf %add3A_945, %mul3A_952 : vector<16xf32>
        %select_n3A_954 = arith.select %gt3A_922, %get3A_167, %get3A_199 : vector<16xf32>
        %add3A_955 = arith.addi %mul3A_80, %add3A_920 : i32
        %get3A_956 = arith.index_cast %add3A_955 : i32 to index
        %get3A_957 = arith.constant 64 : index
        %get3A_958 = tpu.vector_load %arg9[%get3A_956, %get3A_957] {strides = array<i32>} : memref<512x128xf32, #tpu.memory_space<vmem>>, vector<1x16xf32>,
        %get3A_959 = vector.shape_cast %get3A_958 : vector<1x16xf32> to vector<16xf32>
        %mul3A_960 = arith.mulf %get3A_959, %select_n3A_954 : vector<16xf32>
        %add3A_961 = arith.addf %add3A_953, %mul3A_960 : vector<16xf32>
        %select_n3A_962 = arith.select %gt3A_922, %get3A_171, %get3A_203 : vector<16xf32>
        %add3A_963 = arith.addi %mul3A_80, %add3A_920 : i32
        %get3A_964 = arith.index_cast %add3A_963 : i32 to index
        %get3A_965 = arith.constant 80 : index
        %get3A_966 = tpu.vector_load %arg9[%get3A_964, %get3A_965] {strides = array<i32>} : memref<512x128xf32, #tpu.memory_space<vmem>>, vector<1x16xf32>,
        %get3A_967 = vector.shape_cast %get3A_966 : vector<1x16xf32> to vector<16xf32>
        %mul3A_968 = arith.mulf %get3A_967, %select_n3A_962 : vector<16xf32>
        %add3A_969 = arith.addf %add3A_961, %mul3A_968 : vector<16xf32>
        %select_n3A_970 = arith.select %gt3A_922, %get3A_175, %get3A_207 : vector<16xf32>
        %add3A_971 = arith.addi %mul3A_80, %add3A_920 : i32
        %get3A_972 = arith.index_cast %add3A_971 : i32 to index
        %get3A_973 = arith.constant 96 : index
        %get3A_974 = tpu.vector_load %arg9[%get3A_972, %get3A_973] {strides = array<i32>} : memref<512x128xf32, #tpu.memory_space<vmem>>, vector<1x16xf32>,
        %get3A_975 = vector.shape_cast %get3A_974 : vector<1x16xf32> to vector<16xf32>
        %mul3A_976 = arith.mulf %get3A_975, %select_n3A_970 : vector<16xf32>
        %add3A_977 = arith.addf %add3A_969, %mul3A_976 : vector<16xf32>
        %select_n3A_978 = arith.select %gt3A_922, %get3A_179, %get3A_211 : vector<16xf32>
        %add3A_979 = arith.addi %mul3A_80, %add3A_920 : i32
        %get3A_980 = arith.index_cast %add3A_979 : i32 to index
        %get3A_981 = arith.constant 112 : index
        %get3A_982 = tpu.vector_load %arg9[%get3A_980, %get3A_981] {strides = array<i32>} : memref<512x128xf32, #tpu.memory_space<vmem>>, vector<1x16xf32>,
        %get3A_983 = vector.shape_cast %get3A_982 : vector<1x16xf32> to vector<16xf32>
        %mul3A_984 = arith.mulf %get3A_983, %select_n3A_978 : vector<16xf32>
        %add3A_985 = arith.addf %add3A_977, %mul3A_984 : vector<16xf32>
        %xor3A_986 = arith.constant 8 : i32
        %xor3A_987 = vector.broadcast %xor3A_986 : i32 to vector<16xi32>
        %xor3A_988 = arith.xori %iota3A, %xor3A_987 : vector<16xi32>
        %broadcast_in_dim3A_989 = vector.shape_cast %xor3A_988 : vector<16xi32> to vector<16x1xi32>
        %gather3A_990 = vector.shape_cast %broadcast_in_dim3A_989 : vector<16x1xi32> to vector<16xi32>
        %gather3A_991 = tpu.dynamic_gather %add3A_985[%gather3A_990] in [0] : vector<16xf32>, vector<16xi32> -> vector<16xf32>
        %add3A_992 = arith.addf %add3A_985, %gather3A_991 : vector<16xf32>
        %xor3A_993 = arith.constant 4 : i32
        %xor3A_994 = vector.broadcast %xor3A_993 : i32 to vector<16xi32>
        %xor3A_995 = arith.xori %iota3A, %xor3A_994 : vector<16xi32>
        %broadcast_in_dim3A_996 = vector.shape_cast %xor3A_995 : vector<16xi32> to vector<16x1xi32>
        %gather3A_997 = vector.shape_cast %broadcast_in_dim3A_996 : vector<16x1xi32> to vector<16xi32>
        %gather3A_998 = tpu.dynamic_gather %add3A_992[%gather3A_997] in [0] : vector<16xf32>, vector<16xi32> -> vector<16xf32>
        %add3A_999 = arith.addf %add3A_992, %gather3A_998 : vector<16xf32>
        %xor3A_1000 = arith.constant 2 : i32
        %xor3A_1001 = vector.broadcast %xor3A_1000 : i32 to vector<16xi32>
        %xor3A_1002 = arith.xori %iota3A, %xor3A_1001 : vector<16xi32>
        %broadcast_in_dim3A_1003 = vector.shape_cast %xor3A_1002 : vector<16xi32> to vector<16x1xi32>
        %gather3A_1004 = vector.shape_cast %broadcast_in_dim3A_1003 : vector<16x1xi32> to vector<16xi32>
        %gather3A_1005 = tpu.dynamic_gather %add3A_999[%gather3A_1004] in [0] : vector<16xf32>, vector<16xi32> -> vector<16xf32>
        %add3A_1006 = arith.addf %add3A_999, %gather3A_1005 : vector<16xf32>
        %xor3A_1007 = arith.constant 1 : i32
        %xor3A_1008 = vector.broadcast %xor3A_1007 : i32 to vector<16xi32>
        %xor3A_1009 = arith.xori %iota3A, %xor3A_1008 : vector<16xi32>
        %broadcast_in_dim3A_1010 = vector.shape_cast %xor3A_1009 : vector<16xi32> to vector<16x1xi32>
        %gather3A_1011 = vector.shape_cast %broadcast_in_dim3A_1010 : vector<16x1xi32> to vector<16xi32>
        %gather3A_1012 = tpu.dynamic_gather %add3A_1006[%gather3A_1011] in [0] : vector<16xf32>, vector<16xi32> -> vector<16xf32>
        %add3A_1013 = arith.addf %add3A_1006, %gather3A_1012 : vector<16xf32>
        %eq3A_1014 = arith.constant 7 : i32
        %eq3A_1015 = vector.broadcast %eq3A_1014 : i32 to vector<16xi32>
        %eq3A_1016 = arith.cmpi eq, %iota3A, %eq3A_1015 : vector<16xi32>
        %select_n3A_1017 = arith.select %eq3A_1016, %add3A_1013, %select_n3A_916 : vector<16xi1>, vector<16xf32>
        %mul3A_1018 = arith.constant 16 : i32
        %mul3A_1019 = arith.muli %scan3A_89, %mul3A_1018 : i32
        %add3A_1020 = arith.constant 8 : i32
        %add3A_1021 = arith.addi %mul3A_1019, %add3A_1020 : i32
        %gt3A_1022 = arith.constant 8 : i32
        %gt3A_1023 = arith.cmpi sgt, %sub3A_148, %gt3A_1022 : i32
        %select_n3A_1024 = arith.select %gt3A_1023, %get3A_151, %get3A_183 : vector<16xf32>
        %add3A_1025 = arith.addi %mul3A_80, %add3A_1021 : i32
        %get3A_1026 = arith.index_cast %add3A_1025 : i32 to index
        %get3A_1027 = arith.constant 0 : index
        %get3A_1028 = tpu.vector_load %arg9[%get3A_1026, %get3A_1027] {strides = array<i32>} : memref<512x128xf32, #tpu.memory_space<vmem>>, vector<1x16xf32>,
        %get3A_1029 = vector.shape_cast %get3A_1028 : vector<1x16xf32> to vector<16xf32>
        %mul3A_1030 = arith.mulf %get3A_1029, %select_n3A_1024 : vector<16xf32>
        %select_n3A_1031 = arith.select %gt3A_1023, %get3A_155, %get3A_187 : vector<16xf32>
        %add3A_1032 = arith.addi %mul3A_80, %add3A_1021 : i32
        %get3A_1033 = arith.index_cast %add3A_1032 : i32 to index
        %get3A_1034 = arith.constant 16 : index
        %get3A_1035 = tpu.vector_load %arg9[%get3A_1033, %get3A_1034] {strides = array<i32>} : memref<512x128xf32, #tpu.memory_space<vmem>>, vector<1x16xf32>,
        %get3A_1036 = vector.shape_cast %get3A_1035 : vector<1x16xf32> to vector<16xf32>
        %mul3A_1037 = arith.mulf %get3A_1036, %select_n3A_1031 : vector<16xf32>
        %add3A_1038 = arith.addf %mul3A_1030, %mul3A_1037 : vector<16xf32>
        %select_n3A_1039 = arith.select %gt3A_1023, %get3A_159, %get3A_191 : vector<16xf32>
        %add3A_1040 = arith.addi %mul3A_80, %add3A_1021 : i32
        %get3A_1041 = arith.index_cast %add3A_1040 : i32 to index
        %get3A_1042 = arith.constant 32 : index
        %get3A_1043 = tpu.vector_load %arg9[%get3A_1041, %get3A_1042] {strides = array<i32>} : memref<512x128xf32, #tpu.memory_space<vmem>>, vector<1x16xf32>,
        %get3A_1044 = vector.shape_cast %get3A_1043 : vector<1x16xf32> to vector<16xf32>
        %mul3A_1045 = arith.mulf %get3A_1044, %select_n3A_1039 : vector<16xf32>
        %add3A_1046 = arith.addf %add3A_1038, %mul3A_1045 : vector<16xf32>
        %select_n3A_1047 = arith.select %gt3A_1023, %get3A_163, %get3A_195 : vector<16xf32>
        %add3A_1048 = arith.addi %mul3A_80, %add3A_1021 : i32
        %get3A_1049 = arith.index_cast %add3A_1048 : i32 to index
        %get3A_1050 = arith.constant 48 : index
        %get3A_1051 = tpu.vector_load %arg9[%get3A_1049, %get3A_1050] {strides = array<i32>} : memref<512x128xf32, #tpu.memory_space<vmem>>, vector<1x16xf32>,
        %get3A_1052 = vector.shape_cast %get3A_1051 : vector<1x16xf32> to vector<16xf32>
        %mul3A_1053 = arith.mulf %get3A_1052, %select_n3A_1047 : vector<16xf32>
        %add3A_1054 = arith.addf %add3A_1046, %mul3A_1053 : vector<16xf32>
        %select_n3A_1055 = arith.select %gt3A_1023, %get3A_167, %get3A_199 : vector<16xf32>
        %add3A_1056 = arith.addi %mul3A_80, %add3A_1021 : i32
        %get3A_1057 = arith.index_cast %add3A_1056 : i32 to index
        %get3A_1058 = arith.constant 64 : index
        %get3A_1059 = tpu.vector_load %arg9[%get3A_1057, %get3A_1058] {strides = array<i32>} : memref<512x128xf32, #tpu.memory_space<vmem>>, vector<1x16xf32>,
        %get3A_1060 = vector.shape_cast %get3A_1059 : vector<1x16xf32> to vector<16xf32>
        %mul3A_1061 = arith.mulf %get3A_1060, %select_n3A_1055 : vector<16xf32>
        %add3A_1062 = arith.addf %add3A_1054, %mul3A_1061 : vector<16xf32>
        %select_n3A_1063 = arith.select %gt3A_1023, %get3A_171, %get3A_203 : vector<16xf32>
        %add3A_1064 = arith.addi %mul3A_80, %add3A_1021 : i32
        %get3A_1065 = arith.index_cast %add3A_1064 : i32 to index
        %get3A_1066 = arith.constant 80 : index
        %get3A_1067 = tpu.vector_load %arg9[%get3A_1065, %get3A_1066] {strides = array<i32>} : memref<512x128xf32, #tpu.memory_space<vmem>>, vector<1x16xf32>,
        %get3A_1068 = vector.shape_cast %get3A_1067 : vector<1x16xf32> to vector<16xf32>
        %mul3A_1069 = arith.mulf %get3A_1068, %select_n3A_1063 : vector<16xf32>
        %add3A_1070 = arith.addf %add3A_1062, %mul3A_1069 : vector<16xf32>
        %select_n3A_1071 = arith.select %gt3A_1023, %get3A_175, %get3A_207 : vector<16xf32>
        %add3A_1072 = arith.addi %mul3A_80, %add3A_1021 : i32
        %get3A_1073 = arith.index_cast %add3A_1072 : i32 to index
        %get3A_1074 = arith.constant 96 : index
        %get3A_1075 = tpu.vector_load %arg9[%get3A_1073, %get3A_1074] {strides = array<i32>} : memref<512x128xf32, #tpu.memory_space<vmem>>, vector<1x16xf32>,
        %get3A_1076 = vector.shape_cast %get3A_1075 : vector<1x16xf32> to vector<16xf32>
        %mul3A_1077 = arith.mulf %get3A_1076, %select_n3A_1071 : vector<16xf32>
        %add3A_1078 = arith.addf %add3A_1070, %mul3A_1077 : vector<16xf32>
        %select_n3A_1079 = arith.select %gt3A_1023, %get3A_179, %get3A_211 : vector<16xf32>
        %add3A_1080 = arith.addi %mul3A_80, %add3A_1021 : i32
        %get3A_1081 = arith.index_cast %add3A_1080 : i32 to index
        %get3A_1082 = arith.constant 112 : index
        %get3A_1083 = tpu.vector_load %arg9[%get3A_1081, %get3A_1082] {strides = array<i32>} : memref<512x128xf32, #tpu.memory_space<vmem>>, vector<1x16xf32>,
        %get3A_1084 = vector.shape_cast %get3A_1083 : vector<1x16xf32> to vector<16xf32>
        %mul3A_1085 = arith.mulf %get3A_1084, %select_n3A_1079 : vector<16xf32>
        %add3A_1086 = arith.addf %add3A_1078, %mul3A_1085 : vector<16xf32>
        %xor3A_1087 = arith.constant 8 : i32
        %xor3A_1088 = vector.broadcast %xor3A_1087 : i32 to vector<16xi32>
        %xor3A_1089 = arith.xori %iota3A, %xor3A_1088 : vector<16xi32>
        %broadcast_in_dim3A_1090 = vector.shape_cast %xor3A_1089 : vector<16xi32> to vector<16x1xi32>
        %gather3A_1091 = vector.shape_cast %broadcast_in_dim3A_1090 : vector<16x1xi32> to vector<16xi32>
        %gather3A_1092 = tpu.dynamic_gather %add3A_1086[%gather3A_1091] in [0] : vector<16xf32>, vector<16xi32> -> vector<16xf32>
        %add3A_1093 = arith.addf %add3A_1086, %gather3A_1092 : vector<16xf32>
        %xor3A_1094 = arith.constant 4 : i32
        %xor3A_1095 = vector.broadcast %xor3A_1094 : i32 to vector<16xi32>
        %xor3A_1096 = arith.xori %iota3A, %xor3A_1095 : vector<16xi32>
        %broadcast_in_dim3A_1097 = vector.shape_cast %xor3A_1096 : vector<16xi32> to vector<16x1xi32>
        %gather3A_1098 = vector.shape_cast %broadcast_in_dim3A_1097 : vector<16x1xi32> to vector<16xi32>
        %gather3A_1099 = tpu.dynamic_gather %add3A_1093[%gather3A_1098] in [0] : vector<16xf32>, vector<16xi32> -> vector<16xf32>
        %add3A_1100 = arith.addf %add3A_1093, %gather3A_1099 : vector<16xf32>
        %xor3A_1101 = arith.constant 2 : i32
        %xor3A_1102 = vector.broadcast %xor3A_1101 : i32 to vector<16xi32>
        %xor3A_1103 = arith.xori %iota3A, %xor3A_1102 : vector<16xi32>
        %broadcast_in_dim3A_1104 = vector.shape_cast %xor3A_1103 : vector<16xi32> to vector<16x1xi32>
        %gather3A_1105 = vector.shape_cast %broadcast_in_dim3A_1104 : vector<16x1xi32> to vector<16xi32>
        %gather3A_1106 = tpu.dynamic_gather %add3A_1100[%gather3A_1105] in [0] : vector<16xf32>, vector<16xi32> -> vector<16xf32>
        %add3A_1107 = arith.addf %add3A_1100, %gather3A_1106 : vector<16xf32>
        %xor3A_1108 = arith.constant 1 : i32
        %xor3A_1109 = vector.broadcast %xor3A_1108 : i32 to vector<16xi32>
        %xor3A_1110 = arith.xori %iota3A, %xor3A_1109 : vector<16xi32>
        %broadcast_in_dim3A_1111 = vector.shape_cast %xor3A_1110 : vector<16xi32> to vector<16x1xi32>
        %gather3A_1112 = vector.shape_cast %broadcast_in_dim3A_1111 : vector<16x1xi32> to vector<16xi32>
        %gather3A_1113 = tpu.dynamic_gather %add3A_1107[%gather3A_1112] in [0] : vector<16xf32>, vector<16xi32> -> vector<16xf32>
        %add3A_1114 = arith.addf %add3A_1107, %gather3A_1113 : vector<16xf32>
        %eq3A_1115 = arith.constant 8 : i32
        %eq3A_1116 = vector.broadcast %eq3A_1115 : i32 to vector<16xi32>
        %eq3A_1117 = arith.cmpi eq, %iota3A, %eq3A_1116 : vector<16xi32>
        %select_n3A_1118 = arith.select %eq3A_1117, %add3A_1114, %select_n3A_1017 : vector<16xi1>, vector<16xf32>
        %mul3A_1119 = arith.constant 16 : i32
        %mul3A_1120 = arith.muli %scan3A_89, %mul3A_1119 : i32
        %add3A_1121 = arith.constant 9 : i32
        %add3A_1122 = arith.addi %mul3A_1120, %add3A_1121 : i32
        %gt3A_1123 = arith.constant 9 : i32
        %gt3A_1124 = arith.cmpi sgt, %sub3A_148, %gt3A_1123 : i32
        %select_n3A_1125 = arith.select %gt3A_1124, %get3A_151, %get3A_183 : vector<16xf32>
        %add3A_1126 = arith.addi %mul3A_80, %add3A_1122 : i32
        %get3A_1127 = arith.index_cast %add3A_1126 : i32 to index
        %get3A_1128 = arith.constant 0 : index
        %get3A_1129 = tpu.vector_load %arg9[%get3A_1127, %get3A_1128] {strides = array<i32>} : memref<512x128xf32, #tpu.memory_space<vmem>>, vector<1x16xf32>,
        %get3A_1130 = vector.shape_cast %get3A_1129 : vector<1x16xf32> to vector<16xf32>
        %mul3A_1131 = arith.mulf %get3A_1130, %select_n3A_1125 : vector<16xf32>
        %select_n3A_1132 = arith.select %gt3A_1124, %get3A_155, %get3A_187 : vector<16xf32>
        %add3A_1133 = arith.addi %mul3A_80, %add3A_1122 : i32
        %get3A_1134 = arith.index_cast %add3A_1133 : i32 to index
        %get3A_1135 = arith.constant 16 : index
        %get3A_1136 = tpu.vector_load %arg9[%get3A_1134, %get3A_1135] {strides = array<i32>} : memref<512x128xf32, #tpu.memory_space<vmem>>, vector<1x16xf32>,
        %get3A_1137 = vector.shape_cast %get3A_1136 : vector<1x16xf32> to vector<16xf32>
        %mul3A_1138 = arith.mulf %get3A_1137, %select_n3A_1132 : vector<16xf32>
        %add3A_1139 = arith.addf %mul3A_1131, %mul3A_1138 : vector<16xf32>
        %select_n3A_1140 = arith.select %gt3A_1124, %get3A_159, %get3A_191 : vector<16xf32>
        %add3A_1141 = arith.addi %mul3A_80, %add3A_1122 : i32
        %get3A_1142 = arith.index_cast %add3A_1141 : i32 to index
        %get3A_1143 = arith.constant 32 : index
        %get3A_1144 = tpu.vector_load %arg9[%get3A_1142, %get3A_1143] {strides = array<i32>} : memref<512x128xf32, #tpu.memory_space<vmem>>, vector<1x16xf32>,
        %get3A_1145 = vector.shape_cast %get3A_1144 : vector<1x16xf32> to vector<16xf32>
        %mul3A_1146 = arith.mulf %get3A_1145, %select_n3A_1140 : vector<16xf32>
        %add3A_1147 = arith.addf %add3A_1139, %mul3A_1146 : vector<16xf32>
        %select_n3A_1148 = arith.select %gt3A_1124, %get3A_163, %get3A_195 : vector<16xf32>
        %add3A_1149 = arith.addi %mul3A_80, %add3A_1122 : i32
        %get3A_1150 = arith.index_cast %add3A_1149 : i32 to index
        %get3A_1151 = arith.constant 48 : index
        %get3A_1152 = tpu.vector_load %arg9[%get3A_1150, %get3A_1151] {strides = array<i32>} : memref<512x128xf32, #tpu.memory_space<vmem>>, vector<1x16xf32>,
        %get3A_1153 = vector.shape_cast %get3A_1152 : vector<1x16xf32> to vector<16xf32>
        %mul3A_1154 = arith.mulf %get3A_1153, %select_n3A_1148 : vector<16xf32>
        %add3A_1155 = arith.addf %add3A_1147, %mul3A_1154 : vector<16xf32>
        %select_n3A_1156 = arith.select %gt3A_1124, %get3A_167, %get3A_199 : vector<16xf32>
        %add3A_1157 = arith.addi %mul3A_80, %add3A_1122 : i32
        %get3A_1158 = arith.index_cast %add3A_1157 : i32 to index
        %get3A_1159 = arith.constant 64 : index
        %get3A_1160 = tpu.vector_load %arg9[%get3A_1158, %get3A_1159] {strides = array<i32>} : memref<512x128xf32, #tpu.memory_space<vmem>>, vector<1x16xf32>,
        %get3A_1161 = vector.shape_cast %get3A_1160 : vector<1x16xf32> to vector<16xf32>
        %mul3A_1162 = arith.mulf %get3A_1161, %select_n3A_1156 : vector<16xf32>
        %add3A_1163 = arith.addf %add3A_1155, %mul3A_1162 : vector<16xf32>
        %select_n3A_1164 = arith.select %gt3A_1124, %get3A_171, %get3A_203 : vector<16xf32>
        %add3A_1165 = arith.addi %mul3A_80, %add3A_1122 : i32
        %get3A_1166 = arith.index_cast %add3A_1165 : i32 to index
        %get3A_1167 = arith.constant 80 : index
        %get3A_1168 = tpu.vector_load %arg9[%get3A_1166, %get3A_1167] {strides = array<i32>} : memref<512x128xf32, #tpu.memory_space<vmem>>, vector<1x16xf32>,
        %get3A_1169 = vector.shape_cast %get3A_1168 : vector<1x16xf32> to vector<16xf32>
        %mul3A_1170 = arith.mulf %get3A_1169, %select_n3A_1164 : vector<16xf32>
        %add3A_1171 = arith.addf %add3A_1163, %mul3A_1170 : vector<16xf32>
        %select_n3A_1172 = arith.select %gt3A_1124, %get3A_175, %get3A_207 : vector<16xf32>
        %add3A_1173 = arith.addi %mul3A_80, %add3A_1122 : i32
        %get3A_1174 = arith.index_cast %add3A_1173 : i32 to index
        %get3A_1175 = arith.constant 96 : index
        %get3A_1176 = tpu.vector_load %arg9[%get3A_1174, %get3A_1175] {strides = array<i32>} : memref<512x128xf32, #tpu.memory_space<vmem>>, vector<1x16xf32>,
        %get3A_1177 = vector.shape_cast %get3A_1176 : vector<1x16xf32> to vector<16xf32>
        %mul3A_1178 = arith.mulf %get3A_1177, %select_n3A_1172 : vector<16xf32>
        %add3A_1179 = arith.addf %add3A_1171, %mul3A_1178 : vector<16xf32>
        %select_n3A_1180 = arith.select %gt3A_1124, %get3A_179, %get3A_211 : vector<16xf32>
        %add3A_1181 = arith.addi %mul3A_80, %add3A_1122 : i32
        %get3A_1182 = arith.index_cast %add3A_1181 : i32 to index
        %get3A_1183 = arith.constant 112 : index
        %get3A_1184 = tpu.vector_load %arg9[%get3A_1182, %get3A_1183] {strides = array<i32>} : memref<512x128xf32, #tpu.memory_space<vmem>>, vector<1x16xf32>,
        %get3A_1185 = vector.shape_cast %get3A_1184 : vector<1x16xf32> to vector<16xf32>
        %mul3A_1186 = arith.mulf %get3A_1185, %select_n3A_1180 : vector<16xf32>
        %add3A_1187 = arith.addf %add3A_1179, %mul3A_1186 : vector<16xf32>
        %xor3A_1188 = arith.constant 8 : i32
        %xor3A_1189 = vector.broadcast %xor3A_1188 : i32 to vector<16xi32>
        %xor3A_1190 = arith.xori %iota3A, %xor3A_1189 : vector<16xi32>
        %broadcast_in_dim3A_1191 = vector.shape_cast %xor3A_1190 : vector<16xi32> to vector<16x1xi32>
        %gather3A_1192 = vector.shape_cast %broadcast_in_dim3A_1191 : vector<16x1xi32> to vector<16xi32>
        %gather3A_1193 = tpu.dynamic_gather %add3A_1187[%gather3A_1192] in [0] : vector<16xf32>, vector<16xi32> -> vector<16xf32>
        %add3A_1194 = arith.addf %add3A_1187, %gather3A_1193 : vector<16xf32>
        %xor3A_1195 = arith.constant 4 : i32
        %xor3A_1196 = vector.broadcast %xor3A_1195 : i32 to vector<16xi32>
        %xor3A_1197 = arith.xori %iota3A, %xor3A_1196 : vector<16xi32>
        %broadcast_in_dim3A_1198 = vector.shape_cast %xor3A_1197 : vector<16xi32> to vector<16x1xi32>
        %gather3A_1199 = vector.shape_cast %broadcast_in_dim3A_1198 : vector<16x1xi32> to vector<16xi32>
        %gather3A_1200 = tpu.dynamic_gather %add3A_1194[%gather3A_1199] in [0] : vector<16xf32>, vector<16xi32> -> vector<16xf32>
        %add3A_1201 = arith.addf %add3A_1194, %gather3A_1200 : vector<16xf32>
        %xor3A_1202 = arith.constant 2 : i32
        %xor3A_1203 = vector.broadcast %xor3A_1202 : i32 to vector<16xi32>
        %xor3A_1204 = arith.xori %iota3A, %xor3A_1203 : vector<16xi32>
        %broadcast_in_dim3A_1205 = vector.shape_cast %xor3A_1204 : vector<16xi32> to vector<16x1xi32>
        %gather3A_1206 = vector.shape_cast %broadcast_in_dim3A_1205 : vector<16x1xi32> to vector<16xi32>
        %gather3A_1207 = tpu.dynamic_gather %add3A_1201[%gather3A_1206] in [0] : vector<16xf32>, vector<16xi32> -> vector<16xf32>
        %add3A_1208 = arith.addf %add3A_1201, %gather3A_1207 : vector<16xf32>
        %xor3A_1209 = arith.constant 1 : i32
        %xor3A_1210 = vector.broadcast %xor3A_1209 : i32 to vector<16xi32>
        %xor3A_1211 = arith.xori %iota3A, %xor3A_1210 : vector<16xi32>
        %broadcast_in_dim3A_1212 = vector.shape_cast %xor3A_1211 : vector<16xi32> to vector<16x1xi32>
        %gather3A_1213 = vector.shape_cast %broadcast_in_dim3A_1212 : vector<16x1xi32> to vector<16xi32>
        %gather3A_1214 = tpu.dynamic_gather %add3A_1208[%gather3A_1213] in [0] : vector<16xf32>, vector<16xi32> -> vector<16xf32>
        %add3A_1215 = arith.addf %add3A_1208, %gather3A_1214 : vector<16xf32>
        %eq3A_1216 = arith.constant 9 : i32
        %eq3A_1217 = vector.broadcast %eq3A_1216 : i32 to vector<16xi32>
        %eq3A_1218 = arith.cmpi eq, %iota3A, %eq3A_1217 : vector<16xi32>
        %select_n3A_1219 = arith.select %eq3A_1218, %add3A_1215, %select_n3A_1118 : vector<16xi1>, vector<16xf32>
        %mul3A_1220 = arith.constant 16 : i32
        %mul3A_1221 = arith.muli %scan3A_89, %mul3A_1220 : i32
        %add3A_1222 = arith.constant 10 : i32
        %add3A_1223 = arith.addi %mul3A_1221, %add3A_1222 : i32
        %gt3A_1224 = arith.constant 10 : i32
        %gt3A_1225 = arith.cmpi sgt, %sub3A_148, %gt3A_1224 : i32
        %select_n3A_1226 = arith.select %gt3A_1225, %get3A_151, %get3A_183 : vector<16xf32>
        %add3A_1227 = arith.addi %mul3A_80, %add3A_1223 : i32
        %get3A_1228 = arith.index_cast %add3A_1227 : i32 to index
        %get3A_1229 = arith.constant 0 : index
        %get3A_1230 = tpu.vector_load %arg9[%get3A_1228, %get3A_1229] {strides = array<i32>} : memref<512x128xf32, #tpu.memory_space<vmem>>, vector<1x16xf32>,
        %get3A_1231 = vector.shape_cast %get3A_1230 : vector<1x16xf32> to vector<16xf32>
        %mul3A_1232 = arith.mulf %get3A_1231, %select_n3A_1226 : vector<16xf32>
        %select_n3A_1233 = arith.select %gt3A_1225, %get3A_155, %get3A_187 : vector<16xf32>
        %add3A_1234 = arith.addi %mul3A_80, %add3A_1223 : i32
        %get3A_1235 = arith.index_cast %add3A_1234 : i32 to index
        %get3A_1236 = arith.constant 16 : index
        %get3A_1237 = tpu.vector_load %arg9[%get3A_1235, %get3A_1236] {strides = array<i32>} : memref<512x128xf32, #tpu.memory_space<vmem>>, vector<1x16xf32>,
        %get3A_1238 = vector.shape_cast %get3A_1237 : vector<1x16xf32> to vector<16xf32>
        %mul3A_1239 = arith.mulf %get3A_1238, %select_n3A_1233 : vector<16xf32>
        %add3A_1240 = arith.addf %mul3A_1232, %mul3A_1239 : vector<16xf32>
        %select_n3A_1241 = arith.select %gt3A_1225, %get3A_159, %get3A_191 : vector<16xf32>
        %add3A_1242 = arith.addi %mul3A_80, %add3A_1223 : i32
        %get3A_1243 = arith.index_cast %add3A_1242 : i32 to index
        %get3A_1244 = arith.constant 32 : index
        %get3A_1245 = tpu.vector_load %arg9[%get3A_1243, %get3A_1244] {strides = array<i32>} : memref<512x128xf32, #tpu.memory_space<vmem>>, vector<1x16xf32>,
        %get3A_1246 = vector.shape_cast %get3A_1245 : vector<1x16xf32> to vector<16xf32>
        %mul3A_1247 = arith.mulf %get3A_1246, %select_n3A_1241 : vector<16xf32>
        %add3A_1248 = arith.addf %add3A_1240, %mul3A_1247 : vector<16xf32>
        %select_n3A_1249 = arith.select %gt3A_1225, %get3A_163, %get3A_195 : vector<16xf32>
        %add3A_1250 = arith.addi %mul3A_80, %add3A_1223 : i32
        %get3A_1251 = arith.index_cast %add3A_1250 : i32 to index
        %get3A_1252 = arith.constant 48 : index
        %get3A_1253 = tpu.vector_load %arg9[%get3A_1251, %get3A_1252] {strides = array<i32>} : memref<512x128xf32, #tpu.memory_space<vmem>>, vector<1x16xf32>,
        %get3A_1254 = vector.shape_cast %get3A_1253 : vector<1x16xf32> to vector<16xf32>
        %mul3A_1255 = arith.mulf %get3A_1254, %select_n3A_1249 : vector<16xf32>
        %add3A_1256 = arith.addf %add3A_1248, %mul3A_1255 : vector<16xf32>
        %select_n3A_1257 = arith.select %gt3A_1225, %get3A_167, %get3A_199 : vector<16xf32>
        %add3A_1258 = arith.addi %mul3A_80, %add3A_1223 : i32
        %get3A_1259 = arith.index_cast %add3A_1258 : i32 to index
        %get3A_1260 = arith.constant 64 : index
        %get3A_1261 = tpu.vector_load %arg9[%get3A_1259, %get3A_1260] {strides = array<i32>} : memref<512x128xf32, #tpu.memory_space<vmem>>, vector<1x16xf32>,
        %get3A_1262 = vector.shape_cast %get3A_1261 : vector<1x16xf32> to vector<16xf32>
        %mul3A_1263 = arith.mulf %get3A_1262, %select_n3A_1257 : vector<16xf32>
        %add3A_1264 = arith.addf %add3A_1256, %mul3A_1263 : vector<16xf32>
        %select_n3A_1265 = arith.select %gt3A_1225, %get3A_171, %get3A_203 : vector<16xf32>
        %add3A_1266 = arith.addi %mul3A_80, %add3A_1223 : i32
        %get3A_1267 = arith.index_cast %add3A_1266 : i32 to index
        %get3A_1268 = arith.constant 80 : index
        %get3A_1269 = tpu.vector_load %arg9[%get3A_1267, %get3A_1268] {strides = array<i32>} : memref<512x128xf32, #tpu.memory_space<vmem>>, vector<1x16xf32>,
        %get3A_1270 = vector.shape_cast %get3A_1269 : vector<1x16xf32> to vector<16xf32>
        %mul3A_1271 = arith.mulf %get3A_1270, %select_n3A_1265 : vector<16xf32>
        %add3A_1272 = arith.addf %add3A_1264, %mul3A_1271 : vector<16xf32>
        %select_n3A_1273 = arith.select %gt3A_1225, %get3A_175, %get3A_207 : vector<16xf32>
        %add3A_1274 = arith.addi %mul3A_80, %add3A_1223 : i32
        %get3A_1275 = arith.index_cast %add3A_1274 : i32 to index
        %get3A_1276 = arith.constant 96 : index
        %get3A_1277 = tpu.vector_load %arg9[%get3A_1275, %get3A_1276] {strides = array<i32>} : memref<512x128xf32, #tpu.memory_space<vmem>>, vector<1x16xf32>,
        %get3A_1278 = vector.shape_cast %get3A_1277 : vector<1x16xf32> to vector<16xf32>
        %mul3A_1279 = arith.mulf %get3A_1278, %select_n3A_1273 : vector<16xf32>
        %add3A_1280 = arith.addf %add3A_1272, %mul3A_1279 : vector<16xf32>
        %select_n3A_1281 = arith.select %gt3A_1225, %get3A_179, %get3A_211 : vector<16xf32>
        %add3A_1282 = arith.addi %mul3A_80, %add3A_1223 : i32
        %get3A_1283 = arith.index_cast %add3A_1282 : i32 to index
        %get3A_1284 = arith.constant 112 : index
        %get3A_1285 = tpu.vector_load %arg9[%get3A_1283, %get3A_1284] {strides = array<i32>} : memref<512x128xf32, #tpu.memory_space<vmem>>, vector<1x16xf32>,
        %get3A_1286 = vector.shape_cast %get3A_1285 : vector<1x16xf32> to vector<16xf32>
        %mul3A_1287 = arith.mulf %get3A_1286, %select_n3A_1281 : vector<16xf32>
        %add3A_1288 = arith.addf %add3A_1280, %mul3A_1287 : vector<16xf32>
        %xor3A_1289 = arith.constant 8 : i32
        %xor3A_1290 = vector.broadcast %xor3A_1289 : i32 to vector<16xi32>
        %xor3A_1291 = arith.xori %iota3A, %xor3A_1290 : vector<16xi32>
        %broadcast_in_dim3A_1292 = vector.shape_cast %xor3A_1291 : vector<16xi32> to vector<16x1xi32>
        %gather3A_1293 = vector.shape_cast %broadcast_in_dim3A_1292 : vector<16x1xi32> to vector<16xi32>
        %gather3A_1294 = tpu.dynamic_gather %add3A_1288[%gather3A_1293] in [0] : vector<16xf32>, vector<16xi32> -> vector<16xf32>
        %add3A_1295 = arith.addf %add3A_1288, %gather3A_1294 : vector<16xf32>
        %xor3A_1296 = arith.constant 4 : i32
        %xor3A_1297 = vector.broadcast %xor3A_1296 : i32 to vector<16xi32>
        %xor3A_1298 = arith.xori %iota3A, %xor3A_1297 : vector<16xi32>
        %broadcast_in_dim3A_1299 = vector.shape_cast %xor3A_1298 : vector<16xi32> to vector<16x1xi32>
        %gather3A_1300 = vector.shape_cast %broadcast_in_dim3A_1299 : vector<16x1xi32> to vector<16xi32>
        %gather3A_1301 = tpu.dynamic_gather %add3A_1295[%gather3A_1300] in [0] : vector<16xf32>, vector<16xi32> -> vector<16xf32>
        %add3A_1302 = arith.addf %add3A_1295, %gather3A_1301 : vector<16xf32>
        %xor3A_1303 = arith.constant 2 : i32
        %xor3A_1304 = vector.broadcast %xor3A_1303 : i32 to vector<16xi32>
        %xor3A_1305 = arith.xori %iota3A, %xor3A_1304 : vector<16xi32>
        %broadcast_in_dim3A_1306 = vector.shape_cast %xor3A_1305 : vector<16xi32> to vector<16x1xi32>
        %gather3A_1307 = vector.shape_cast %broadcast_in_dim3A_1306 : vector<16x1xi32> to vector<16xi32>
        %gather3A_1308 = tpu.dynamic_gather %add3A_1302[%gather3A_1307] in [0] : vector<16xf32>, vector<16xi32> -> vector<16xf32>
        %add3A_1309 = arith.addf %add3A_1302, %gather3A_1308 : vector<16xf32>
        %xor3A_1310 = arith.constant 1 : i32
        %xor3A_1311 = vector.broadcast %xor3A_1310 : i32 to vector<16xi32>
        %xor3A_1312 = arith.xori %iota3A, %xor3A_1311 : vector<16xi32>
        %broadcast_in_dim3A_1313 = vector.shape_cast %xor3A_1312 : vector<16xi32> to vector<16x1xi32>
        %gather3A_1314 = vector.shape_cast %broadcast_in_dim3A_1313 : vector<16x1xi32> to vector<16xi32>
        %gather3A_1315 = tpu.dynamic_gather %add3A_1309[%gather3A_1314] in [0] : vector<16xf32>, vector<16xi32> -> vector<16xf32>
        %add3A_1316 = arith.addf %add3A_1309, %gather3A_1315 : vector<16xf32>
        %eq3A_1317 = arith.constant 10 : i32
        %eq3A_1318 = vector.broadcast %eq3A_1317 : i32 to vector<16xi32>
        %eq3A_1319 = arith.cmpi eq, %iota3A, %eq3A_1318 : vector<16xi32>
        %select_n3A_1320 = arith.select %eq3A_1319, %add3A_1316, %select_n3A_1219 : vector<16xi1>, vector<16xf32>
        %mul3A_1321 = arith.constant 16 : i32
        %mul3A_1322 = arith.muli %scan3A_89, %mul3A_1321 : i32
        %add3A_1323 = arith.constant 11 : i32
        %add3A_1324 = arith.addi %mul3A_1322, %add3A_1323 : i32
        %gt3A_1325 = arith.constant 11 : i32
        %gt3A_1326 = arith.cmpi sgt, %sub3A_148, %gt3A_1325 : i32
        %select_n3A_1327 = arith.select %gt3A_1326, %get3A_151, %get3A_183 : vector<16xf32>
        %add3A_1328 = arith.addi %mul3A_80, %add3A_1324 : i32
        %get3A_1329 = arith.index_cast %add3A_1328 : i32 to index
        %get3A_1330 = arith.constant 0 : index
        %get3A_1331 = tpu.vector_load %arg9[%get3A_1329, %get3A_1330] {strides = array<i32>} : memref<512x128xf32, #tpu.memory_space<vmem>>, vector<1x16xf32>,
        %get3A_1332 = vector.shape_cast %get3A_1331 : vector<1x16xf32> to vector<16xf32>
        %mul3A_1333 = arith.mulf %get3A_1332, %select_n3A_1327 : vector<16xf32>
        %select_n3A_1334 = arith.select %gt3A_1326, %get3A_155, %get3A_187 : vector<16xf32>
        %add3A_1335 = arith.addi %mul3A_80, %add3A_1324 : i32
        %get3A_1336 = arith.index_cast %add3A_1335 : i32 to index
        %get3A_1337 = arith.constant 16 : index
        %get3A_1338 = tpu.vector_load %arg9[%get3A_1336, %get3A_1337] {strides = array<i32>} : memref<512x128xf32, #tpu.memory_space<vmem>>, vector<1x16xf32>,
        %get3A_1339 = vector.shape_cast %get3A_1338 : vector<1x16xf32> to vector<16xf32>
        %mul3A_1340 = arith.mulf %get3A_1339, %select_n3A_1334 : vector<16xf32>
        %add3A_1341 = arith.addf %mul3A_1333, %mul3A_1340 : vector<16xf32>
        %select_n3A_1342 = arith.select %gt3A_1326, %get3A_159, %get3A_191 : vector<16xf32>
        %add3A_1343 = arith.addi %mul3A_80, %add3A_1324 : i32
        %get3A_1344 = arith.index_cast %add3A_1343 : i32 to index
        %get3A_1345 = arith.constant 32 : index
        %get3A_1346 = tpu.vector_load %arg9[%get3A_1344, %get3A_1345] {strides = array<i32>} : memref<512x128xf32, #tpu.memory_space<vmem>>, vector<1x16xf32>,
        %get3A_1347 = vector.shape_cast %get3A_1346 : vector<1x16xf32> to vector<16xf32>
        %mul3A_1348 = arith.mulf %get3A_1347, %select_n3A_1342 : vector<16xf32>
        %add3A_1349 = arith.addf %add3A_1341, %mul3A_1348 : vector<16xf32>
        %select_n3A_1350 = arith.select %gt3A_1326, %get3A_163, %get3A_195 : vector<16xf32>
        %add3A_1351 = arith.addi %mul3A_80, %add3A_1324 : i32
        %get3A_1352 = arith.index_cast %add3A_1351 : i32 to index
        %get3A_1353 = arith.constant 48 : index
        %get3A_1354 = tpu.vector_load %arg9[%get3A_1352, %get3A_1353] {strides = array<i32>} : memref<512x128xf32, #tpu.memory_space<vmem>>, vector<1x16xf32>,
        %get3A_1355 = vector.shape_cast %get3A_1354 : vector<1x16xf32> to vector<16xf32>
        %mul3A_1356 = arith.mulf %get3A_1355, %select_n3A_1350 : vector<16xf32>
        %add3A_1357 = arith.addf %add3A_1349, %mul3A_1356 : vector<16xf32>
        %select_n3A_1358 = arith.select %gt3A_1326, %get3A_167, %get3A_199 : vector<16xf32>
        %add3A_1359 = arith.addi %mul3A_80, %add3A_1324 : i32
        %get3A_1360 = arith.index_cast %add3A_1359 : i32 to index
        %get3A_1361 = arith.constant 64 : index
        %get3A_1362 = tpu.vector_load %arg9[%get3A_1360, %get3A_1361] {strides = array<i32>} : memref<512x128xf32, #tpu.memory_space<vmem>>, vector<1x16xf32>,
        %get3A_1363 = vector.shape_cast %get3A_1362 : vector<1x16xf32> to vector<16xf32>
        %mul3A_1364 = arith.mulf %get3A_1363, %select_n3A_1358 : vector<16xf32>
        %add3A_1365 = arith.addf %add3A_1357, %mul3A_1364 : vector<16xf32>
        %select_n3A_1366 = arith.select %gt3A_1326, %get3A_171, %get3A_203 : vector<16xf32>
        %add3A_1367 = arith.addi %mul3A_80, %add3A_1324 : i32
        %get3A_1368 = arith.index_cast %add3A_1367 : i32 to index
        %get3A_1369 = arith.constant 80 : index
        %get3A_1370 = tpu.vector_load %arg9[%get3A_1368, %get3A_1369] {strides = array<i32>} : memref<512x128xf32, #tpu.memory_space<vmem>>, vector<1x16xf32>,
        %get3A_1371 = vector.shape_cast %get3A_1370 : vector<1x16xf32> to vector<16xf32>
        %mul3A_1372 = arith.mulf %get3A_1371, %select_n3A_1366 : vector<16xf32>
        %add3A_1373 = arith.addf %add3A_1365, %mul3A_1372 : vector<16xf32>
        %select_n3A_1374 = arith.select %gt3A_1326, %get3A_175, %get3A_207 : vector<16xf32>
        %add3A_1375 = arith.addi %mul3A_80, %add3A_1324 : i32
        %get3A_1376 = arith.index_cast %add3A_1375 : i32 to index
        %get3A_1377 = arith.constant 96 : index
        %get3A_1378 = tpu.vector_load %arg9[%get3A_1376, %get3A_1377] {strides = array<i32>} : memref<512x128xf32, #tpu.memory_space<vmem>>, vector<1x16xf32>,
        %get3A_1379 = vector.shape_cast %get3A_1378 : vector<1x16xf32> to vector<16xf32>
        %mul3A_1380 = arith.mulf %get3A_1379, %select_n3A_1374 : vector<16xf32>
        %add3A_1381 = arith.addf %add3A_1373, %mul3A_1380 : vector<16xf32>
        %select_n3A_1382 = arith.select %gt3A_1326, %get3A_179, %get3A_211 : vector<16xf32>
        %add3A_1383 = arith.addi %mul3A_80, %add3A_1324 : i32
        %get3A_1384 = arith.index_cast %add3A_1383 : i32 to index
        %get3A_1385 = arith.constant 112 : index
        %get3A_1386 = tpu.vector_load %arg9[%get3A_1384, %get3A_1385] {strides = array<i32>} : memref<512x128xf32, #tpu.memory_space<vmem>>, vector<1x16xf32>,
        %get3A_1387 = vector.shape_cast %get3A_1386 : vector<1x16xf32> to vector<16xf32>
        %mul3A_1388 = arith.mulf %get3A_1387, %select_n3A_1382 : vector<16xf32>
        %add3A_1389 = arith.addf %add3A_1381, %mul3A_1388 : vector<16xf32>
        %xor3A_1390 = arith.constant 8 : i32
        %xor3A_1391 = vector.broadcast %xor3A_1390 : i32 to vector<16xi32>
        %xor3A_1392 = arith.xori %iota3A, %xor3A_1391 : vector<16xi32>
        %broadcast_in_dim3A_1393 = vector.shape_cast %xor3A_1392 : vector<16xi32> to vector<16x1xi32>
        %gather3A_1394 = vector.shape_cast %broadcast_in_dim3A_1393 : vector<16x1xi32> to vector<16xi32>
        %gather3A_1395 = tpu.dynamic_gather %add3A_1389[%gather3A_1394] in [0] : vector<16xf32>, vector<16xi32> -> vector<16xf32>
        %add3A_1396 = arith.addf %add3A_1389, %gather3A_1395 : vector<16xf32>
        %xor3A_1397 = arith.constant 4 : i32
        %xor3A_1398 = vector.broadcast %xor3A_1397 : i32 to vector<16xi32>
        %xor3A_1399 = arith.xori %iota3A, %xor3A_1398 : vector<16xi32>
        %broadcast_in_dim3A_1400 = vector.shape_cast %xor3A_1399 : vector<16xi32> to vector<16x1xi32>
        %gather3A_1401 = vector.shape_cast %broadcast_in_dim3A_1400 : vector<16x1xi32> to vector<16xi32>
        %gather3A_1402 = tpu.dynamic_gather %add3A_1396[%gather3A_1401] in [0] : vector<16xf32>, vector<16xi32> -> vector<16xf32>
        %add3A_1403 = arith.addf %add3A_1396, %gather3A_1402 : vector<16xf32>
        %xor3A_1404 = arith.constant 2 : i32
        %xor3A_1405 = vector.broadcast %xor3A_1404 : i32 to vector<16xi32>
        %xor3A_1406 = arith.xori %iota3A, %xor3A_1405 : vector<16xi32>
        %broadcast_in_dim3A_1407 = vector.shape_cast %xor3A_1406 : vector<16xi32> to vector<16x1xi32>
        %gather3A_1408 = vector.shape_cast %broadcast_in_dim3A_1407 : vector<16x1xi32> to vector<16xi32>
        %gather3A_1409 = tpu.dynamic_gather %add3A_1403[%gather3A_1408] in [0] : vector<16xf32>, vector<16xi32> -> vector<16xf32>
        %add3A_1410 = arith.addf %add3A_1403, %gather3A_1409 : vector<16xf32>
        %xor3A_1411 = arith.constant 1 : i32
        %xor3A_1412 = vector.broadcast %xor3A_1411 : i32 to vector<16xi32>
        %xor3A_1413 = arith.xori %iota3A, %xor3A_1412 : vector<16xi32>
        %broadcast_in_dim3A_1414 = vector.shape_cast %xor3A_1413 : vector<16xi32> to vector<16x1xi32>
        %gather3A_1415 = vector.shape_cast %broadcast_in_dim3A_1414 : vector<16x1xi32> to vector<16xi32>
        %gather3A_1416 = tpu.dynamic_gather %add3A_1410[%gather3A_1415] in [0] : vector<16xf32>, vector<16xi32> -> vector<16xf32>
        %add3A_1417 = arith.addf %add3A_1410, %gather3A_1416 : vector<16xf32>
        %eq3A_1418 = arith.constant 11 : i32
        %eq3A_1419 = vector.broadcast %eq3A_1418 : i32 to vector<16xi32>
        %eq3A_1420 = arith.cmpi eq, %iota3A, %eq3A_1419 : vector<16xi32>
        %select_n3A_1421 = arith.select %eq3A_1420, %add3A_1417, %select_n3A_1320 : vector<16xi1>, vector<16xf32>
        %mul3A_1422 = arith.constant 16 : i32
        %mul3A_1423 = arith.muli %scan3A_89, %mul3A_1422 : i32
        %add3A_1424 = arith.constant 12 : i32
        %add3A_1425 = arith.addi %mul3A_1423, %add3A_1424 : i32
        %gt3A_1426 = arith.constant 12 : i32
        %gt3A_1427 = arith.cmpi sgt, %sub3A_148, %gt3A_1426 : i32
        %select_n3A_1428 = arith.select %gt3A_1427, %get3A_151, %get3A_183 : vector<16xf32>
        %add3A_1429 = arith.addi %mul3A_80, %add3A_1425 : i32
        %get3A_1430 = arith.index_cast %add3A_1429 : i32 to index
        %get3A_1431 = arith.constant 0 : index
        %get3A_1432 = tpu.vector_load %arg9[%get3A_1430, %get3A_1431] {strides = array<i32>} : memref<512x128xf32, #tpu.memory_space<vmem>>, vector<1x16xf32>,
        %get3A_1433 = vector.shape_cast %get3A_1432 : vector<1x16xf32> to vector<16xf32>
        %mul3A_1434 = arith.mulf %get3A_1433, %select_n3A_1428 : vector<16xf32>
        %select_n3A_1435 = arith.select %gt3A_1427, %get3A_155, %get3A_187 : vector<16xf32>
        %add3A_1436 = arith.addi %mul3A_80, %add3A_1425 : i32
        %get3A_1437 = arith.index_cast %add3A_1436 : i32 to index
        %get3A_1438 = arith.constant 16 : index
        %get3A_1439 = tpu.vector_load %arg9[%get3A_1437, %get3A_1438] {strides = array<i32>} : memref<512x128xf32, #tpu.memory_space<vmem>>, vector<1x16xf32>,
        %get3A_1440 = vector.shape_cast %get3A_1439 : vector<1x16xf32> to vector<16xf32>
        %mul3A_1441 = arith.mulf %get3A_1440, %select_n3A_1435 : vector<16xf32>
        %add3A_1442 = arith.addf %mul3A_1434, %mul3A_1441 : vector<16xf32>
        %select_n3A_1443 = arith.select %gt3A_1427, %get3A_159, %get3A_191 : vector<16xf32>
        %add3A_1444 = arith.addi %mul3A_80, %add3A_1425 : i32
        %get3A_1445 = arith.index_cast %add3A_1444 : i32 to index
        %get3A_1446 = arith.constant 32 : index
        %get3A_1447 = tpu.vector_load %arg9[%get3A_1445, %get3A_1446] {strides = array<i32>} : memref<512x128xf32, #tpu.memory_space<vmem>>, vector<1x16xf32>,
        %get3A_1448 = vector.shape_cast %get3A_1447 : vector<1x16xf32> to vector<16xf32>
        %mul3A_1449 = arith.mulf %get3A_1448, %select_n3A_1443 : vector<16xf32>
        %add3A_1450 = arith.addf %add3A_1442, %mul3A_1449 : vector<16xf32>
        %select_n3A_1451 = arith.select %gt3A_1427, %get3A_163, %get3A_195 : vector<16xf32>
        %add3A_1452 = arith.addi %mul3A_80, %add3A_1425 : i32
        %get3A_1453 = arith.index_cast %add3A_1452 : i32 to index
        %get3A_1454 = arith.constant 48 : index
        %get3A_1455 = tpu.vector_load %arg9[%get3A_1453, %get3A_1454] {strides = array<i32>} : memref<512x128xf32, #tpu.memory_space<vmem>>, vector<1x16xf32>,
        %get3A_1456 = vector.shape_cast %get3A_1455 : vector<1x16xf32> to vector<16xf32>
        %mul3A_1457 = arith.mulf %get3A_1456, %select_n3A_1451 : vector<16xf32>
        %add3A_1458 = arith.addf %add3A_1450, %mul3A_1457 : vector<16xf32>
        %select_n3A_1459 = arith.select %gt3A_1427, %get3A_167, %get3A_199 : vector<16xf32>
        %add3A_1460 = arith.addi %mul3A_80, %add3A_1425 : i32
        %get3A_1461 = arith.index_cast %add3A_1460 : i32 to index
        %get3A_1462 = arith.constant 64 : index
        %get3A_1463 = tpu.vector_load %arg9[%get3A_1461, %get3A_1462] {strides = array<i32>} : memref<512x128xf32, #tpu.memory_space<vmem>>, vector<1x16xf32>,
        %get3A_1464 = vector.shape_cast %get3A_1463 : vector<1x16xf32> to vector<16xf32>
        %mul3A_1465 = arith.mulf %get3A_1464, %select_n3A_1459 : vector<16xf32>
        %add3A_1466 = arith.addf %add3A_1458, %mul3A_1465 : vector<16xf32>
        %select_n3A_1467 = arith.select %gt3A_1427, %get3A_171, %get3A_203 : vector<16xf32>
        %add3A_1468 = arith.addi %mul3A_80, %add3A_1425 : i32
        %get3A_1469 = arith.index_cast %add3A_1468 : i32 to index
        %get3A_1470 = arith.constant 80 : index
        %get3A_1471 = tpu.vector_load %arg9[%get3A_1469, %get3A_1470] {strides = array<i32>} : memref<512x128xf32, #tpu.memory_space<vmem>>, vector<1x16xf32>,
        %get3A_1472 = vector.shape_cast %get3A_1471 : vector<1x16xf32> to vector<16xf32>
        %mul3A_1473 = arith.mulf %get3A_1472, %select_n3A_1467 : vector<16xf32>
        %add3A_1474 = arith.addf %add3A_1466, %mul3A_1473 : vector<16xf32>
        %select_n3A_1475 = arith.select %gt3A_1427, %get3A_175, %get3A_207 : vector<16xf32>
        %add3A_1476 = arith.addi %mul3A_80, %add3A_1425 : i32
        %get3A_1477 = arith.index_cast %add3A_1476 : i32 to index
        %get3A_1478 = arith.constant 96 : index
        %get3A_1479 = tpu.vector_load %arg9[%get3A_1477, %get3A_1478] {strides = array<i32>} : memref<512x128xf32, #tpu.memory_space<vmem>>, vector<1x16xf32>,
        %get3A_1480 = vector.shape_cast %get3A_1479 : vector<1x16xf32> to vector<16xf32>
        %mul3A_1481 = arith.mulf %get3A_1480, %select_n3A_1475 : vector<16xf32>
        %add3A_1482 = arith.addf %add3A_1474, %mul3A_1481 : vector<16xf32>
        %select_n3A_1483 = arith.select %gt3A_1427, %get3A_179, %get3A_211 : vector<16xf32>
        %add3A_1484 = arith.addi %mul3A_80, %add3A_1425 : i32
        %get3A_1485 = arith.index_cast %add3A_1484 : i32 to index
        %get3A_1486 = arith.constant 112 : index
        %get3A_1487 = tpu.vector_load %arg9[%get3A_1485, %get3A_1486] {strides = array<i32>} : memref<512x128xf32, #tpu.memory_space<vmem>>, vector<1x16xf32>,
        %get3A_1488 = vector.shape_cast %get3A_1487 : vector<1x16xf32> to vector<16xf32>
        %mul3A_1489 = arith.mulf %get3A_1488, %select_n3A_1483 : vector<16xf32>
        %add3A_1490 = arith.addf %add3A_1482, %mul3A_1489 : vector<16xf32>
        %xor3A_1491 = arith.constant 8 : i32
        %xor3A_1492 = vector.broadcast %xor3A_1491 : i32 to vector<16xi32>
        %xor3A_1493 = arith.xori %iota3A, %xor3A_1492 : vector<16xi32>
        %broadcast_in_dim3A_1494 = vector.shape_cast %xor3A_1493 : vector<16xi32> to vector<16x1xi32>
        %gather3A_1495 = vector.shape_cast %broadcast_in_dim3A_1494 : vector<16x1xi32> to vector<16xi32>
        %gather3A_1496 = tpu.dynamic_gather %add3A_1490[%gather3A_1495] in [0] : vector<16xf32>, vector<16xi32> -> vector<16xf32>
        %add3A_1497 = arith.addf %add3A_1490, %gather3A_1496 : vector<16xf32>
        %xor3A_1498 = arith.constant 4 : i32
        %xor3A_1499 = vector.broadcast %xor3A_1498 : i32 to vector<16xi32>
        %xor3A_1500 = arith.xori %iota3A, %xor3A_1499 : vector<16xi32>
        %broadcast_in_dim3A_1501 = vector.shape_cast %xor3A_1500 : vector<16xi32> to vector<16x1xi32>
        %gather3A_1502 = vector.shape_cast %broadcast_in_dim3A_1501 : vector<16x1xi32> to vector<16xi32>
        %gather3A_1503 = tpu.dynamic_gather %add3A_1497[%gather3A_1502] in [0] : vector<16xf32>, vector<16xi32> -> vector<16xf32>
        %add3A_1504 = arith.addf %add3A_1497, %gather3A_1503 : vector<16xf32>
        %xor3A_1505 = arith.constant 2 : i32
        %xor3A_1506 = vector.broadcast %xor3A_1505 : i32 to vector<16xi32>
        %xor3A_1507 = arith.xori %iota3A, %xor3A_1506 : vector<16xi32>
        %broadcast_in_dim3A_1508 = vector.shape_cast %xor3A_1507 : vector<16xi32> to vector<16x1xi32>
        %gather3A_1509 = vector.shape_cast %broadcast_in_dim3A_1508 : vector<16x1xi32> to vector<16xi32>
        %gather3A_1510 = tpu.dynamic_gather %add3A_1504[%gather3A_1509] in [0] : vector<16xf32>, vector<16xi32> -> vector<16xf32>
        %add3A_1511 = arith.addf %add3A_1504, %gather3A_1510 : vector<16xf32>
        %xor3A_1512 = arith.constant 1 : i32
        %xor3A_1513 = vector.broadcast %xor3A_1512 : i32 to vector<16xi32>
        %xor3A_1514 = arith.xori %iota3A, %xor3A_1513 : vector<16xi32>
        %broadcast_in_dim3A_1515 = vector.shape_cast %xor3A_1514 : vector<16xi32> to vector<16x1xi32>
        %gather3A_1516 = vector.shape_cast %broadcast_in_dim3A_1515 : vector<16x1xi32> to vector<16xi32>
        %gather3A_1517 = tpu.dynamic_gather %add3A_1511[%gather3A_1516] in [0] : vector<16xf32>, vector<16xi32> -> vector<16xf32>
        %add3A_1518 = arith.addf %add3A_1511, %gather3A_1517 : vector<16xf32>
        %eq3A_1519 = arith.constant 12 : i32
        %eq3A_1520 = vector.broadcast %eq3A_1519 : i32 to vector<16xi32>
        %eq3A_1521 = arith.cmpi eq, %iota3A, %eq3A_1520 : vector<16xi32>
        %select_n3A_1522 = arith.select %eq3A_1521, %add3A_1518, %select_n3A_1421 : vector<16xi1>, vector<16xf32>
        %mul3A_1523 = arith.constant 16 : i32
        %mul3A_1524 = arith.muli %scan3A_89, %mul3A_1523 : i32
        %add3A_1525 = arith.constant 13 : i32
        %add3A_1526 = arith.addi %mul3A_1524, %add3A_1525 : i32
        %gt3A_1527 = arith.constant 13 : i32
        %gt3A_1528 = arith.cmpi sgt, %sub3A_148, %gt3A_1527 : i32
        %select_n3A_1529 = arith.select %gt3A_1528, %get3A_151, %get3A_183 : vector<16xf32>
        %add3A_1530 = arith.addi %mul3A_80, %add3A_1526 : i32
        %get3A_1531 = arith.index_cast %add3A_1530 : i32 to index
        %get3A_1532 = arith.constant 0 : index
        %get3A_1533 = tpu.vector_load %arg9[%get3A_1531, %get3A_1532] {strides = array<i32>} : memref<512x128xf32, #tpu.memory_space<vmem>>, vector<1x16xf32>,
        %get3A_1534 = vector.shape_cast %get3A_1533 : vector<1x16xf32> to vector<16xf32>
        %mul3A_1535 = arith.mulf %get3A_1534, %select_n3A_1529 : vector<16xf32>
        %select_n3A_1536 = arith.select %gt3A_1528, %get3A_155, %get3A_187 : vector<16xf32>
        %add3A_1537 = arith.addi %mul3A_80, %add3A_1526 : i32
        %get3A_1538 = arith.index_cast %add3A_1537 : i32 to index
        %get3A_1539 = arith.constant 16 : index
        %get3A_1540 = tpu.vector_load %arg9[%get3A_1538, %get3A_1539] {strides = array<i32>} : memref<512x128xf32, #tpu.memory_space<vmem>>, vector<1x16xf32>,
        %get3A_1541 = vector.shape_cast %get3A_1540 : vector<1x16xf32> to vector<16xf32>
        %mul3A_1542 = arith.mulf %get3A_1541, %select_n3A_1536 : vector<16xf32>
        %add3A_1543 = arith.addf %mul3A_1535, %mul3A_1542 : vector<16xf32>
        %select_n3A_1544 = arith.select %gt3A_1528, %get3A_159, %get3A_191 : vector<16xf32>
        %add3A_1545 = arith.addi %mul3A_80, %add3A_1526 : i32
        %get3A_1546 = arith.index_cast %add3A_1545 : i32 to index
        %get3A_1547 = arith.constant 32 : index
        %get3A_1548 = tpu.vector_load %arg9[%get3A_1546, %get3A_1547] {strides = array<i32>} : memref<512x128xf32, #tpu.memory_space<vmem>>, vector<1x16xf32>,
        %get3A_1549 = vector.shape_cast %get3A_1548 : vector<1x16xf32> to vector<16xf32>
        %mul3A_1550 = arith.mulf %get3A_1549, %select_n3A_1544 : vector<16xf32>
        %add3A_1551 = arith.addf %add3A_1543, %mul3A_1550 : vector<16xf32>
        %select_n3A_1552 = arith.select %gt3A_1528, %get3A_163, %get3A_195 : vector<16xf32>
        %add3A_1553 = arith.addi %mul3A_80, %add3A_1526 : i32
        %get3A_1554 = arith.index_cast %add3A_1553 : i32 to index
        %get3A_1555 = arith.constant 48 : index
        %get3A_1556 = tpu.vector_load %arg9[%get3A_1554, %get3A_1555] {strides = array<i32>} : memref<512x128xf32, #tpu.memory_space<vmem>>, vector<1x16xf32>,
        %get3A_1557 = vector.shape_cast %get3A_1556 : vector<1x16xf32> to vector<16xf32>
        %mul3A_1558 = arith.mulf %get3A_1557, %select_n3A_1552 : vector<16xf32>
        %add3A_1559 = arith.addf %add3A_1551, %mul3A_1558 : vector<16xf32>
        %select_n3A_1560 = arith.select %gt3A_1528, %get3A_167, %get3A_199 : vector<16xf32>
        %add3A_1561 = arith.addi %mul3A_80, %add3A_1526 : i32
        %get3A_1562 = arith.index_cast %add3A_1561 : i32 to index
        %get3A_1563 = arith.constant 64 : index
        %get3A_1564 = tpu.vector_load %arg9[%get3A_1562, %get3A_1563] {strides = array<i32>} : memref<512x128xf32, #tpu.memory_space<vmem>>, vector<1x16xf32>,
        %get3A_1565 = vector.shape_cast %get3A_1564 : vector<1x16xf32> to vector<16xf32>
        %mul3A_1566 = arith.mulf %get3A_1565, %select_n3A_1560 : vector<16xf32>
        %add3A_1567 = arith.addf %add3A_1559, %mul3A_1566 : vector<16xf32>
        %select_n3A_1568 = arith.select %gt3A_1528, %get3A_171, %get3A_203 : vector<16xf32>
        %add3A_1569 = arith.addi %mul3A_80, %add3A_1526 : i32
        %get3A_1570 = arith.index_cast %add3A_1569 : i32 to index
        %get3A_1571 = arith.constant 80 : index
        %get3A_1572 = tpu.vector_load %arg9[%get3A_1570, %get3A_1571] {strides = array<i32>} : memref<512x128xf32, #tpu.memory_space<vmem>>, vector<1x16xf32>,
        %get3A_1573 = vector.shape_cast %get3A_1572 : vector<1x16xf32> to vector<16xf32>
        %mul3A_1574 = arith.mulf %get3A_1573, %select_n3A_1568 : vector<16xf32>
        %add3A_1575 = arith.addf %add3A_1567, %mul3A_1574 : vector<16xf32>
        %select_n3A_1576 = arith.select %gt3A_1528, %get3A_175, %get3A_207 : vector<16xf32>
        %add3A_1577 = arith.addi %mul3A_80, %add3A_1526 : i32
        %get3A_1578 = arith.index_cast %add3A_1577 : i32 to index
        %get3A_1579 = arith.constant 96 : index
        %get3A_1580 = tpu.vector_load %arg9[%get3A_1578, %get3A_1579] {strides = array<i32>} : memref<512x128xf32, #tpu.memory_space<vmem>>, vector<1x16xf32>,
        %get3A_1581 = vector.shape_cast %get3A_1580 : vector<1x16xf32> to vector<16xf32>
        %mul3A_1582 = arith.mulf %get3A_1581, %select_n3A_1576 : vector<16xf32>
        %add3A_1583 = arith.addf %add3A_1575, %mul3A_1582 : vector<16xf32>
        %select_n3A_1584 = arith.select %gt3A_1528, %get3A_179, %get3A_211 : vector<16xf32>
        %add3A_1585 = arith.addi %mul3A_80, %add3A_1526 : i32
        %get3A_1586 = arith.index_cast %add3A_1585 : i32 to index
        %get3A_1587 = arith.constant 112 : index
        %get3A_1588 = tpu.vector_load %arg9[%get3A_1586, %get3A_1587] {strides = array<i32>} : memref<512x128xf32, #tpu.memory_space<vmem>>, vector<1x16xf32>,
        %get3A_1589 = vector.shape_cast %get3A_1588 : vector<1x16xf32> to vector<16xf32>
        %mul3A_1590 = arith.mulf %get3A_1589, %select_n3A_1584 : vector<16xf32>
        %add3A_1591 = arith.addf %add3A_1583, %mul3A_1590 : vector<16xf32>
        %xor3A_1592 = arith.constant 8 : i32
        %xor3A_1593 = vector.broadcast %xor3A_1592 : i32 to vector<16xi32>
        %xor3A_1594 = arith.xori %iota3A, %xor3A_1593 : vector<16xi32>
        %broadcast_in_dim3A_1595 = vector.shape_cast %xor3A_1594 : vector<16xi32> to vector<16x1xi32>
        %gather3A_1596 = vector.shape_cast %broadcast_in_dim3A_1595 : vector<16x1xi32> to vector<16xi32>
        %gather3A_1597 = tpu.dynamic_gather %add3A_1591[%gather3A_1596] in [0] : vector<16xf32>, vector<16xi32> -> vector<16xf32>
        %add3A_1598 = arith.addf %add3A_1591, %gather3A_1597 : vector<16xf32>
        %xor3A_1599 = arith.constant 4 : i32
        %xor3A_1600 = vector.broadcast %xor3A_1599 : i32 to vector<16xi32>
        %xor3A_1601 = arith.xori %iota3A, %xor3A_1600 : vector<16xi32>
        %broadcast_in_dim3A_1602 = vector.shape_cast %xor3A_1601 : vector<16xi32> to vector<16x1xi32>
        %gather3A_1603 = vector.shape_cast %broadcast_in_dim3A_1602 : vector<16x1xi32> to vector<16xi32>
        %gather3A_1604 = tpu.dynamic_gather %add3A_1598[%gather3A_1603] in [0] : vector<16xf32>, vector<16xi32> -> vector<16xf32>
        %add3A_1605 = arith.addf %add3A_1598, %gather3A_1604 : vector<16xf32>
        %xor3A_1606 = arith.constant 2 : i32
        %xor3A_1607 = vector.broadcast %xor3A_1606 : i32 to vector<16xi32>
        %xor3A_1608 = arith.xori %iota3A, %xor3A_1607 : vector<16xi32>
        %broadcast_in_dim3A_1609 = vector.shape_cast %xor3A_1608 : vector<16xi32> to vector<16x1xi32>
        %gather3A_1610 = vector.shape_cast %broadcast_in_dim3A_1609 : vector<16x1xi32> to vector<16xi32>
        %gather3A_1611 = tpu.dynamic_gather %add3A_1605[%gather3A_1610] in [0] : vector<16xf32>, vector<16xi32> -> vector<16xf32>
        %add3A_1612 = arith.addf %add3A_1605, %gather3A_1611 : vector<16xf32>
        %xor3A_1613 = arith.constant 1 : i32
        %xor3A_1614 = vector.broadcast %xor3A_1613 : i32 to vector<16xi32>
        %xor3A_1615 = arith.xori %iota3A, %xor3A_1614 : vector<16xi32>
        %broadcast_in_dim3A_1616 = vector.shape_cast %xor3A_1615 : vector<16xi32> to vector<16x1xi32>
        %gather3A_1617 = vector.shape_cast %broadcast_in_dim3A_1616 : vector<16x1xi32> to vector<16xi32>
        %gather3A_1618 = tpu.dynamic_gather %add3A_1612[%gather3A_1617] in [0] : vector<16xf32>, vector<16xi32> -> vector<16xf32>
        %add3A_1619 = arith.addf %add3A_1612, %gather3A_1618 : vector<16xf32>
        %eq3A_1620 = arith.constant 13 : i32
        %eq3A_1621 = vector.broadcast %eq3A_1620 : i32 to vector<16xi32>
        %eq3A_1622 = arith.cmpi eq, %iota3A, %eq3A_1621 : vector<16xi32>
        %select_n3A_1623 = arith.select %eq3A_1622, %add3A_1619, %select_n3A_1522 : vector<16xi1>, vector<16xf32>
        %mul3A_1624 = arith.constant 16 : i32
        %mul3A_1625 = arith.muli %scan3A_89, %mul3A_1624 : i32
        %add3A_1626 = arith.constant 14 : i32
        %add3A_1627 = arith.addi %mul3A_1625, %add3A_1626 : i32
        %gt3A_1628 = arith.constant 14 : i32
        %gt3A_1629 = arith.cmpi sgt, %sub3A_148, %gt3A_1628 : i32
        %select_n3A_1630 = arith.select %gt3A_1629, %get3A_151, %get3A_183 : vector<16xf32>
        %add3A_1631 = arith.addi %mul3A_80, %add3A_1627 : i32
        %get3A_1632 = arith.index_cast %add3A_1631 : i32 to index
        %get3A_1633 = arith.constant 0 : index
        %get3A_1634 = tpu.vector_load %arg9[%get3A_1632, %get3A_1633] {strides = array<i32>} : memref<512x128xf32, #tpu.memory_space<vmem>>, vector<1x16xf32>,
        %get3A_1635 = vector.shape_cast %get3A_1634 : vector<1x16xf32> to vector<16xf32>
        %mul3A_1636 = arith.mulf %get3A_1635, %select_n3A_1630 : vector<16xf32>
        %select_n3A_1637 = arith.select %gt3A_1629, %get3A_155, %get3A_187 : vector<16xf32>
        %add3A_1638 = arith.addi %mul3A_80, %add3A_1627 : i32
        %get3A_1639 = arith.index_cast %add3A_1638 : i32 to index
        %get3A_1640 = arith.constant 16 : index
        %get3A_1641 = tpu.vector_load %arg9[%get3A_1639, %get3A_1640] {strides = array<i32>} : memref<512x128xf32, #tpu.memory_space<vmem>>, vector<1x16xf32>,
        %get3A_1642 = vector.shape_cast %get3A_1641 : vector<1x16xf32> to vector<16xf32>
        %mul3A_1643 = arith.mulf %get3A_1642, %select_n3A_1637 : vector<16xf32>
        %add3A_1644 = arith.addf %mul3A_1636, %mul3A_1643 : vector<16xf32>
        %select_n3A_1645 = arith.select %gt3A_1629, %get3A_159, %get3A_191 : vector<16xf32>
        %add3A_1646 = arith.addi %mul3A_80, %add3A_1627 : i32
        %get3A_1647 = arith.index_cast %add3A_1646 : i32 to index
        %get3A_1648 = arith.constant 32 : index
        %get3A_1649 = tpu.vector_load %arg9[%get3A_1647, %get3A_1648] {strides = array<i32>} : memref<512x128xf32, #tpu.memory_space<vmem>>, vector<1x16xf32>,
        %get3A_1650 = vector.shape_cast %get3A_1649 : vector<1x16xf32> to vector<16xf32>
        %mul3A_1651 = arith.mulf %get3A_1650, %select_n3A_1645 : vector<16xf32>
        %add3A_1652 = arith.addf %add3A_1644, %mul3A_1651 : vector<16xf32>
        %select_n3A_1653 = arith.select %gt3A_1629, %get3A_163, %get3A_195 : vector<16xf32>
        %add3A_1654 = arith.addi %mul3A_80, %add3A_1627 : i32
        %get3A_1655 = arith.index_cast %add3A_1654 : i32 to index
        %get3A_1656 = arith.constant 48 : index
        %get3A_1657 = tpu.vector_load %arg9[%get3A_1655, %get3A_1656] {strides = array<i32>} : memref<512x128xf32, #tpu.memory_space<vmem>>, vector<1x16xf32>,
        %get3A_1658 = vector.shape_cast %get3A_1657 : vector<1x16xf32> to vector<16xf32>
        %mul3A_1659 = arith.mulf %get3A_1658, %select_n3A_1653 : vector<16xf32>
        %add3A_1660 = arith.addf %add3A_1652, %mul3A_1659 : vector<16xf32>
        %select_n3A_1661 = arith.select %gt3A_1629, %get3A_167, %get3A_199 : vector<16xf32>
        %add3A_1662 = arith.addi %mul3A_80, %add3A_1627 : i32
        %get3A_1663 = arith.index_cast %add3A_1662 : i32 to index
        %get3A_1664 = arith.constant 64 : index
        %get3A_1665 = tpu.vector_load %arg9[%get3A_1663, %get3A_1664] {strides = array<i32>} : memref<512x128xf32, #tpu.memory_space<vmem>>, vector<1x16xf32>,
        %get3A_1666 = vector.shape_cast %get3A_1665 : vector<1x16xf32> to vector<16xf32>
        %mul3A_1667 = arith.mulf %get3A_1666, %select_n3A_1661 : vector<16xf32>
        %add3A_1668 = arith.addf %add3A_1660, %mul3A_1667 : vector<16xf32>
        %select_n3A_1669 = arith.select %gt3A_1629, %get3A_171, %get3A_203 : vector<16xf32>
        %add3A_1670 = arith.addi %mul3A_80, %add3A_1627 : i32
        %get3A_1671 = arith.index_cast %add3A_1670 : i32 to index
        %get3A_1672 = arith.constant 80 : index
        %get3A_1673 = tpu.vector_load %arg9[%get3A_1671, %get3A_1672] {strides = array<i32>} : memref<512x128xf32, #tpu.memory_space<vmem>>, vector<1x16xf32>,
        %get3A_1674 = vector.shape_cast %get3A_1673 : vector<1x16xf32> to vector<16xf32>
        %mul3A_1675 = arith.mulf %get3A_1674, %select_n3A_1669 : vector<16xf32>
        %add3A_1676 = arith.addf %add3A_1668, %mul3A_1675 : vector<16xf32>
        %select_n3A_1677 = arith.select %gt3A_1629, %get3A_175, %get3A_207 : vector<16xf32>
        %add3A_1678 = arith.addi %mul3A_80, %add3A_1627 : i32
        %get3A_1679 = arith.index_cast %add3A_1678 : i32 to index
        %get3A_1680 = arith.constant 96 : index
        %get3A_1681 = tpu.vector_load %arg9[%get3A_1679, %get3A_1680] {strides = array<i32>} : memref<512x128xf32, #tpu.memory_space<vmem>>, vector<1x16xf32>,
        %get3A_1682 = vector.shape_cast %get3A_1681 : vector<1x16xf32> to vector<16xf32>
        %mul3A_1683 = arith.mulf %get3A_1682, %select_n3A_1677 : vector<16xf32>
        %add3A_1684 = arith.addf %add3A_1676, %mul3A_1683 : vector<16xf32>
        %select_n3A_1685 = arith.select %gt3A_1629, %get3A_179, %get3A_211 : vector<16xf32>
        %add3A_1686 = arith.addi %mul3A_80, %add3A_1627 : i32
        %get3A_1687 = arith.index_cast %add3A_1686 : i32 to index
        %get3A_1688 = arith.constant 112 : index
        %get3A_1689 = tpu.vector_load %arg9[%get3A_1687, %get3A_1688] {strides = array<i32>} : memref<512x128xf32, #tpu.memory_space<vmem>>, vector<1x16xf32>,
        %get3A_1690 = vector.shape_cast %get3A_1689 : vector<1x16xf32> to vector<16xf32>
        %mul3A_1691 = arith.mulf %get3A_1690, %select_n3A_1685 : vector<16xf32>
        %add3A_1692 = arith.addf %add3A_1684, %mul3A_1691 : vector<16xf32>
        %xor3A_1693 = arith.constant 8 : i32
        %xor3A_1694 = vector.broadcast %xor3A_1693 : i32 to vector<16xi32>
        %xor3A_1695 = arith.xori %iota3A, %xor3A_1694 : vector<16xi32>
        %broadcast_in_dim3A_1696 = vector.shape_cast %xor3A_1695 : vector<16xi32> to vector<16x1xi32>
        %gather3A_1697 = vector.shape_cast %broadcast_in_dim3A_1696 : vector<16x1xi32> to vector<16xi32>
        %gather3A_1698 = tpu.dynamic_gather %add3A_1692[%gather3A_1697] in [0] : vector<16xf32>, vector<16xi32> -> vector<16xf32>
        %add3A_1699 = arith.addf %add3A_1692, %gather3A_1698 : vector<16xf32>
        %xor3A_1700 = arith.constant 4 : i32
        %xor3A_1701 = vector.broadcast %xor3A_1700 : i32 to vector<16xi32>
        %xor3A_1702 = arith.xori %iota3A, %xor3A_1701 : vector<16xi32>
        %broadcast_in_dim3A_1703 = vector.shape_cast %xor3A_1702 : vector<16xi32> to vector<16x1xi32>
        %gather3A_1704 = vector.shape_cast %broadcast_in_dim3A_1703 : vector<16x1xi32> to vector<16xi32>
        %gather3A_1705 = tpu.dynamic_gather %add3A_1699[%gather3A_1704] in [0] : vector<16xf32>, vector<16xi32> -> vector<16xf32>
        %add3A_1706 = arith.addf %add3A_1699, %gather3A_1705 : vector<16xf32>
        %xor3A_1707 = arith.constant 2 : i32
        %xor3A_1708 = vector.broadcast %xor3A_1707 : i32 to vector<16xi32>
        %xor3A_1709 = arith.xori %iota3A, %xor3A_1708 : vector<16xi32>
        %broadcast_in_dim3A_1710 = vector.shape_cast %xor3A_1709 : vector<16xi32> to vector<16x1xi32>
        %gather3A_1711 = vector.shape_cast %broadcast_in_dim3A_1710 : vector<16x1xi32> to vector<16xi32>
        %gather3A_1712 = tpu.dynamic_gather %add3A_1706[%gather3A_1711] in [0] : vector<16xf32>, vector<16xi32> -> vector<16xf32>
        %add3A_1713 = arith.addf %add3A_1706, %gather3A_1712 : vector<16xf32>
        %xor3A_1714 = arith.constant 1 : i32
        %xor3A_1715 = vector.broadcast %xor3A_1714 : i32 to vector<16xi32>
        %xor3A_1716 = arith.xori %iota3A, %xor3A_1715 : vector<16xi32>
        %broadcast_in_dim3A_1717 = vector.shape_cast %xor3A_1716 : vector<16xi32> to vector<16x1xi32>
        %gather3A_1718 = vector.shape_cast %broadcast_in_dim3A_1717 : vector<16x1xi32> to vector<16xi32>
        %gather3A_1719 = tpu.dynamic_gather %add3A_1713[%gather3A_1718] in [0] : vector<16xf32>, vector<16xi32> -> vector<16xf32>
        %add3A_1720 = arith.addf %add3A_1713, %gather3A_1719 : vector<16xf32>
        %eq3A_1721 = arith.constant 14 : i32
        %eq3A_1722 = vector.broadcast %eq3A_1721 : i32 to vector<16xi32>
        %eq3A_1723 = arith.cmpi eq, %iota3A, %eq3A_1722 : vector<16xi32>
        %select_n3A_1724 = arith.select %eq3A_1723, %add3A_1720, %select_n3A_1623 : vector<16xi1>, vector<16xf32>
        %mul3A_1725 = arith.constant 16 : i32
        %mul3A_1726 = arith.muli %scan3A_89, %mul3A_1725 : i32
        %add3A_1727 = arith.constant 15 : i32
        %add3A_1728 = arith.addi %mul3A_1726, %add3A_1727 : i32
        %gt3A_1729 = arith.constant 15 : i32
        %gt3A_1730 = arith.cmpi sgt, %sub3A_148, %gt3A_1729 : i32
        %select_n3A_1731 = arith.select %gt3A_1730, %get3A_151, %get3A_183 : vector<16xf32>
        %add3A_1732 = arith.addi %mul3A_80, %add3A_1728 : i32
        %get3A_1733 = arith.index_cast %add3A_1732 : i32 to index
        %get3A_1734 = arith.constant 0 : index
        %get3A_1735 = tpu.vector_load %arg9[%get3A_1733, %get3A_1734] {strides = array<i32>} : memref<512x128xf32, #tpu.memory_space<vmem>>, vector<1x16xf32>,
        %get3A_1736 = vector.shape_cast %get3A_1735 : vector<1x16xf32> to vector<16xf32>
        %mul3A_1737 = arith.mulf %get3A_1736, %select_n3A_1731 : vector<16xf32>
        %select_n3A_1738 = arith.select %gt3A_1730, %get3A_155, %get3A_187 : vector<16xf32>
        %add3A_1739 = arith.addi %mul3A_80, %add3A_1728 : i32
        %get3A_1740 = arith.index_cast %add3A_1739 : i32 to index
        %get3A_1741 = arith.constant 16 : index
        %get3A_1742 = tpu.vector_load %arg9[%get3A_1740, %get3A_1741] {strides = array<i32>} : memref<512x128xf32, #tpu.memory_space<vmem>>, vector<1x16xf32>,
        %get3A_1743 = vector.shape_cast %get3A_1742 : vector<1x16xf32> to vector<16xf32>
        %mul3A_1744 = arith.mulf %get3A_1743, %select_n3A_1738 : vector<16xf32>
        %add3A_1745 = arith.addf %mul3A_1737, %mul3A_1744 : vector<16xf32>
        %select_n3A_1746 = arith.select %gt3A_1730, %get3A_159, %get3A_191 : vector<16xf32>
        %add3A_1747 = arith.addi %mul3A_80, %add3A_1728 : i32
        %get3A_1748 = arith.index_cast %add3A_1747 : i32 to index
        %get3A_1749 = arith.constant 32 : index
        %get3A_1750 = tpu.vector_load %arg9[%get3A_1748, %get3A_1749] {strides = array<i32>} : memref<512x128xf32, #tpu.memory_space<vmem>>, vector<1x16xf32>,
        %get3A_1751 = vector.shape_cast %get3A_1750 : vector<1x16xf32> to vector<16xf32>
        %mul3A_1752 = arith.mulf %get3A_1751, %select_n3A_1746 : vector<16xf32>
        %add3A_1753 = arith.addf %add3A_1745, %mul3A_1752 : vector<16xf32>
        %select_n3A_1754 = arith.select %gt3A_1730, %get3A_163, %get3A_195 : vector<16xf32>
        %add3A_1755 = arith.addi %mul3A_80, %add3A_1728 : i32
        %get3A_1756 = arith.index_cast %add3A_1755 : i32 to index
        %get3A_1757 = arith.constant 48 : index
        %get3A_1758 = tpu.vector_load %arg9[%get3A_1756, %get3A_1757] {strides = array<i32>} : memref<512x128xf32, #tpu.memory_space<vmem>>, vector<1x16xf32>,
        %get3A_1759 = vector.shape_cast %get3A_1758 : vector<1x16xf32> to vector<16xf32>
        %mul3A_1760 = arith.mulf %get3A_1759, %select_n3A_1754 : vector<16xf32>
        %add3A_1761 = arith.addf %add3A_1753, %mul3A_1760 : vector<16xf32>
        %select_n3A_1762 = arith.select %gt3A_1730, %get3A_167, %get3A_199 : vector<16xf32>
        %add3A_1763 = arith.addi %mul3A_80, %add3A_1728 : i32
        %get3A_1764 = arith.index_cast %add3A_1763 : i32 to index
        %get3A_1765 = arith.constant 64 : index
        %get3A_1766 = tpu.vector_load %arg9[%get3A_1764, %get3A_1765] {strides = array<i32>} : memref<512x128xf32, #tpu.memory_space<vmem>>, vector<1x16xf32>,
        %get3A_1767 = vector.shape_cast %get3A_1766 : vector<1x16xf32> to vector<16xf32>
        %mul3A_1768 = arith.mulf %get3A_1767, %select_n3A_1762 : vector<16xf32>
        %add3A_1769 = arith.addf %add3A_1761, %mul3A_1768 : vector<16xf32>
        %select_n3A_1770 = arith.select %gt3A_1730, %get3A_171, %get3A_203 : vector<16xf32>
        %add3A_1771 = arith.addi %mul3A_80, %add3A_1728 : i32
        %get3A_1772 = arith.index_cast %add3A_1771 : i32 to index
        %get3A_1773 = arith.constant 80 : index
        %get3A_1774 = tpu.vector_load %arg9[%get3A_1772, %get3A_1773] {strides = array<i32>} : memref<512x128xf32, #tpu.memory_space<vmem>>, vector<1x16xf32>,
        %get3A_1775 = vector.shape_cast %get3A_1774 : vector<1x16xf32> to vector<16xf32>
        %mul3A_1776 = arith.mulf %get3A_1775, %select_n3A_1770 : vector<16xf32>
        %add3A_1777 = arith.addf %add3A_1769, %mul3A_1776 : vector<16xf32>
        %select_n3A_1778 = arith.select %gt3A_1730, %get3A_175, %get3A_207 : vector<16xf32>
        %add3A_1779 = arith.addi %mul3A_80, %add3A_1728 : i32
        %get3A_1780 = arith.index_cast %add3A_1779 : i32 to index
        %get3A_1781 = arith.constant 96 : index
        %get3A_1782 = tpu.vector_load %arg9[%get3A_1780, %get3A_1781] {strides = array<i32>} : memref<512x128xf32, #tpu.memory_space<vmem>>, vector<1x16xf32>,
        %get3A_1783 = vector.shape_cast %get3A_1782 : vector<1x16xf32> to vector<16xf32>
        %mul3A_1784 = arith.mulf %get3A_1783, %select_n3A_1778 : vector<16xf32>
        %add3A_1785 = arith.addf %add3A_1777, %mul3A_1784 : vector<16xf32>
        %select_n3A_1786 = arith.select %gt3A_1730, %get3A_179, %get3A_211 : vector<16xf32>
        %add3A_1787 = arith.addi %mul3A_80, %add3A_1728 : i32
        %get3A_1788 = arith.index_cast %add3A_1787 : i32 to index
        %get3A_1789 = arith.constant 112 : index
        %get3A_1790 = tpu.vector_load %arg9[%get3A_1788, %get3A_1789] {strides = array<i32>} : memref<512x128xf32, #tpu.memory_space<vmem>>, vector<1x16xf32>,
        %get3A_1791 = vector.shape_cast %get3A_1790 : vector<1x16xf32> to vector<16xf32>
        %mul3A_1792 = arith.mulf %get3A_1791, %select_n3A_1786 : vector<16xf32>
        %add3A_1793 = arith.addf %add3A_1785, %mul3A_1792 : vector<16xf32>
        %xor3A_1794 = arith.constant 8 : i32
        %xor3A_1795 = vector.broadcast %xor3A_1794 : i32 to vector<16xi32>
        %xor3A_1796 = arith.xori %iota3A, %xor3A_1795 : vector<16xi32>
        %broadcast_in_dim3A_1797 = vector.shape_cast %xor3A_1796 : vector<16xi32> to vector<16x1xi32>
        %gather3A_1798 = vector.shape_cast %broadcast_in_dim3A_1797 : vector<16x1xi32> to vector<16xi32>
        %gather3A_1799 = tpu.dynamic_gather %add3A_1793[%gather3A_1798] in [0] : vector<16xf32>, vector<16xi32> -> vector<16xf32>
        %add3A_1800 = arith.addf %add3A_1793, %gather3A_1799 : vector<16xf32>
        %xor3A_1801 = arith.constant 4 : i32
        %xor3A_1802 = vector.broadcast %xor3A_1801 : i32 to vector<16xi32>
        %xor3A_1803 = arith.xori %iota3A, %xor3A_1802 : vector<16xi32>
        %broadcast_in_dim3A_1804 = vector.shape_cast %xor3A_1803 : vector<16xi32> to vector<16x1xi32>
        %gather3A_1805 = vector.shape_cast %broadcast_in_dim3A_1804 : vector<16x1xi32> to vector<16xi32>
        %gather3A_1806 = tpu.dynamic_gather %add3A_1800[%gather3A_1805] in [0] : vector<16xf32>, vector<16xi32> -> vector<16xf32>
        %add3A_1807 = arith.addf %add3A_1800, %gather3A_1806 : vector<16xf32>
        %xor3A_1808 = arith.constant 2 : i32
        %xor3A_1809 = vector.broadcast %xor3A_1808 : i32 to vector<16xi32>
        %xor3A_1810 = arith.xori %iota3A, %xor3A_1809 : vector<16xi32>
        %broadcast_in_dim3A_1811 = vector.shape_cast %xor3A_1810 : vector<16xi32> to vector<16x1xi32>
        %gather3A_1812 = vector.shape_cast %broadcast_in_dim3A_1811 : vector<16x1xi32> to vector<16xi32>
        %gather3A_1813 = tpu.dynamic_gather %add3A_1807[%gather3A_1812] in [0] : vector<16xf32>, vector<16xi32> -> vector<16xf32>
        %add3A_1814 = arith.addf %add3A_1807, %gather3A_1813 : vector<16xf32>
        %xor3A_1815 = arith.constant 1 : i32
        %xor3A_1816 = vector.broadcast %xor3A_1815 : i32 to vector<16xi32>
        %xor3A_1817 = arith.xori %iota3A, %xor3A_1816 : vector<16xi32>
        %broadcast_in_dim3A_1818 = vector.shape_cast %xor3A_1817 : vector<16xi32> to vector<16x1xi32>
        %gather3A_1819 = vector.shape_cast %broadcast_in_dim3A_1818 : vector<16x1xi32> to vector<16xi32>
        %gather3A_1820 = tpu.dynamic_gather %add3A_1814[%gather3A_1819] in [0] : vector<16xf32>, vector<16xi32> -> vector<16xf32>
        %add3A_1821 = arith.addf %add3A_1814, %gather3A_1820 : vector<16xf32>
        %eq3A_1822 = arith.constant 15 : i32
        %eq3A_1823 = vector.broadcast %eq3A_1822 : i32 to vector<16xi32>
        %eq3A_1824 = arith.cmpi eq, %iota3A, %eq3A_1823 : vector<16xi32>
        %select_n3A_1825 = arith.select %eq3A_1824, %add3A_1821, %select_n3A_1724 : vector<16xi1>, vector<16xf32>
        %add3A_1826 = vector.broadcast %sub3A_145 : i32 to vector<16xi32>
        %add3A_1827 = arith.addi %add3A_1826, %iota3A : vector<16xi32>
        %ge3A = arith.constant 20 : i32
        %ge3A_1828 = vector.broadcast %ge3A : i32 to vector<16xi32>
        %ge3A_1829 = arith.cmpi sge, %add3A_1827, %ge3A_1828 : vector<16xi32>
        %sub3A_1830 = arith.constant 20 : i32
        %sub3A_1831 = vector.broadcast %sub3A_1830 : i32 to vector<16xi32>
        %sub3A_1832 = arith.subi %add3A_1827, %sub3A_1831 : vector<16xi32>
        %select_n3A_1833 = arith.select %ge3A_1829, %sub3A_1832, %add3A_1827 : vector<16xi1>, vector<16xi32>
        %get3A_1834 = arith.index_cast %select_n3A_116 : i32 to index
        %get3A_1835 = tpu.vector_load %arg12[%get3A_1834] {strides = array<i32>} : memref<144xi32, #tpu.memory_space<vmem>>, vector<16xi32>,
        %get3A_1836 = vector.shape_cast %get3A_1835 : vector<16xi32> to vector<16xi32>
        %slice3A = vector.extract_strided_slice %get3A_1836 {offsets = [0], sizes = [1], strides = [1]} : vector<16xi32> to vector<1xi32>
        %squeeze3A = vector.extract %slice3A[0] : i32 from vector<1xi32>
        %get3A_1837 = arith.index_cast %select_n3A_142 : i32 to index
        %get3A_1838 = tpu.vector_load %arg12[%get3A_1837] {strides = array<i32>} : memref<144xi32, #tpu.memory_space<vmem>>, vector<16xi32>,
        %get3A_1839 = vector.shape_cast %get3A_1838 : vector<16xi32> to vector<16xi32>
        %slice3A_1840 = vector.extract_strided_slice %get3A_1839 {offsets = [0], sizes = [1], strides = [1]} : vector<16xi32> to vector<1xi32>
        %squeeze3A_1841 = vector.extract %slice3A_1840[0] : i32 from vector<1xi32>
        %lt3A_1842 = vector.broadcast %sub3A_148 : i32 to vector<16xi32>
        %lt3A_1843 = arith.cmpi slt, %iota3A, %lt3A_1842 : vector<16xi32>
        %broadcast_in_dim3A_1844 = vector.broadcast %squeeze3A : i32 to vector<16xi32>
        %broadcast_in_dim3A_1845 = vector.broadcast %squeeze3A_1841 : i32 to vector<16xi32>
        %select_n3A_1846 = arith.select %lt3A_1843, %broadcast_in_dim3A_1844, %broadcast_in_dim3A_1845 : vector<16xi1>, vector<16xi32>
        %min3A_1847 = arith.constant 4 : i32
        %min3A_1848 = arith.minsi %sub3A_145, %min3A_1847 : i32
        %get3A_1849 = arith.index_cast %select_n3A_116 : i32 to index
        %get3A_1850 = arith.index_cast %min3A_1848 : i32 to index
        %get3A_1851 = tpu.vector_load %arg11[%get3A_1849, %get3A_1850] {strides = array<i32>} : memref<128x20xi32, #tpu.memory_space<vmem>>, vector<1x16xi32>,
        %get3A_1852 = vector.shape_cast %get3A_1851 : vector<1x16xi32> to vector<16xi32>
        %sub3A_1853 = arith.subi %sub3A_145, %min3A_1848 : i32
        %add3A_1854 = vector.broadcast %sub3A_1853 : i32 to vector<16xi32>
        %add3A_1855 = arith.addi %iota3A, %add3A_1854 : vector<16xi32>
        %min3A_1856 = arith.constant 15 : i32
        %min3A_1857 = vector.broadcast %min3A_1856 : i32 to vector<16xi32>
        %min3A_1858 = arith.minsi %add3A_1855, %min3A_1857 : vector<16xi32>
        %broadcast_in_dim3A_1859 = vector.shape_cast %min3A_1858 : vector<16xi32> to vector<16x1xi32>
        %gather3A_1860 = vector.shape_cast %broadcast_in_dim3A_1859 : vector<16x1xi32> to vector<16xi32>
        %gather3A_1861 = tpu.dynamic_gather %get3A_1852[%gather3A_1860] in [0] : vector<16xi32>, vector<16xi32> -> vector<16xi32>
        %get3A_1862 = arith.index_cast %select_n3A_142 : i32 to index
        %get3A_1863 = arith.constant 0 : index
        %get3A_1864 = tpu.vector_load %arg11[%get3A_1862, %get3A_1863] {strides = array<i32>} : memref<128x20xi32, #tpu.memory_space<vmem>>, vector<1x16xi32>,
        %get3A_1865 = vector.shape_cast %get3A_1864 : vector<1x16xi32> to vector<16xi32>
        %sub3A_1866 = vector.broadcast %sub3A_148 : i32 to vector<16xi32>
        %sub3A_1867 = arith.subi %iota3A, %sub3A_1866 : vector<16xi32>
        %max3A = arith.constant 0 : i32
        %max3A_1868 = vector.broadcast %max3A : i32 to vector<16xi32>
        %max3A_1869 = arith.maxsi %sub3A_1867, %max3A_1868 : vector<16xi32>
        %broadcast_in_dim3A_1870 = vector.shape_cast %max3A_1869 : vector<16xi32> to vector<16x1xi32>
        %gather3A_1871 = vector.shape_cast %broadcast_in_dim3A_1870 : vector<16x1xi32> to vector<16xi32>
        %gather3A_1872 = tpu.dynamic_gather %get3A_1865[%gather3A_1871] in [0] : vector<16xi32>, vector<16xi32> -> vector<16xi32>
        %lt3A_1873 = vector.broadcast %sub3A_148 : i32 to vector<16xi32>
        %lt3A_1874 = arith.cmpi slt, %iota3A, %lt3A_1873 : vector<16xi32>
        %select_n3A_1875 = arith.select %lt3A_1874, %gather3A_1861, %gather3A_1872 : vector<16xi1>, vector<16xi32>
        %convert_element_type3A_1876 = arith.sitofp %select_n3A_1875 : vector<16xi32> to vector<16xf32>
        %mul3A_1877 = arith.constant 2.000000e+00 : f32
        %mul3A_1878 = vector.broadcast %mul3A_1877 : f32 to vector<16xf32>
        %mul3A_1879 = arith.mulf %mul3A_1878, %convert_element_type3A_1876 : vector<16xf32>
        %sub3A_1880 = arith.constant 1.000000e+00 : f32
        %sub3A_1881 = vector.broadcast %sub3A_1880 : f32 to vector<16xf32>
        %sub3A_1882 = arith.subf %sub3A_1881, %mul3A_1879 : vector<16xf32>
        %lt3A_1883 = arith.cmpi slt, %select_n3A_1833, %select_n3A_1846 : vector<16xi32>
        %mul3A_1884 = arith.mulf %select_n3A_1825, %sub3A_1882 : vector<16xf32>
        %jit3A_1885 = arith.constant -1.000000e+30 : f32
        %broadcast_in_dim3A_1886 = vector.broadcast %jit3A_1885 : f32 to vector<16xf32>
        %select_n3A_1887 = arith.select %lt3A_1883, %mul3A_1884, %broadcast_in_dim3A_1886 : vector<16xi1>, vector<16xf32>
        %swap3A = arith.index_cast %add3A_95 : i32 to index
        %swap3A_1888 = tpu.vector_load %arg13[%swap3A] {strides = array<i32>} : memref<2560xf32, #tpu.memory_space<vmem>>, vector<16xf32>,
        %swap3A_1889 = vector.shape_cast %swap3A_1888 : vector<16xf32> to vector<16xf32>
        %swap3A_1890 = vector.shape_cast %select_n3A_1887 : vector<16xf32> to vector<16xf32>
        tpu.vector_store %arg13[%swap3A], %swap3A_1890 {strides = array<i32>} : memref<2560xf32, #tpu.memory_space<vmem>>, vector<16xf32>,
        %scan3A_1891 = arith.constant 0 : i32
        scf.yield %scan3A_1891 : i32
      }
      %scan3A_87 = arith.constant 8 : i32
      %scan3A_88 = arith.constant 0 : i32
      scf.yield %scan3A_88 : i32
    }
    %scan3A_30 = arith.constant 20 : i32
    %dma_wait3A = arith.constant 0 : i32
    %dma_wait3A_31 = arith.constant 0 : i32
    %dma_wait3A_32 = arith.constant 0 : i32
    %dma_wait3A_33 = tpu.memref_slice %arg9[%dma_wait3A_31, %dma_wait3A_32] : memref<512x128xf32, #tpu.memory_space<vmem>> -> memref<128x128xf32, #tpu.memory_space<vmem>>
    %dma_wait3A_34 = arith.constant 0 : i32
    %dma_wait3A_35 = tpu.memref_slice %arg8[%dma_wait3A, %dma_wait3A_34] : memref<20x128xi32, #tpu.memory_space<vmem>> -> memref<1x128xi32, #tpu.memory_space<vmem>>
    %dma_wait3A_36 = tpu.memref_squeeze %dma_wait3A_35 : memref<1x128xi32, #tpu.memory_space<vmem>> -> memref<128xi32, #tpu.memory_space<vmem>>
    %dma_wait3A_37 = arith.constant 0 : i32
    %dma_wait3A_38 = arith.constant 0 : i32
    %dma_wait3A_39 = tpu.memref_slice %arg2[%dma_wait3A_37, %dma_wait3A_38] : memref<1000000x128xf32, #tpu.memory_space<hbm>> -> memref<1000000x128xf32, #tpu.memory_space<hbm>>
    tpu.wait_indirect_dma semaphore(%arg14 : memref<!tpu.dma_semaphore, #tpu.memory_space<semaphore_mem>>) src(%dma_wait3A_39 : memref<1000000x128xf32, #tpu.memory_space<hbm>>) dst(%dma_wait3A_33 : memref<128x128xf32, #tpu.memory_space<vmem>>)
    %dma_wait3A_40 = arith.constant 0 : i32
    %dma_wait3A_41 = arith.constant 128 : i32
    %dma_wait3A_42 = arith.constant 0 : i32
    %dma_wait3A_43 = tpu.memref_slice %arg9[%dma_wait3A_41, %dma_wait3A_42] : memref<512x128xf32, #tpu.memory_space<vmem>> -> memref<128x128xf32, #tpu.memory_space<vmem>>
    %dma_wait3A_44 = arith.constant 0 : i32
    %dma_wait3A_45 = tpu.memref_slice %arg8[%dma_wait3A_40, %dma_wait3A_44] : memref<20x128xi32, #tpu.memory_space<vmem>> -> memref<1x128xi32, #tpu.memory_space<vmem>>
    %dma_wait3A_46 = tpu.memref_squeeze %dma_wait3A_45 : memref<1x128xi32, #tpu.memory_space<vmem>> -> memref<128xi32, #tpu.memory_space<vmem>>
    %dma_wait3A_47 = arith.constant 0 : i32
    %dma_wait3A_48 = arith.constant 0 : i32
    %dma_wait3A_49 = tpu.memref_slice %arg2[%dma_wait3A_47, %dma_wait3A_48] : memref<1000000x128xf32, #tpu.memory_space<hbm>> -> memref<1000000x128xf32, #tpu.memory_space<hbm>>
    tpu.wait_indirect_dma semaphore(%arg15 : memref<!tpu.dma_semaphore, #tpu.memory_space<semaphore_mem>>) src(%dma_wait3A_49 : memref<1000000x128xf32, #tpu.memory_space<hbm>>) dst(%dma_wait3A_43 : memref<128x128xf32, #tpu.memory_space<vmem>>)
    "tpu.region"() ({
      %run_scoped3A = tpu.sem_alloc : memref<!tpu.dma_semaphore, #tpu.memory_space<semaphore_mem>>
      %dma_start3A_50 = arith.constant 0 : i32
      %dma_start3A_51 = tpu.memref_slice %arg7[%add3A, %dma_start3A_50] : memref<32x2560xf32, #tpu.memory_space<hbm>> -> memref<1x2560xf32, #tpu.memory_space<hbm>>
      %dma_start3A_52 = tpu.memref_squeeze %dma_start3A_51 : memref<1x2560xf32, #tpu.memory_space<hbm>> -> memref<2560xf32, #tpu.memory_space<hbm>>
      %dma_start3A_53 = arith.constant 0 : i32
      %dma_start3A_54 = tpu.memref_slice %arg7[%add3A, %dma_start3A_53] : memref<32x2560xf32, #tpu.memory_space<hbm>> -> memref<1x2560xf32, #tpu.memory_space<hbm>>
      %dma_start3A_55 = tpu.memref_squeeze %dma_start3A_54 : memref<1x2560xf32, #tpu.memory_space<hbm>> -> memref<2560xf32, #tpu.memory_space<hbm>>
      tpu.enqueue_dma source(%arg13 : memref<2560xf32, #tpu.memory_space<vmem>>) target(%dma_start3A_55 : memref<2560xf32, #tpu.memory_space<hbm>>) target_semaphore(%run_scoped3A : memref<!tpu.dma_semaphore, #tpu.memory_space<semaphore_mem>>)
      %dma_wait3A_56 = arith.constant 0 : i32
      %dma_wait3A_57 = tpu.memref_slice %arg7[%add3A, %dma_wait3A_56] : memref<32x2560xf32, #tpu.memory_space<hbm>> -> memref<1x2560xf32, #tpu.memory_space<hbm>>
      %dma_wait3A_58 = tpu.memref_squeeze %dma_wait3A_57 : memref<1x2560xf32, #tpu.memory_space<hbm>> -> memref<2560xf32, #tpu.memory_space<hbm>>
      %dma_wait3A_59 = arith.constant 0 : i32
      %dma_wait3A_60 = tpu.memref_slice %arg7[%add3A, %dma_wait3A_59] : memref<32x2560xf32, #tpu.memory_space<hbm>> -> memref<1x2560xf32, #tpu.memory_space<hbm>>
      %dma_wait3A_61 = tpu.memref_squeeze %dma_wait3A_60 : memref<1x2560xf32, #tpu.memory_space<hbm>> -> memref<2560xf32, #tpu.memory_space<hbm>>
      tpu.wait_dma2 semaphore(%run_scoped3A : memref<!tpu.dma_semaphore, #tpu.memory_space<semaphore_mem>>) src(%arg13 : memref<2560xf32, #tpu.memory_space<vmem>>) dst(%dma_wait3A_61 : memref<2560xf32, #tpu.memory_space<hbm>>)
      tpu.yield
    }) : () -> ()
    return
  }
}

module attributes {stable_mosaic.version = 14 : i64} {
  func.func @_tc_loss_body(%arg0: memref<32x2560xf32, #tpu.memory_space<vmem>>, %arg1: memref<1x1xf32, #tpu.memory_space<vmem>>) attributes {dimension_semantics = [], scalar_prefetch = 0 : i64, scratch_operands = 0 : i64, tpu.core_type = #tpu.core_type<tc>} {
    %get3A = arith.constant 0 : index
    %get3A_0 = arith.constant 0 : index
    %get3A_1 = vector.load %arg0[%get3A, %get3A_0] : memref<32x2560xf32, #tpu.memory_space<vmem>>, vector<32x2560xf32>
    %max3A = arith.constant 0.000000e+00 : f32
    %max3A_2 = vector.broadcast %max3A : f32 to vector<32x2560xf32>
    %max3A_3 = arith.maximumf %get3A_1, %max3A_2 : vector<32x2560xf32>
    %abs3A = math.absf %get3A_1 : vector<32x2560xf32>
    %neg3A = arith.constant 0.000000e+00 : f32
    %neg3A_4 = vector.broadcast %neg3A : f32 to vector<32x2560xf32>
    %neg3A_5 = arith.subf %neg3A_4, %abs3A : vector<32x2560xf32>
    %exp3A = math.exp %neg3A_5 : vector<32x2560xf32>
    %add3A = arith.constant 1.000000e+00 : f32
    %add3A_6 = vector.broadcast %add3A : f32 to vector<32x2560xf32>
    %add3A_7 = arith.addf %add3A_6, %exp3A : vector<32x2560xf32>
    %log3A = math.log %add3A_7 : vector<32x2560xf32>
    %add3A_8 = arith.addf %max3A_3, %log3A : vector<32x2560xf32>
    %gt3A = arith.constant -5.000000e+29 : f32
    %gt3A_9 = vector.broadcast %gt3A : f32 to vector<32x2560xf32>
    %gt3A_10 = arith.cmpf ogt, %get3A_1, %gt3A_9 : vector<32x2560xf32>
    %convert_element_type3A = arith.extui %gt3A_10 : vector<32x2560xi1> to vector<32x2560xi32>
    %convert_element_type3A_11 = arith.sitofp %convert_element_type3A : vector<32x2560xi32> to vector<32x2560xf32>
    %reduce_sum3A = vector.shape_cast %convert_element_type3A_11 : vector<32x2560xf32> to vector<1x32x2560xf32>
    %reduce_sum3A_12 = arith.constant dense<0.000000e+00> : vector<1xf32>
    %reduce_sum3A_13 = vector.multi_reduction <add>, %reduce_sum3A, %reduce_sum3A_12 [1, 2] : vector<1x32x2560xf32> to vector<1xf32>
    %reduce_sum3A_14 = vector.shape_cast %reduce_sum3A_13 : vector<1xf32> to vector<1x1x1xf32>
    %reduce_sum3A_15 = vector.extract %reduce_sum3A_14[0, 0, 0] : f32 from vector<1x1x1xf32>
    %reduce_sum3A_16 = vector.shape_cast %add3A_8 : vector<32x2560xf32> to vector<1x32x2560xf32>
    %reduce_sum3A_17 = arith.constant dense<0.000000e+00> : vector<1xf32>
    %reduce_sum3A_18 = vector.multi_reduction <add>, %reduce_sum3A_16, %reduce_sum3A_17 [1, 2] : vector<1x32x2560xf32> to vector<1xf32>
    %reduce_sum3A_19 = vector.shape_cast %reduce_sum3A_18 : vector<1xf32> to vector<1x1x1xf32>
    %reduce_sum3A_20 = vector.extract %reduce_sum3A_19[0, 0, 0] : f32 from vector<1x1x1xf32>
    %div3A = arith.divf %reduce_sum3A_20, %reduce_sum3A_15 : f32
    %reshape3A = vector.broadcast %div3A : f32 to vector<1x1xf32>
    %swap3A = arith.constant 0 : index
    %swap3A_21 = arith.constant 0 : index
    %swap3A_22 = vector.load %arg1[%swap3A, %swap3A_21] : memref<1x1xf32, #tpu.memory_space<vmem>>, vector<1x1xf32>
    tpu.vector_store %arg1[%swap3A, %swap3A_21], %reshape3A {strides = array<i32>} : memref<1x1xf32, #tpu.memory_space<vmem>>, vector<1x1xf32>,
    return
  }
}

</mosaic_0001>

<sc_bundles>
// kernel: kernel.4.cloned.1.call-start
scs
__scs_entry_jumppad:
0x0: {  	(pc) =	sbr.rel $0x88, $3  }
0x1: {  	(tag) =	ssettag $0x0;
	lr =	simm.s32 $0x1  }
0x2: {  	[smem:$0x3F9C] =	sst lr;
	_ =	strace $0xD0000000  }
0x3: {  	_ = 	snop  }
0x4: {  	_ = 	snop  }
0x5: {  	_ = 	snop  }
0x6: {  	_ = 	snop  }
0x7: {  	_ = 	snop  }
__scs_overlays_trampoline_lowered:
0x8: {  	[smem:$0x3FAB] =	sst s0  }
0x9: {  	[smem:$0x3FAC] =	sst s1  }
0xa: {  	[smem:$0x3FAD] =	sst s2  }
0xb: {  	[smem:$0x3FAE] =	sst s3  }
0xc: {  	[smem:$0x3FAF] =	sst s4  }
0xd: {  	[smem:$0x3FB0] =	sst s5  }
0xe: {  	[smem:$0x3FB1] =	sst s6  }
0xf: {  	[smem:$0x3FB2] =	sst s7  }
0x10: {  	[smem:$0x3FB3] =	sst s8  }
0x11: {  	[smem:$0x3FB4] =	sst s9;
	s0 =	simm.s32 @!p0 $0x0  }
0x12: {  	s1 =	sld [smem:$0x3F9A];
	s0 =	simm.s32 @p0 $0x1  }
0x13: {  	[smem:$0x3FB5] =	sst s0;
	s0 =	simm.s32 @!p1 $0x0  }
0x14: {  	s2 =	sld [smem:$0x3F99];
	s0 =	simm.s32 @p1 $0x1  }
0x15: {  	[smem:$0x3FB6] =	sst s0;
	s0 =	simm.s32 @!p2 $0x0  }
0x16: {  	s3 =	sld [smem:$0x3FDB];
	s0 =	simm.s32 @p2 $0x1  }
0x17: {  	s4 =	simm.s32 $0x1BF5;
	[smem:$0x3FB8] =	sst s0  }
0x18: {  	s0 =	sld [smem:$0x3F9B];
	_ =	swait.ge [sflag:s4], $0x0  }
0x19: {  	s7 =	sld [smem:$0x3F9C]  }
0x1a: {  	s8 =	sadd.s32 $0xFFFFE003, lr  }
0x1b: {  	s9 =	sadd.s32 $0xFFFFFEF7, lr;
	s5 =	simm.s32 $0xFFFFFFFF;
	p2 =	slt.u32 s8, $0xFFFFF086  }
0x1c: {  	p1 =	slt.u32 s9, $0xF7A;
	s5 =	simm.s32 @!p2 $0x0  }
0x1d: {  	s5 =	simm.s32 @p1 $0x1;
	p0 =	seq.s32 s7, s2  }
0x1e: {  	s7 =	smul.u32 @!p0 $0xF7A, s2;
	p2 =	seq.s32 @!p0 s5, $0x0  }
0x1f: {  	s9 =	smul.u32 $0xF7A, s1;
	s8 =	simm.s32 @!p0 $0x1BF5;
	p2 =	por !p2, p0  }
0x20: {  	[sflag:s8] =	ssyncset.s32 @!p0 $0xFFFFF086;
	s6 =	sadd.s32 @!p0 s3, s7;
	s7 =	simm.s32 @!p0 $0x108  }
0x21: {  	s3 =	sadd.s32 s3, s9;
	s6 =	sadd.s32 @!p0 $0x88, s6;
	s7 =	simm.s32 @p2 $0x1082  }
0x22: {  	[simem:s7], [sflag:s8] =	dma.local @!p0 [hbm:s6], $0xF7A  }
0x23: {  	s9 =	sor.u32 $0xD0000000, s2;
	s6 =	simm.s32 $0x108;
	_ =	swait.ge @!p0 [sflag:s8], $0x0  }
0x24: {  	s3 =	sadd.s32 $0x88, s3;
	s6 =	simm.s32 @!p1 $0x1082;
	[sflag:s4] =	ssyncset.s32 $0xFFFFF086  }
0x25: {  	[simem:s6], [sflag:s4] =	dma.local [hbm:s3], $0xF7A  }
0x26: {  	[smem:$0x3F9C] =	sst s1;
	(tag) =	ssettag s2;
	_ =	strace s9  }
0x27: {  	s1 =	sld [smem:$0x3FAC]  }
0x28: {  	s2 =	sld [smem:$0x3FAD]  }
0x29: {  	s4 =	sld [smem:$0x3FAF]  }
0x2a: {  	p0 =	seq.s32 s5, $0x0;
	s5 =	sld [smem:$0x3FB0]  }
0x2b: {  	s6 =	sld [smem:$0x3FB1]  }
0x2c: {  	s7 =	sld [smem:$0x3FB2]  }
0x2d: {  	s3 =	simm.s32 $0x108;
	s8 =	sld [smem:$0x3FB3]  }
0x2e: {  	s3 =	simm.s32 @!p0 $0x1082;
	s9 =	sld [smem:$0x3FB4]  }
0x2f: {  	lr =	sadd.s32 s0, s3;
	s0 =	sld [smem:$0x3FAB]  }
0x30: {  	s3 =	sld [smem:$0x3FAE]  }
0x31: {  	[smem:$0x3FB7] =	sst s10  }
0x32: {  	s10 =	sld [smem:$0x3FB5];
	_ =	sdelay $0x3  }
0x33: {  	p0 =	seq.s32 s10, $0x1;
	s10 =	sld [smem:$0x3FB7];
	_ =	sdelay $0x3  }
0x34: {  	[smem:$0x3FB7] =	sst s10  }
0x35: {  	s10 =	sld [smem:$0x3FB6];
	_ =	sdelay $0x3  }
0x36: {  	p1 =	seq.s32 s10, $0x1;
	s10 =	sld [smem:$0x3FB7];
	_ =	sdelay $0x3  }
0x37: {  	[smem:$0x3FB7] =	sst s10  }
0x38: {  	s10 =	sld [smem:$0x3FB8]  }
0x39: {  	_ = 	snop;
	(pc) =	sbr.ind lr, $3  }
0x3a: {  	_ = 	snop  }
0x3b: {  	_ = 	snop  }
0x3c: {  	p2 =	seq.s32 s10, $0x1;
	s10 =	sld [smem:$0x3FB7]  }
0x3d: {  	_ =	shalt  }
0x3e: {  	_ =	shalt  }
0x3f: {  	_ =	shalt  }
0x40: {  	_ =	shalt  }
0x41: {  	_ =	shalt  }
0x42: {  	_ =	shalt  }
0x43: {  	_ =	shalt  }
0x44: {  	_ =	shalt  }
0x45: {  	_ =	shalt  }
0x46: {  	_ =	shalt  }
0x47: {  	_ =	shalt  }
0x48: {  	_ =	shalt  }
0x49: {  	_ =	shalt  }
0x4a: {  	_ =	shalt  }
0x4b: {  	_ =	shalt  }
0x4c: {  	_ =	shalt  }
0x4d: {  	_ =	shalt  }
0x4e: {  	_ =	shalt  }
0x4f: {  	_ =	shalt  }
0x50: {  	_ =	shalt  }
0x51: {  	_ =	shalt  }
0x52: {  	_ =	shalt  }
0x53: {  	_ =	shalt  }
0x54: {  	_ =	shalt  }
0x55: {  	_ =	shalt  }
0x56: {  	_ =	shalt  }
0x57: {  	_ =	shalt  }
0x58: {  	_ =	shalt  }
0x59: {  	_ =	shalt  }
0x5a: {  	_ =	shalt  }
0x5b: {  	_ =	shalt  }
0x5c: {  	_ =	shalt  }
0x5d: {  	_ =	shalt  }
0x5e: {  	_ =	shalt  }
0x5f: {  	_ =	shalt  }
0x60: {  	_ =	shalt  }
0x61: {  	_ =	shalt  }
0x62: {  	_ =	shalt  }
0x63: {  	_ =	shalt  }
0x64: {  	_ =	shalt  }
0x65: {  	_ =	shalt  }
0x66: {  	_ =	shalt  }
0x67: {  	_ =	shalt  }
0x68: {  	_ =	shalt  }
0x69: {  	_ =	shalt  }
0x6a: {  	_ =	shalt  }
0x6b: {  	_ =	shalt  }
0x6c: {  	_ =	shalt  }
0x6d: {  	_ =	shalt  }
0x6e: {  	_ =	shalt  }
0x6f: {  	_ =	shalt  }
0x70: {  	_ =	shalt  }
0x71: {  	_ =	shalt  }
0x72: {  	_ =	shalt  }
0x73: {  	_ =	shalt  }
0x74: {  	_ =	shalt  }
0x75: {  	_ =	shalt  }
0x76: {  	_ =	shalt  }
0x77: {  	_ =	shalt  }
0x78: {  	_ =	shalt  }
0x79: {  	_ =	shalt  }
0x7a: {  	_ =	shalt  }
0x7b: {  	_ =	shalt  }
0x7c: {  	_ =	shalt  }
0x7d: {  	_ =	shalt  }
0x7e: {  	_ =	shalt  }
0x7f: {  	_ =	shalt  }
0x80: {  	_ =	shalt  }
0x81: {  	_ =	shalt  }
0x82: {  	_ =	shalt  }
0x83: {  	_ =	shalt  }
0x84: {  	_ =	shalt  }
0x85: {  	_ =	shalt  }
0x86: {  	_ =	shalt  }
0x87: {  	_ =	shalt  }
.Lfunc_end0:
.L_simem_size_0:
called_computation_lowered:
.L_overlay_start_0:
0x88: {  	s2 =	sld [smem:$0x3FD9]  }
0x89: {  	s3 =	sld [smem:$0x3FFE];
	_ =	sdelay $0x1  }
0x8a: {  	s1 =	srdreg.scid  }
0x8b: {  	s0 =	sand.u32 $0x1, s1  }
0x8c: {  	s17 =	sshll.u32 s0, $0xA;
	s2 =	sadd.s32 s3, s2  }
0x8d: {  	s2 =	sadd.s32 s2, s17  }
0x8e: {  	[smem:$0x3FC3] =	sst s2  }
0x8f: {  	_ = 	snop  }
0x90: {  	s2 =	sld [smem:$0x3FC9]  }
0x91: {  	s18 =	sld [smem:$0x3FC7]  }
0x92: {  	s4 =	sld [smem:$0x3FC5];
	(tm) =	ssettm $0x1  }
0x93: {  	s5 =	sld [smem:$0x3FFB];
	_ =	sdelay $0x3  }
0x94: {  	_ =	strace s5  }
0x95: {  	s5 =	sld [smem:$0x3FFC];
	_ =	sdelay $0x3  }
0x96: {  	_ =	strace s5  }
0x97: {  	s5 =	sld [smem:$0x3FFD];
	_ =	sdelay $0x3  }
0x98: {  	_ =	strace s5  }
0x99: {  	_ =	strace $0x8FFFFFFF  }
0x9a: {  	s19 =	sld [smem:$0x3FDB];
	_ =	sdelay $0x1  }
0x9b: {  	s6 =	simm.s32 $_scs_section_size  }
0x9c: {  	s7 =	simm.s32 $_size__tile_overlayer_lowered;
	s8 =	simm.s32 $_tile_overlayer_lowered  }
0x9d: {  	s22 =	simm.s32 $0x1BFF;
	s21 =	sshll.u32 s8, $0x1;
	s5 =	sadd.s32 s6, s19  }
0x9e: {  	s9 =	simm.s32 $0x0;
	s20 =	sshll.u32 s7, $0x1;
	s7 =	sadd.s32 s21, s5  }
0x9f: {  	[timem:s9], [sflag:s22] =	dma.local [hbm:s7], s20  }
0xa0: {  	_ =	swait.ge [sflag:s22], s20  }
0xa1: {  	s6 =	ssub.s32 $0x0, s20;
	[sflag:s22] =	ssyncset.done $0x0  }
0xa2: {  	[sflag:s22] =	ssyncadd.s32 s6;
	_ =	sdelay $0x1  }
0xa3: {  	s23 =	simm.s32 $0x1B8B  }
0xa4: {  	_ =	swait.ge [sflag:s23], $0x1  }
0xa5: {  	[sflag:s23] =	ssyncset.done $0x0  }
0xa6: {  	s25 =	simm.s32 $0x1B8E;
	s24 =	sld [smem:$0x3FFE];
	[sflag:s23] =	ssyncadd.s32 $0xFFFFFFFF  }
0xa7: {  	s26 =	simm.s32 $execute0_lowered;
	[smem:$0x3FD2] =	sst s25  }
0xa8: {  	s7 =	sshll.u32 s26, $0x1;
	_ =	strace $0x80000046;
	[dreg:$0x1] =	wrdreg $0xFFFFFFFF  }
0xa9: {  	s28 =	simm.s32 $_size_execute0_lowered;
	s5 =	sadd.s32 s5, s7;
	[dreg:$0x0] =	wrdreg $0x0  }
0xaa: {  	s7 =	sshll.u32 s28, $0x1;
	[dreg:$0x2] =	wrdreg s5  }
0xab: {  	[dreg:$0x3] =	wrdreg s7  }
0xac: {  	[dreg:$0x4] =	wrdreg $0xC0  }
0xad: {  	_ =	task [dreg:s9], $0x5FFFF  }
0xae: {  	[dreg:$0x1] =	wrdreg $0xFFFFFFFF  }
0xaf: {  	[dreg:$0x0] =	wrdreg $0x60  }
0xb0: {  	[dreg:$0x2] =	wrdreg s4  }
0xb1: {  	[dreg:$0x3] =	wrdreg s24  }
0xb2: {  	[dreg:$0x4] =	wrdreg s2  }
0xb3: {  	[dreg:$0x5] =	wrdreg s18  }
0xb4: {  	[dreg:$0x6] =	wrdreg $0x9  }
0xb5: {  	_ =	task.clear_ibuf [dreg:s9], $0x7FFFF;
	_ =	strace $0x90000046  }
0xb6: {  	s29 =	simm.s32 $0x9;
	_ =	strace $0x80000048  }
0xb7: {  	_ =	swait.ge [sflag:s29], $0x1  }
0xb8: {  	[sflag:s29] =	ssyncadd.s32 $0xFFFFFFFF  }
0xb9: {  	_ =	strace $0x90000048  }
0xba: {  	_ =	sfence  }
0xbb: {  	s30 =	sld [smem:$0x0];
	_ =	sdelay $0x2  }
0xbc: {  	s31 =	sshll.u32 s1, $0xD;
	s1 =	sshrl.u32 s1, $0x2  }
0xbd: {  	s3 =	sand.u32 $0x4000, s31;
	s1 =	sadd.s32 s1, s30  }
0xbe: {  	s0 =	sor.u32 s3, s0;
	s1 =	sshll.u32 s1, $0x11  }
0xbf: {  	s0 =	sor.u32 s1, s0  }
0xc0: {  	s0 =	sadd.s32 $0x8F2B, s0  }
0xc1: {  	[sflag:s0] =	ssyncadd.remote.s32 $0x1  }
0xc2: {  	_ =	sfence.sel $0xFFFF  }
0xc3: {  	[dreg:$0x0] =	wrdreg $0xFFFFFFFF;
	(pc) =	sbr.abs _section_cstart, $3  }
0xc4: {  	[dreg:$0x1] =	wrdreg $0xFFFFFFFF  }
0xc5: {  	_ =	task.clear_ibuf [dreg:s9], $0x2FFFF;
	_ =	strace $0x9FFFFFFF  }
0xc6: {  	(tm) =	ssettm $0x7FFFFFFF  }
0xc7: {  	_ =	shalt  }
tec
execute0_lowered:
.L_overlay_start_1:
0x0: {  	(tag) =	ssettag $0x1  }
0x1: {  	v0 =	vimm.s32 $0x76543210;
	v1 =	vimm.s32 $0xFEDCBA98  }
0x2: {  	v2 =	vimm.s32 $0xBA98FEDC;
	v3 =	vimm.s32 $0x32107654;
	v4 =	vimm.s32 $0xDCFE98BA  }
0x3: {  	v5 =	vimm.s32 $0x54761032;
	v6 =	vimm.s32 $0xEFCDAB89;
	v7 =	vimm.s32 $0x67452301  }
0x4: {  	v0 =	vunpack.c.l.s4.s8 v0;
	v1 =	vunpack.c.l.s4.s8 v1;
	v2 =	vunpack.c.l.s4.s8 v2  }
0x5: {  	v3 =	vunpack.c.l.s4.s8 v3;
	v4 =	vunpack.c.l.s4.s8 v4;
	v5 =	vunpack.c.l.s4.s8 v5  }
0x6: {  	s0 =	rddreg [dreg:$0x0];
	v6 =	vunpack.c.l.s4.s8 v6;
	v7 =	vunpack.c.l.s4.s8 v7;
	v2 =	vunpack.c.0.s8.s32 v2  }
0x7: {  	s1 =	rddreg [dreg:$0x1];
	v3 =	vunpack.c.0.s8.s32 v3;
	v4 =	vunpack.c.0.s8.s32 v4;
	v5 =	vunpack.c.0.s8.s32 v5  }
0x8: {  	s5 =	rddreg [dreg:$0x2];
	v1 =	vunpack.c.0.s8.s32 v1;
	v6 =	vunpack.c.0.s8.s32 v6;
	v7 =	vunpack.c.0.s8.s32 v7  }
0x9: {  	s2 =	srdreg.scid;
	s7 =	rddreg [dreg:$0x3];
	v0 =	vunpack.c.0.s8.s32 v0;
	v2 =	vcombine.low v3, v2  }
0xa: {  	s9 =	stileid.u32;
	s14 =	simm.s32 $0x80;
	s2 =	sand.u32 $0x1, s2;
	v3 =	vcombine.low v5, v4;
	v1 =	vand.u32 $0xF, v1;
	v4 =	vcombine.low v7, v6  }
0xb: {  	vm10 =	vmmov $0x7ff;
	s17 =	simm.s32 $0x1;
	s18 =	simm.s32 $0x2;
	s3 =	sshll.u32 s2, $0x4;
	v0 =	vcombine.low v1, v0;
	v1 =	vand.u32 $0xF, v2  }
0xc: {  	s21 =	simm.s32 $0x0;
	s8 =	sor.u32 s9, s3;
	s3 =	simm.s32 $0x0;
	v2 =	vand.u32 $0xF, v3;
	v3 =	vand.u32 $0xF, v4;
	v4 =	vimm.s32 $0x0  }
0xd: {  	s2 =	ssub.s32 $0x2, s2;
	s9 =	sshll.u32 s9, $0x7;
	[smem:$0x7FF] =	sst s3;
	v4 =	vsel vm10, $0xFFFFFFFF, v4  }
0xe: {  	vm0 =	vmmov $0x1;
	s11 =	sshrl.u32 s2, $0x1;
	s4 =	smul.u32 $0x180, s8;
	_ =	strace $0x80000047;
	vm10 =	vmmov $0xfff;
	[tilespmem:$0x1FFB0] =	vst v4;
	v4 =	vimm.s32 $0x0  }
0xf: {  	vm1 =	vmmov $0x3;
	vm2 =	vmmov $0x7;
	s6 =	sshrl.u32 s8, $0x3;
	s9 =	sand.u32 $0x380, s9;
	s10 =	sshll.u32 s8, $0xB;
	v4 =	vsel vm10, $0xFFFFFFFF, v4  }
0x10: {  	vm3 =	vmmov $0xf;
	s2 =	ssub.s32 s2, s11;
	s8 =	sshll.u32 s8, $0x4;
	s6 =	smul.u32 $0x5000, s6;
	vm10 =	vmmov $0x1fff;
	[tilespmem:$0x1FFC0] =	vst v4;
	v4 =	vimm.s32 $0x0  }
0x11: {  	s29 =	sadd.s32 s10, s1;
	s30 =	sadd.s32 s5, s10;
	s7 =	sadd.s32 s7, s8;
	v5 =	vimm.s32 $0x0;
	v4 =	vsel vm10, $0xFFFFFFFF, v4;
	vm10 =	vmmov $0x3fff  }
0x12: {  	vm4 =	vmmov $0x1f;
	vm5 =	vmmov $0x3f;
	s10 =	simm.s32 $0x5;
	s4 =	sadd.s32 s4, s1;
	s6 =	sor.u32 s9, s6;
	v5 =	vsel vm10, $0xFFFFFFFF, v5  }
0x13: {  	vm6 =	vmmov $0x7f;
	[dreg:$0x6] =	wrdreg s30;
	s31 =	sadd.s32 $0x3800, s29;
	s6 =	sshrl.u32 s6, $0x3;
	vm10 =	vmmov $0x7fff;
	[tilespmem:$0x1FFE0] =	vst v5;
	v5 =	vimm.s32 $0x0  }
0x14: {  	vm7 =	vmmov $0xff;
	s4 =	sadd.s32 $0x800, s4;
	[dreg:$0x7] =	wrdreg s31;
	s1 =	sadd.s32 s6, s1;
	[tilespmem:$0x1FFD0] =	vst v4;
	v4 =	vlaneseq.u32;
	v5 =	vsel vm10, $0xFFFFFFFF, v5  }
0x15: {  	vm8 =	vmmov $0x1ff;
	vm9 =	vmmov $0x3ff;
	s9 =	smax.u32 s2, $0x1;
	[dreg:$0x5] =	wrdreg s4;
	s8 =	sadd.s32 $0x13800, s1;
	[tilespmem:$0x1FFF0] =	vst v5;
	v5 =	vadd.s32 $0xFFFFFFEC, v4  }
.LBB2_1:
0x16: {  	s1 =	rddreg [dreg:$0x5]  }
0x17: {  	[tilespmem:s3], [sflag:$0x5] =	stream.linear.gather [hbm4b:s1+s3], $0xA00, $0x38;
	[tilespmem:$0x19700] =	vst v63  }
0x18: {  	_ =	swait.ge [sflag:s10], $0xA00  }
0x19: {  	[sflag:s10] =	ssyncset.done $0x0  }
0x1a: {  	s2 =	simm.s32 $0x10C00;
	s24 =	rddreg [dreg:$0x6];
	[sflag:s10] =	ssyncadd.s32 $0xFFFFF600  }
0x1b: {  	[tilespmem:s2], [sflag:$0x5] =	stream.linear.gather [hbm4b:s24+s3], $0x4000, $0x38;
	[tilespmem:$0x19700] =	vst v63  }
0x1c: {  	_ =	swait.ge [sflag:s10], $0x4000  }
0x1d: {  	[sflag:s10] =	ssyncset.done $0x0  }
0x1e: {  	s26 =	simm.s32 $0x14C00;
	s25 =	rddreg [dreg:$0x7];
	[sflag:s10] =	ssyncadd.s32 $0xFFFFC000  }
0x1f: {  	[tilespmem:s26], [sflag:$0x5] =	stream.linear.gather [hbm4b:s25+s3], $0x4000, $0x38;
	[tilespmem:$0x19700] =	vst v63  }
0x20: {  	_ =	swait.ge [sflag:s10], $0x4000  }
0x21: {  	[sflag:s10] =	ssyncset.done $0x0  }
0x22: {  	s29 =	simm.s32 $0x18C00;
	[sflag:s10] =	ssyncadd.s32 $0xFFFFC000  }
0x23: {  	[tilespmem:s29], [sflag:$0x5] =	stream.linear.gather [hbm4b:s7+s3], $0x80, $0x38;
	[tilespmem:$0x19700] =	vst v63  }
0x24: {  	s30 =	simm.s32 $0xC00;
	_ =	swait.ge [sflag:s10], $0x80  }
0x25: {  	s31 =	simm.s32 $0x4C00;
	s23 =	simm.s32 $0x18D00;
	[sflag:s10] =	ssyncset.done $0x0  }
0x26: {  	s11 =	simm.s32 $0x0;
	s28 =	simm.s32 $0x0;
	[sflag:s10] =	ssyncadd.s32 $0xFFFFFF80  }
0x27: {  	[tilespmem:s30], [sflag:$0x1] =	stream.indirect.gather [hbm4b:s0+s14], $0x80, s3, s14, $0xb8;
	[tilespmem:$0x19700] =	vst v63  }
0x28: {  	s1 =	simm.s32 $0x0;
	s2 =	simm.s32 $0xC;
	s26 =	simm.s32 $0x0  }
0x29: {  	[tilespmem:s31], [sflag:$0x2] =	stream.indirect.gather [hbm4b:s0+s14], $0x80, s14, s14, $0xb8;
	[tilespmem:$0x19700] =	vst v63  }
.LBB2_2:
0x2a: {  	s12 =	sand.u32 $0x3, s28  }
0x2b: {  	p0 =	sgt.s32 s12, $0x1  }
0x2c: {  	p1 =	seq.s32 @p0 s12, $0x2  }
0x2d: {  	p2 =	por !p1, !p0  }
0x2e: {  	s13 =	smin.u32 s28, $0x11;
	s15 =	simm.s32 @!p2 $0x3  }
0x2f: {  	s13 =	sshll.u32 s13, $0x7;
	_ =	swait.ge @!p2 [sflag:s15], $0x4000  }
0x30: {  	s13 =	sadd.s32 $0x100, s13;
	p1 =	por p1, !p0;
	[sflag:s15] =	ssyncset.done @!p2 $0x0  }
0x31: {  	s16 =	simm.s32 @!p2 $0xC00;
	[sflag:s15] =	ssyncadd.s32 @!p2 $0xFFFFC000;
	s15 =	simm.s32 @!p2 $0x80  }
0x32: {  	[tilespmem:s16], [sflag:$0x1] =	stream.indirect.gather @!p2 [hbm4b:s0+s15], $0x80, s13, s15, $0xb8;
	[tilespmem:$0x19700] =	vst v63  }
0x33: {  	s15 =	simm.s32 @!p1 $0x4  }
0x34: {  	_ =	swait.ge @!p1 [sflag:s15], $0x4000  }
0x35: {  	[sflag:s15] =	ssyncset.done @!p1 $0x0  }
0x36: {  	s16 =	simm.s32 @!p1 $0x4C00;
	[sflag:s15] =	ssyncadd.s32 @!p1 $0xFFFFC000;
	s15 =	simm.s32 @!p1 $0x80  }
0x37: {  	[tilespmem:s16], [sflag:$0x2] =	stream.indirect.gather @!p1 [hbm4b:s0+s15], $0x80, s13, s15, $0xb8;
	[tilespmem:$0x19700] =	vst v63  }
0x38: {  	p1 =	seq.s32 @!p0 s12, $0x0  }
0x39: {  	p2 =	por !p1, p0  }
0x3a: {  	s12 =	simm.s32 @!p2 $0x1  }
0x3b: {  	_ =	swait.ge @!p2 [sflag:s12], $0x4000  }
0x3c: {  	p0 =	por p1, p0;
	[sflag:s12] =	ssyncset.done @!p2 $0x0  }
0x3d: {  	s15 =	simm.s32 @!p2 $0x8C00;
	[sflag:s12] =	ssyncadd.s32 @!p2 $0xFFFFC000;
	s12 =	simm.s32 @!p2 $0x80  }
0x3e: {  	[tilespmem:s15], [sflag:$0x3] =	stream.indirect.gather @!p2 [hbm4b:s0+s12], $0x80, s13, s12, $0xb8;
	[tilespmem:$0x19700] =	vst v63  }
0x3f: {  	s12 =	simm.s32 @!p0 $0x2  }
0x40: {  	_ =	swait.ge @!p0 [sflag:s12], $0x4000  }
0x41: {  	v6 =	vld [tilespmem:$0x1FFC0];
	_ =	sdelay $0x4  }
0x42: {  	vm12 =	vnez.u8 v6;
	v6 =	vld [tilespmem:$0x1FFD0];
	_ =	sdelay $0x4  }
0x43: {  	vm13 =	vnez.u8 v6;
	v6 =	vld [tilespmem:$0x1FFE0];
	_ =	sdelay $0x4  }
0x44: {  	vm14 =	vnez.u8 v6;
	v6 =	vld [tilespmem:$0x1FFF0]  }
0x45: {  	s24 =	sand.u32 $0x3, s26;
	s30 =	simm.s32 $0x0;
	s31 =	smov.u32 s23  }
0x46: {  	s22 =	smov.u32 s2;
	s25 =	sshll.u32 s24, $0xE;
	s24 =	smov.u32 s1  }
0x47: {  	s29 =	sor.u32 $0x1000, s25;
	s25 =	smov.u32 s11;
	[sflag:s12] =	ssyncset.done @!p0 $0x0  }
0x48: {  	s16 =	simm.s32 @!p0 $0xCC00;
	[sflag:s12] =	ssyncadd.s32 @!p0 $0xFFFFC000;
	s12 =	simm.s32 @!p0 $0x80  }
0x49: {  	[tilespmem:s16], [sflag:$0x4] =	stream.indirect.gather @!p0 [hbm4b:s0+s12], $0x80, s13, s12, $0xb8;
	vm11 =	vnez.u8 v6;
	[tilespmem:$0x19700] =	vst v63  }
.LBB2_3:
0x4a: {  	v10 =	vld [tilespmem:s29+$0xFFFFFC00]  }
0x4b: {  	v22 =	vld [tilespmem:s29+$0xFFFFFC10]  }
0x4c: {  	s13 =	sadd.s32 s30, s11;
	v23 =	vld [tilespmem:s29+$0xFFFFFC20]  }
0x4d: {  	v26 =	vld [tilespmem:s29+$0xFFFFFC30];
	s12 =	smulhi.u32 $0xCCCCCCCD, s13  }
0x4e: {  	v27 =	vld [tilespmem:s29+$0xFFFFFC40]  }
0x4f: {  	v28 =	vld [tilespmem:s29+$0xFFFFFC90];
	s12 =	sshrl.u32 s12, $0x4  }
0x50: {  	v63 =	vld [tilespmem:s29+$0xFFFFFC60];
	s19 =	sshll.u32 s12, $0x7  }
0x51: {  	v17 =	vld [tilespmem:s19+$0x10C00]  }
0x52: {  	v18 =	vld [tilespmem:s19+$0x10C10]  }
0x53: {  	s13 =	sadd.s32 $0xC, s13;
	v14 =	vld [tilespmem:s19+$0x10C20]  }
0x54: {  	s13 =	smulhi.u32 $0xCCCCCCCD, s13;
	v11 =	vld [tilespmem:s19+$0x10C30]  }
0x55: {  	v9 =	vld [tilespmem:s19+$0x10C40]  }
0x56: {  	s13 =	sshrl.u32 s13, $0x4;
	v8 =	vld [tilespmem:s19+$0x10C50]  }
0x57: {  	v7 =	vld [tilespmem:s19+$0x10C60];
	s16 =	sshll.u32 s13, $0x7  }
0x58: {  	v20 =	vld [tilespmem:s16+$0x10C00]  }
0x59: {  	v21 =	vld [tilespmem:s16+$0x10C10]  }
0x5a: {  	s15 =	smulhi.u32 $0xCCCCCCCD, s22;
	v19 =	vld [tilespmem:s16+$0x10C20]  }
0x5b: {  	v16 =	vld [tilespmem:s16+$0x10C30]  }
0x5c: {  	s15 =	sshrl.u32 s15, $0x4;
	v15 =	vld [tilespmem:s16+$0x10C40]  }
0x5d: {  	s15 =	smul.u32 $0x14, s15;
	v13 =	vld [tilespmem:s16+$0x10C50]  }
0x5e: {  	v12 =	vld [tilespmem:s16+$0x10C60]  }
0x5f: {  	v36 =	vld [tilespmem:s29+$0xFFFFFCA0];
	s15 =	sadd.s32 s15, s24  }
0x60: {  	v31 =	vld [tilespmem:s29+$0xFFFFFCB0];
	vm10 =	vmmov vm9;
	p1 =	sgt.s32 s15, $0x0  }
0x61: {  	v40 =	vld [tilespmem:s29+$0xFFFFFD00];
	v24 =	vpsel p1, v17, v20;
	v25 =	vpsel p1, v18, v21;
	v56 =	vpsel p1, v14, v19  }
0x62: {  	v43 =	vld [tilespmem:s29+$0xFFFFFD10];
	p0 =	sgt.s32 s15, $0x1;
	v57 =	vpsel p1, v11, v16;
	v61 =	vpsel p1, v9, v15;
	v37 =	vpsel p1, v8, v13  }
0x63: {  	v45 =	vld [tilespmem:s29+$0xFFFFFCC0];
	v30 =	vpsel p0, v18, v21;
	v32 =	vpsel p1, v7, v12;
	v42 =	vpsel p0, v14, v19  }
0x64: {  	v47 =	vld [tilespmem:s29+$0xFFFFFD20];
	p5 =	sgt.s32 s15, $0x2;
	v48 =	vpsel p0, v11, v16;
	v24 =	vmul.f32 v10, v24;
	v22 =	vmul.f32 v22, v25  }
0x65: {  	v49 =	vld [tilespmem:s29+$0xFFFFFCD0];
	v50 =	vpsel p5, v17, v20;
	v23 =	vmul.f32 v23, v56;
	v59 =	vmul.f32 v26, v57  }
0x66: {  	v58 =	vld [tilespmem:s29+$0xFFFFFC50];
	v51 =	vpsel p5, v18, v21;
	v62 =	vmul.f32 v27, v61;
	v39 =	vmul.f32 v28, v30  }
0x67: {  	v60 =	vld [tilespmem:s29+$0xFFFFFC80];
	v34 =	vpsel p0, v9, v15;
	v41 =	vmul.f32 v63, v32;
	v44 =	vmul.f32 v36, v42  }
0x68: {  	v35 =	vld [tilespmem:s29+$0xFFFFFCE0];
	v53 =	vpsel p5, v14, v19;
	v25 =	vmul.f32 v31, v48;
	v28 =	vmul.f32 v40, v50  }
0x69: {  	v33 =	vld [tilespmem:s29+$0xFFFFFD30];
	v55 =	vpsel p0, v8, v13;
	v30 =	vmul.f32 v43, v51;
	v52 =	vmul.f32 v45, v34  }
0x6a: {  	v6 =	vld [tilespmem:s19+$0x10C70];
	p6 =	sgt.s32 s15, $0x3;
	v38 =	vpsel p0, v17, v20;
	v26 =	vmul.f32 v47, v53;
	v57 =	vmul.f32 v49, v55  }
0x6b: {  	v10 =	vld [tilespmem:s16+$0x10C70];
	v45 =	vpsel p6, v17, v20;
	v51 =	vpsel p6, v14, v19;
	v55 =	vpsel p6, v11, v16  }
0x6c: {  	v22 =	vadd.f32 v22, v24;
	v24 =	vmul.f32 v60, v38;
	v60 =	vpsel p0, v7, v12  }
0x6d: {  	v43 =	vld [tilespmem:s29+$0xFFFFFDA0];
	v28 =	vadd.f32 v30, v28;
	v38 =	vpsel p5, v8, v13;
	v61 =	vmul.f32 v35, v60  }
0x6e: {  	v29 =	vld [tilespmem:s29+$0xFFFFFC70];
	v60 =	vpsel p6, v9, v15;
	v22 =	vadd.f32 v23, v22;
	v23 =	vmul.f32 v58, v37  }
0x6f: {  	v36 =	vld [tilespmem:s29+$0xFFFFFD80];
	v24 =	vadd.f32 v39, v24;
	v58 =	vpsel p5, v11, v16;
	v26 =	vadd.f32 v26, v28  }
0x70: {  	v56 =	vld [tilespmem:s29+$0xFFFFFCF0];
	v46 =	vpsel p1, v6, v10;
	v27 =	vmul.f32 v33, v58;
	v22 =	vadd.f32 v59, v22  }
0x71: {  	v39 =	vld [tilespmem:s29+$0xFFFFFD90];
	v37 =	vpsel p0, v6, v10;
	v48 =	vpsel p5, v6, v10;
	v24 =	vadd.f32 v44, v24  }
0x72: {  	v54 =	vld [tilespmem:s29+$0xFFFFFD40];
	v53 =	vmul.f32 v43, v51;
	p1 =	sgt.s32 s15, $0x4;
	v44 =	vpsel p5, v7, v12;
	v22 =	vadd.f32 v62, v22  }
0x73: {  	v59 =	vld [tilespmem:s29+$0xFFFFFD50];
	v51 =	vpsel p1, v17, v20;
	v33 =	vadd.f32 v27, v26;
	v24 =	vadd.f32 v25, v24  }
0x74: {  	v63 =	vld [tilespmem:s29+$0xFFFFFD60];
	v26 =	vmul.f32 v36, v45;
	v62 =	vpsel p5, v9, v15;
	v22 =	vadd.f32 v23, v22  }
0x75: {  	v23 =	vmul.f32 v29, v46;
	v24 =	vadd.f32 v52, v24;
	v46 =	vpsel p6, v18, v21;
	v52 =	vld [tilespmem:s29+$0xFFFFFDC0]  }
0x76: {  	v47 =	vld [tilespmem:s29+$0xFFFFFDB0];
	v25 =	vmul.f32 v56, v37;
	v49 =	vmul.f32 v39, v46;
	v22 =	vadd.f32 v41, v22  }
0x77: {  	v37 =	vpsel p1, v11, v16;
	v35 =	vmul.f32 v54, v62;
	v24 =	vadd.f32 v57, v24;
	v41 =	vld [tilespmem:s29+$0xFFFFFD70]  }
0x78: {  	v58 =	vld [tilespmem:s29+$0xFFFFFDE0];
	v40 =	vmul.f32 v59, v38;
	v26 =	vadd.f32 v49, v26;
	v22 =	vadd.f32 v23, v22  }
0x79: {  	v56 =	vld [tilespmem:s29+$0xFFFFFDD0];
	v46 =	vpsel p6, v7, v12;
	v24 =	vadd.f32 v61, v24;
	v23 =	vadd.f32 v35, v33  }
0x7a: {  	v49 =	vpsel p6, v6, v10;
	v61 =	vld [tilespmem:s29+$0xFFFFFDF0];
	v26 =	vadd.f32 v53, v26;
	v62 =	vmul.f32 v52, v60  }
0x7b: {  	v24 =	vadd.f32 v25, v24;
	v23 =	vadd.f32 v40, v23;
	v25 =	vmul.f32 v63, v44  }
0x7c: {  	v52 =	vpsel p1, v18, v21;
	v42 =	vperm.xlane v22, v0;
	v63 =	vld [tilespmem:s29+$0xFFFFFE00];
	v50 =	vmul.f32 v41, v48  }
0x7d: {  	v36 =	vld [tilespmem:s29+$0xFFFFFE90];
	v41 =	vpsel p6, v8, v13;
	v48 =	vmul.f32 v58, v46;
	v23 =	vadd.f32 v25, v23  }
0x7e: {  	p2 =	sgt.s32 s15, $0x5;
	v22 =	vadd.f32 v22, v42;
	v54 =	vperm.xlane v24, v0;
	v25 =	vmul.f32 v47, v55;
	v42 =	vld [tilespmem:s29+$0xFFFFFE10]  }
0x7f: {  	v60 =	vpsel p2, v18, v21;
	v44 =	vmul.f32 v56, v41;
	v55 =	vld [tilespmem:s29+$0xFFFFFE30];
	v27 =	vmul.f32 v61, v49  }
0x80: {  	v23 =	vadd.f32 v50, v23;
	v57 =	vperm.xlane v22, v1;
	v24 =	vadd.f32 v24, v54  }
0x81: {  	v58 =	vld [tilespmem:s29+$0xFFFFFE40];
	v25 =	vadd.f32 v25, v26;
	v53 =	vmul.f32 v63, v51;
	v51 =	vpsel p2, v9, v15  }
0x82: {  	v56 =	vld [tilespmem:s29+$0xFFFFFEA0];
	v59 =	vperm.xlane v23, v0;
	v22 =	vadd.f32 v22, v57;
	v40 =	vperm.xlane v24, v1  }
0x83: {  	v50 =	vld [tilespmem:s29+$0xFFFFFE80];
	v25 =	vadd.f32 v62, v25;
	v57 =	vpsel p1, v14, v19;
	v62 =	vmul.f32 v36, v60  }
0x84: {  	v41 =	vld [tilespmem:s29+$0xFFFFFEC0];
	v36 =	vpsel p2, v6, v10;
	v54 =	vmul.f32 v42, v52;
	v63 =	vmul.f32 v55, v37  }
0x85: {  	v42 =	vpsel p1, v9, v15;
	v23 =	vadd.f32 v23, v59;
	v43 =	vperm.xlane v22, v2  }
0x86: {  	v46 =	vld [tilespmem:s29+$0xFFFFFED0];
	v24 =	vadd.f32 v24, v40;
	v25 =	vadd.f32 v44, v25;
	v59 =	vpsel p2, v17, v20  }
0x87: {  	v40 =	vpsel p2, v14, v19;
	v44 =	vmul.f32 v58, v42;
	v58 =	vpsel p1, v6, v10  }
0x88: {  	v47 =	vld [tilespmem:s29+$0xFFFFFE20];
	v26 =	vadd.f32 v54, v53;
	v29 =	vmul.f32 v50, v59;
	v28 =	vmul.f32 v56, v40  }
0x89: {  	p3 =	sgt.s32 s15, $0x6;
	v38 =	vld [tilespmem:s29+$0xFFFFFE50];
	v53 =	vpsel p1, v7, v12;
	v54 =	vmul.f32 v41, v51;
	v56 =	vpsel p2, v8, v13  }
0x8a: {  	v61 =	vld [tilespmem:s29+$0xFFFFFEB0];
	v51 =	vpsel p3, v18, v21;
	v45 =	vperm.xlane v23, v1;
	v25 =	vadd.f32 v48, v25  }
0x8b: {  	v22 =	vadd.f32 v22, v43;
	v33 =	vperm.xlane v24, v2;
	v59 =	vmul.f32 v46, v56  }
0x8c: {  	v43 =	vld [tilespmem:s29+$0xFFFFFE60];
	v56 =	vpsel p3, v14, v19;
	v29 =	vadd.f32 v62, v29;
	v23 =	vadd.f32 v23, v45  }
0x8d: {  	v48 =	vld [tilespmem:s29+$0xFFFFFE70];
	v25 =	vadd.f32 v27, v25;
	v27 =	vmul.f32 v47, v57;
	v45 =	vpsel p2, v11, v16  }
0x8e: {  	v47 =	vpsel p1, v8, v13;
	v24 =	vadd.f32 v24, v33;
	v28 =	vadd.f32 v28, v29  }
0x8f: {  	v52 =	vld [tilespmem:s29+$0xFFFFFEE0];
	v49 =	vmul.f32 v61, v45;
	v50 =	vmul.f32 v38, v47;
	v61 =	vpsel p2, v7, v12  }
0x90: {  	v57 =	vld [tilespmem:s29+$0xFFFFFEF0];
	v38 =	vperm.xlane v22, v3;
	v26 =	vadd.f32 v27, v26;
	v62 =	vperm.xlane v23, v2  }
0x91: {  	v35 =	vperm.xlane v25, v0;
	v39 =	vperm.xlane v24, v3;
	v28 =	vadd.f32 v49, v28  }
0x92: {  	v55 =	vmul.f32 v43, v53;
	v60 =	vmul.f32 v48, v58;
	v22 =	vadd.f32 v22, v38  }
0x93: {  	v42 =	vld [tilespmem:s29+$0xFFFFFF00];
	v38 =	vpsel p3, v9, v15;
	v26 =	vadd.f32 v63, v26;
	v23 =	vadd.f32 v23, v62  }
0x94: {  	v63 =	vmul.f32 v52, v61;
	v25 =	vadd.f32 v25, v35;
	v24 =	vadd.f32 v24, v39;
	v52 =	vld [tilespmem:s29+$0xFFFFFF30]  }
0x95: {  	v28 =	vadd.f32 v54, v28;
	v27 =	vmul.f32 v57, v36;
	v26 =	vadd.f32 v44, v26  }
0x96: {  	v61 =	vpsel p3, v11, v16;
	v57 =	vld [tilespmem:s29+$0xFFFFFF40];
	v40 =	vperm.xlane v23, v3;
	v41 =	vperm.xlane v25, v1  }
0x97: {  	v44 =	vld [tilespmem:s29+$0xFFFFFF10];
	v22 =	vsel vm0, v22, v24;
	v28 =	vadd.f32 v59, v28;
	v26 =	vadd.f32 v50, v26  }
0x98: {  	v23 =	vadd.f32 v23, v40;
	v25 =	vadd.f32 v25, v41;
	v50 =	vpsel p3, v17, v20  }
0x99: {  	v39 =	vld [tilespmem:s29+$0xFFFFFF90];
	v28 =	vadd.f32 v63, v28;
	v53 =	vmul.f32 v42, v50;
	v63 =	vmul.f32 v52, v61  }
0x9a: {  	p4 =	sgt.s32 s15, $0x7;
	v26 =	vadd.f32 v55, v26;
	v22 =	vsel vm1, v22, v23;
	v48 =	vperm.xlane v25, v2  }
0x9b: {  	v47 =	vld [tilespmem:s29+$0xFFFFFF20];
	v41 =	vmul.f32 v57, v38;
	v57 =	vpsel p4, v14, v19;
	v27 =	vadd.f32 v27, v28  }
0x9c: {  	v38 =	vpsel p4, v6, v10;
	v54 =	vmul.f32 v44, v51;
	v26 =	vadd.f32 v60, v26  }
0x9d: {  	v36 =	vld [tilespmem:s29+$0xFFFFFF80];
	v23 =	vadd.f32 v25, v48;
	v48 =	vpsel p4, v18, v21;
	v43 =	vperm.xlane v27, v0  }
0x9e: {  	p5 =	sgt.s32 s15, $0x8;
	v25 =	vadd.f32 v54, v53;
	v51 =	vmul.f32 v39, v48;
	v53 =	vpsel p3, v6, v10  }
0x9f: {  	v39 =	vpsel p5, v18, v21;
	v37 =	vperm.xlane v26, v0;
	v58 =	vperm.xlane v23, v3  }
0xa0: {  	v62 =	vld [tilespmem:s29+$0xFFFFFF60];
	v46 =	vadd.f32 v27, v43;
	v27 =	vmul.f32 v47, v56;
	v43 =	vpsel p3, v8, v13  }
0xa1: {  	v59 =	vld [tilespmem:s29+$0xFFFFFF50];
	v47 =	vpsel p4, v17, v20;
	v26 =	vadd.f32 v26, v37;
	v23 =	vadd.f32 v23, v58  }
0xa2: {  	v50 =	vmul.f32 v36, v47;
	v49 =	vperm.xlane v46, v1;
	v25 =	vadd.f32 v27, v25  }
0xa3: {  	v61 =	vld [tilespmem:s29+$0xFFFFFFC0];
	v58 =	vpsel p4, v11, v16;
	v45 =	vperm.xlane v26, v1;
	v22 =	vsel vm2, v22, v23  }
0xa4: {  	v52 =	vld [tilespmem:s29+$0x0];
	v24 =	vadd.f32 v46, v49;
	v40 =	vadd.f32 v63, v25;
	v46 =	vpsel p3, v7, v12  }
0xa5: {  	v44 =	vld [tilespmem:s29+$0xFFFFFF70];
	v25 =	vadd.f32 v51, v50;
	v63 =	vpsel p4, v7, v12;
	v51 =	vpsel p5, v11, v16  }
0xa6: {  	v49 =	vld [tilespmem:s29+$0xFFFFFFA0];
	v26 =	vadd.f32 v26, v45;
	v45 =	vmul.f32 v59, v43;
	v28 =	vmul.f32 v62, v46  }
0xa7: {  	v54 =	vld [tilespmem:s29+$0x10];
	v59 =	vpsel p4, v9, v15;
	v62 =	vpsel p4, v8, v13;
	v46 =	vpsel p5, v14, v19  }
0xa8: {  	p6 =	sgt.s32 s15, $0x9;
	v56 =	vld [tilespmem:s29+$0xFFFFFFB0];
	v60 =	vperm.xlane v24, v2;
	v23 =	vadd.f32 v41, v40;
	v50 =	vmul.f32 v61, v59  }
0xa9: {  	v47 =	vld [tilespmem:s29+$0x40];
	p4 =	sgt.s32 s15, $0xD;
	v59 =	vpsel p5, v8, v13;
	v41 =	vpsel p6, v18, v21;
	v55 =	vperm.xlane v26, v2  }
0xaa: {  	v35 =	vpsel p4, v7, v12;
	v24 =	vadd.f32 v24, v60;
	v23 =	vadd.f32 v45, v23;
	v60 =	vld [tilespmem:s29+$0x20]  }
0xab: {  	v45 =	vld [tilespmem:s29+$0xFFFFFFD0];
	v26 =	vadd.f32 v26, v55;
	v55 =	vmul.f32 v44, v53;
	v29 =	vmul.f32 v49, v57  }
0xac: {  	v44 =	vpsel p5, v17, v20;
	v49 =	vld [tilespmem:s29+$0xFFFFFFE0];
	v42 =	vperm.xlane v24, v3;
	v23 =	vadd.f32 v28, v23  }
0xad: {  	v53 =	vld [tilespmem:s29+$0xFFFFFFF0];
	v30 =	vmul.f32 v52, v44;
	v37 =	vperm.xlane v26, v3;
	v25 =	vadd.f32 v29, v25  }
0xae: {  	v40 =	vld [tilespmem:s29+$0x30];
	v28 =	vmul.f32 v56, v58;
	v24 =	vadd.f32 v24, v42;
	v23 =	vadd.f32 v55, v23  }
0xaf: {  	v52 =	vld [tilespmem:s29+$0x50];
	v55 =	vpsel p5, v9, v15;
	v26 =	vadd.f32 v26, v37;
	v29 =	vmul.f32 v60, v46  }
0xb0: {  	v25 =	vadd.f32 v28, v25;
	v27 =	vmul.f32 v45, v62;
	v28 =	vmul.f32 v47, v55  }
0xb1: {  	v46 =	vpsel p6, v14, v19;
	v48 =	vperm.xlane v23, v0;
	v58 =	vmul.f32 v49, v63  }
0xb2: {  	v57 =	vld [tilespmem:s29+$0x80];
	v36 =	vmul.f32 v53, v38;
	v38 =	vpsel p5, v7, v12;
	v53 =	vpsel p6, v9, v15  }
0xb3: {  	v60 =	vld [tilespmem:s29+$0x90];
	v22 =	vsel vm3, v22, v26;
	v26 =	vmul.f32 v54, v39;
	v54 =	vmul.f32 v40, v51  }
0xb4: {  	v63 =	vld [tilespmem:s29+$0x70];
	v25 =	vadd.f32 v50, v25;
	v62 =	vmul.f32 v52, v59;
	v39 =	vpsel p5, v6, v10  }
0xb5: {  	v40 =	vpsel p6, v17, v20;
	v50 =	vpsel p6, v11, v16;
	v23 =	vadd.f32 v23, v48  }
0xb6: {  	v51 =	vld [tilespmem:s29+$0xD0];
	v22 =	vsel vm4, v22, v24;
	v26 =	vadd.f32 v26, v30;
	v25 =	vadd.f32 v27, v25  }
0xb7: {  	v56 =	vld [tilespmem:s29+$0x60];
	v43 =	vmul.f32 v57, v40;
	v40 =	vpsel p6, v6, v10;
	v34 =	vperm.xlane v23, v1  }
0xb8: {  	v37 =	vld [tilespmem:s29+$0xA0];
	v44 =	vmul.f32 v60, v41;
	v26 =	vadd.f32 v29, v26;
	v25 =	vadd.f32 v58, v25  }
0xb9: {  	v47 =	vld [tilespmem:s29+$0xC0];
	v45 =	vmul.f32 v63, v39;
	v58 =	vpsel p6, v8, v13;
	v23 =	vadd.f32 v23, v34  }
0xba: {  	v63 =	vpsel p6, v7, v12;
	v27 =	vadd.f32 v44, v43;
	v26 =	vadd.f32 v54, v26  }
0xbb: {  	p1 =	sgt.s32 s15, $0xA;
	v42 =	vld [tilespmem:s29+$0xB0];
	v60 =	vmul.f32 v51, v58;
	v25 =	vadd.f32 v36, v25;
	v49 =	vperm.xlane v23, v2  }
0xbc: {  	v43 =	vpsel p1, v17, v20;
	v44 =	vpsel p1, v18, v21;
	v54 =	vld [tilespmem:s29+$0xE0];
	v61 =	vadd.f32 v28, v26  }
0xbd: {  	v36 =	vld [tilespmem:s29+$0x110];
	v26 =	vmul.f32 v56, v38;
	v48 =	vperm.xlane v25, v0;
	v23 =	vadd.f32 v23, v49  }
0xbe: {  	v28 =	vmul.f32 v37, v46;
	v56 =	vmul.f32 v47, v53;
	v24 =	vadd.f32 v62, v61  }
0xbf: {  	v41 =	vld [tilespmem:s29+$0x120];
	v49 =	vpsel p1, v14, v19;
	v25 =	vadd.f32 v25, v48;
	v57 =	vperm.xlane v23, v3  }
0xc0: {  	v27 =	vadd.f32 v28, v27;
	v61 =	vld [tilespmem:s29+$0x100];
	v24 =	vadd.f32 v26, v24;
	v26 =	vmul.f32 v42, v50  }
0xc1: {  	v38 =	vmul.f32 v54, v63;
	v55 =	vperm.xlane v25, v1;
	v23 =	vadd.f32 v23, v57  }
0xc2: {  	v47 =	vmul.f32 v36, v44;
	v57 =	vld [tilespmem:s29+$0x190];
	v24 =	vadd.f32 v45, v24;
	v26 =	vadd.f32 v26, v27  }
0xc3: {  	s20 =	smulhi.u32 $0xCCCCCCCD, s25;
	v54 =	vpsel p1, v11, v16;
	v63 =	vpsel p1, v7, v12;
	v25 =	vadd.f32 v25, v55  }
0xc4: {  	v45 =	vld [tilespmem:s29+$0x130];
	v27 =	vmul.f32 v41, v49;
	v52 =	vperm.xlane v24, v0;
	v26 =	vadd.f32 v56, v26  }
0xc5: {  	s20 =	sshrl.u32 s20, $0x4;
	p2 =	sgt.s32 s15, $0xB;
	v59 =	vld [tilespmem:s29+$0xF0];
	v22 =	vsel vm5, v22, v23;
	v46 =	vmul.f32 v61, v43;
	v37 =	vperm.xlane v25, v2  }
0xc6: {  	s20 =	smul.u32 $0x14, s20;
	v43 =	vpsel p2, v18, v21;
	v24 =	vadd.f32 v24, v52;
	v26 =	vadd.f32 v60, v26  }
0xc7: {  	v58 =	vld [tilespmem:s29+$0x160];
	v25 =	vadd.f32 v25, v37;
	v60 =	vpsel p1, v9, v15;
	v30 =	vmul.f32 v57, v43  }
0xc8: {  	s4 =	ssub.s32 s11, s20;
	v52 =	vld [tilespmem:s29+$0x150];
	v57 =	vpsel p2, v7, v12;
	v37 =	vpsel p4, v6, v10;
	v62 =	vperm.xlane v24, v1  }
0xc9: {  	s4 =	sadd.s32 s4, s30;
	v61 =	vld [tilespmem:s29+$0x1A0];
	v56 =	vmul.f32 v45, v54;
	v26 =	vadd.f32 v38, v26;
	v48 =	vperm.xlane v25, v3  }
0xca: {  	v54 =	vld [tilespmem:s29+$0x220];
	v38 =	vadd.s32 s4, v5;
	v39 =	vadd.f32 v24, v62;
	v24 =	vmul.f32 v59, v40  }
0xcb: {  	v50 =	vld [tilespmem:s29+$0x140];
	v25 =	vadd.f32 v25, v48;
	v62 =	vpsel p1, v8, v13;
	v40 =	vpsel p1, v6, v10  }
0xcc: {  	v55 =	vld [tilespmem:s29+$0x180];
	v42 =	vperm.xlane v39, v2;
	v24 =	vadd.f32 v24, v26;
	v26 =	vadd.f32 v47, v46  }
0xcd: {  	p3 =	sgt.s32 s15, $0xC;
	v41 =	vld [tilespmem:s29+$0x170];
	v22 =	vsel vm6, v22, v25;
	v46 =	vmul.f32 v52, v62;
	v47 =	vpsel p2, v14, v19  }
0xce: {  	v25 =	vmul.f32 v58, v63;
	v52 =	vpsel p2, v11, v16;
	v62 =	vpsel p3, v14, v19  }
0xcf: {  	v49 =	vld [tilespmem:s29+$0x210];
	v58 =	vpsel p2, v6, v10;
	v28 =	vmul.f32 v61, v47;
	v43 =	vmul.f32 v54, v62  }
0xd0: {  	v45 =	vld [tilespmem:s29+$0x1B0];
	v54 =	vpsel p3, v7, v12;
	v23 =	vadd.f32 v39, v42;
	v51 =	vperm.xlane v24, v0  }
0xd1: {  	v48 =	vld [tilespmem:s29+$0x200];
	v26 =	vadd.f32 v27, v26;
	v27 =	vmul.f32 v50, v60;
	v42 =	vpsel p2, v17, v20  }
0xd2: {  	v63 =	vld [tilespmem:s29+$0x240];
	v50 =	vmul.f32 v41, v40;
	v41 =	vpsel p3, v18, v21;
	v44 =	vmul.f32 v55, v42  }
0xd3: {  	v40 =	vpsel p4, v17, v20;
	v42 =	vld [tilespmem:s29+$0x230];
	v53 =	vperm.xlane v23, v3;
	v24 =	vadd.f32 v24, v51  }
0xd4: {  	v55 =	vpsel p2, v8, v13;
	v26 =	vadd.f32 v56, v26;
	v51 =	vld [tilespmem:s29+$0x1C0];
	v29 =	vadd.f32 v30, v44  }
0xd5: {  	v56 =	vld [tilespmem:s29+$0x1D0];
	v30 =	vmul.f32 v49, v41;
	v49 =	vpsel p3, v9, v15;
	v23 =	vadd.f32 v23, v53  }
0xd6: {  	v60 =	vld [tilespmem:s29+$0x1E0];
	v59 =	vperm.xlane v24, v1;
	v26 =	vadd.f32 v27, v26;
	v53 =	vpsel p2, v9, v15  }
0xd7: {  	v41 =	vld [tilespmem:s29+$0x1F0];
	v28 =	vadd.f32 v28, v29;
	v29 =	vmul.f32 v45, v52;
	v45 =	vpsel p3, v11, v16  }
0xd8: {  	v24 =	vadd.f32 v24, v59;
	v26 =	vadd.f32 v46, v26;
	v59 =	vpsel p3, v17, v20  }
0xd9: {  	v22 =	vsel vm7, v22, v23;
	v31 =	vmul.f32 v48, v59;
	v61 =	vmul.f32 v51, v53  }
0xda: {  	v52 =	vld [tilespmem:s29+$0x270];
	v28 =	vadd.f32 v29, v28;
	v44 =	vmul.f32 v56, v55;
	v48 =	vmul.f32 v42, v45  }
0xdb: {  	v29 =	vmul.f32 v63, v49;
	v51 =	vpsel p3, v8, v13;
	v55 =	vld [tilespmem:s29+$0x280];
	v34 =	vperm.xlane v24, v2  }
0xdc: {  	v56 =	vld [tilespmem:s29+$0x290];
	v25 =	vadd.f32 v25, v26;
	v26 =	vmul.f32 v60, v57;
	v27 =	vmul.f32 v41, v58  }
0xdd: {  	v58 =	vpsel p3, v6, v10;
	v30 =	vadd.f32 v30, v31;
	v28 =	vadd.f32 v61, v28  }
0xde: {  	p5 =	sgt.s32 s15, $0xE;
	v46 =	vld [tilespmem:s29+$0x250];
	v41 =	vpsel p4, v18, v21;
	v25 =	vadd.f32 v50, v25;
	v24 =	vadd.f32 v24, v34  }
0xdf: {  	v61 =	vld [tilespmem:s29+$0x2A0];
	v60 =	vmul.f32 v52, v58;
	v58 =	vpsel p5, v17, v20;
	v30 =	vadd.f32 v43, v30  }
0xe0: {  	p6 =	sgt.s32 s15, $0xF;
	v63 =	vld [tilespmem:s29+$0x2B0];
	v28 =	vadd.f32 v44, v28;
	v47 =	vperm.xlane v25, v0;
	v34 =	vperm.xlane v24, v3  }
0xe1: {  	v17 =	vpsel p6, v17, v20;
	v43 =	vmul.f32 v55, v40;
	v44 =	vmul.f32 v56, v41  }
0xe2: {  	v50 =	vld [tilespmem:s29+$0x260];
	v55 =	vpsel p4, v8, v13;
	v30 =	vadd.f32 v48, v30;
	v26 =	vadd.f32 v26, v28  }
0xe3: {  	v28 =	vmul.f32 v46, v51;
	v48 =	vpsel p4, v14, v19;
	v51 =	vpsel p4, v11, v16  }
0xe4: {  	v45 =	vld [tilespmem:s29+$0x2D0];
	v25 =	vadd.f32 v25, v47;
	v24 =	vadd.f32 v24, v34;
	v49 =	vmul.f32 v61, v48  }
0xe5: {  	v56 =	vld [tilespmem:s29+$0x380];
	v52 =	vmul.f32 v63, v51;
	v63 =	vpsel p5, v11, v16;
	v48 =	vpsel p5, v9, v15  }
0xe6: {  	v32 =	vld [tilespmem:s29+$0x2F0];
	v11 =	vpsel p6, v11, v16;
	v29 =	vadd.f32 v29, v30;
	v26 =	vadd.f32 v27, v26  }
0xe7: {  	v36 =	vld [tilespmem:s29+$0x2E0];
	v27 =	vmul.f32 v50, v54;
	v53 =	vperm.xlane v25, v1;
	v22 =	vsel vm8, v22, v24  }
0xe8: {  	v42 =	vld [tilespmem:s29+$0x2C0];
	v24 =	vadd.f32 v44, v43;
	v44 =	vpsel p5, v8, v13;
	v8 =	vpsel p6, v8, v13  }
0xe9: {  	v50 =	vld [tilespmem:s29+$0x300];
	v28 =	vadd.f32 v28, v29;
	v57 =	vperm.xlane v26, v0;
	v29 =	vmul.f32 v45, v55  }
0xea: {  	v54 =	vld [tilespmem:s29+$0x310];
	v45 =	vpsel p5, v7, v12;
	v17 =	vmul.f32 v56, v17;
	v7 =	vpsel p6, v7, v12  }
0xeb: {  	v43 =	vld [tilespmem:s29+$0x330];
	v25 =	vadd.f32 v25, v53;
	v24 =	vadd.f32 v49, v24;
	v53 =	vpsel p4, v9, v15  }
0xec: {  	v55 =	vld [tilespmem:s29+$0x3C0];
	v9 =	vpsel p6, v9, v15;
	v59 =	vadd.f32 v27, v28;
	v26 =	vadd.f32 v26, v57  }
0xed: {  	v61 =	vld [tilespmem:s29+$0x320];
	v57 =	vmul.f32 v42, v53;
	v62 =	vperm.xlane v25, v2;
	v24 =	vadd.f32 v52, v24  }
0xee: {  	v49 =	vld [tilespmem:s29+$0x3A0];
	v28 =	vmul.f32 v50, v58;
	v23 =	vadd.f32 v60, v59;
	v46 =	vperm.xlane v26, v1  }
0xef: {  	v50 =	vld [tilespmem:s29+$0x3B0];
	v60 =	vpsel p5, v18, v21;
	v18 =	vpsel p6, v18, v21;
	v25 =	vadd.f32 v25, v62  }
0xf0: {  	v59 =	vld [tilespmem:s29+$0x390];
	v62 =	vpsel p5, v14, v19;
	v30 =	vmul.f32 v54, v60;
	v51 =	vadd.f32 v57, v24  }
0xf1: {  	v52 =	vld [tilespmem:s29+$0x340];
	v14 =	vpsel p6, v14, v19;
	v57 =	vmul.f32 v43, v63;
	v9 =	vmul.f32 v55, v9  }
0xf2: {  	v58 =	vld [tilespmem:s29+$0x3D0];
	v47 =	vperm.xlane v23, v0;
	v26 =	vadd.f32 v26, v46;
	v46 =	vpsel p5, v6, v10  }
0xf3: {  	v54 =	vmul.f32 v61, v62;
	v14 =	vmul.f32 v49, v14;
	v6 =	vpsel p6, v6, v10  }
0xf4: {  	v56 =	vld [tilespmem:s29+$0x350];
	v53 =	vadd.f32 v30, v28;
	v21 =	vadd.f32 v29, v51;
	v29 =	vmul.f32 v32, v37  }
0xf5: {  	v60 =	vld [tilespmem:s29+$0x360];
	v39 =	vperm.xlane v25, v3;
	v23 =	vadd.f32 v23, v47;
	v18 =	vmul.f32 v59, v18  }
0xf6: {  	v63 =	vld [tilespmem:s29+$0x370];
	v11 =	vmul.f32 v50, v11;
	v24 =	vmul.f32 v52, v48;
	v27 =	vadd.f32 v54, v53  }
0xf7: {  	v62 =	vld [tilespmem:s29+$0x3E0];
	v8 =	vmul.f32 v58, v8;
	v59 =	vmul.f32 v36, v35;
	v17 =	vadd.f32 v18, v17  }
0xf8: {  	v50 =	vmov s15;
	v35 =	vperm.xlane v26, v2;
	v61 =	vadd.f32 v57, v27  }
0xf9: {  	v28 =	vld [tilespmem:s29+$0x3F0];
	v15 =	vsub.s32 v4, v50;
	v21 =	vadd.f32 v59, v21;
	v14 =	vadd.f32 v14, v17  }
0xfa: {  	v31 =	vmul.f32 v60, v45;
	v18 =	vmul.f32 v56, v44;
	v27 =	vadd.f32 v24, v61  }
0xfb: {  	v34 =	vmul.f32 v63, v46;
	v32 =	vadd.f32 v29, v21;
	v11 =	vadd.f32 v11, v14  }
0xfc: {  	v36 =	vperm.xlane v23, v1;
	v7 =	vmul.f32 v62, v7;
	v30 =	vadd.f32 v18, v27  }
0xfd: {  	v10 =	vadd.f32 v26, v35;
	v37 =	vperm.xlane v32, v0;
	v9 =	vadd.f32 v9, v11  }
0xfe: {  	v6 =	vmul.f32 v28, v6;
	v14 =	vadd.f32 v25, v39;
	v33 =	vadd.f32 v31, v30  }
0xff: {  	v43 =	vperm.xlane v10, v3;
	v12 =	vadd.f32 v32, v37;
	v8 =	vadd.f32 v8, v9  }
0x100: {  	v14 =	vsel vm9, v22, v14;
	vm9 =	vmmov vm8;
	vm8 =	vmmov vm7  }
0x101: {  	vm7 =	vmmov vm6;
	vm6 =	vmmov vm5;
	v7 =	vadd.f32 v7, v8  }
0x102: {  	v48 =	vld [tilespmem:s16+$0x14C00];
	vm5 =	vmmov vm4;
	vm4 =	vmmov vm3;
	v9 =	vadd.f32 v34, v33  }
0x103: {  	p0 =	slt.s32 s4, $0x4;
	vm3 =	vmmov vm2;
	vm2 =	vmmov vm1;
	v6 =	vadd.f32 v6, v7  }
0x104: {  	s5 =	ssub.s32 s25, s20;
	vm1 =	vmmov vm0;
	v40 =	vperm.xlane v9, v0;
	v7 =	vadd.s32 s4, v4;
	s4 =	simm.s32 @!p0 $0x4  }
0x105: {  	vm0 =	vgt.s32 v15, $0x0;
	v42 =	vperm.xlane v12, v1;
	p0 =	slt.s32 s5, $0x4;
	s6 =	sand.u32 $0xFFFFFF80, s4;
	v41 =	vperm.xlane v6, v0  }
0x106: {  	v15 =	vnsel vm0, $0x0, v15;
	v8 =	vadd.f32 v23, v36;
	v9 =	vadd.f32 v9, v40;
	s4 =	sand.u32 $0x7C, s4;
	s5 =	simm.s32 @!p0 $0x4;
	s6 =	sadd.s32 s6, s19  }
0x107: {  	v15 =	vperm.xlane v48, v15;
	v12 =	vadd.f32 v12, v42;
	s5 =	ssub.s32 s11, s5;
	s4 =	sor.u32 s4, s6;
	v6 =	vadd.f32 v6, v41  }
0x108: {  	v44 =	vperm.xlane v8, v2;
	v45 =	vperm.xlane v9, v1;
	s20 =	ssub.s32 s5, s20;
	v46 =	vld [tilespmem:s4+$0x14C00]  }
0x109: {  	v49 =	vperm.xlane v12, v2;
	s4 =	sadd.s32 s20, s30;
	v47 =	vperm.xlane v6, v1  }
0x10a: {  	v8 =	vadd.f32 v8, v44;
	v9 =	vadd.f32 v9, v45;
	v51 =	vadd.s32 s4, v4  }
0x10b: {  	v58 =	vld [tilespmem:$0x1FFB0];
	v12 =	vadd.f32 v12, v49;
	vm15 =	vlt.s32 v51, $0xF;
	v6 =	vadd.f32 v6, v47  }
0x10c: {  	v54 =	vperm.xlane v8, v3;
	v52 =	vperm.xlane v9, v2;
	v13 =	vnsel vm15, $0xF, v51  }
0x10d: {  	v10 =	vadd.f32 v10, v43;
	v13 =	vperm.xlane v46, v13;
	v53 =	vperm.xlane v6, v2  }
0x10e: {  	vm0 =	vlt.s32 v4, s15;
	v55 =	vperm.xlane v12, v3;
	v9 =	vadd.f32 v9, v52  }
0x10f: {  	v8 =	vadd.f32 v8, v54;
	v13 =	vsel vm0, v13, v15;
	v6 =	vadd.f32 v6, v53  }
0x110: {  	v60 =	vld.msk [tilespmem:s13+$0x18C00 ss:$0x0], $0xffff;
	vm15 =	vnez.u8 v58;
	v56 =	vperm.xlane v9, v3;
	v13 =	vcvt.s32.f32 v13  }
0x111: {  	v57 =	vld.msk [tilespmem:s12+$0x18C00 ss:$0x0], $0xffff;
	v12 =	vadd.f32 v12, v55;
	v10 =	vsel vm15, v14, v10;
	v59 =	vperm.xlane v6, v3  }
0x112: {  	v8 =	vsel vm12, v10, v8;
	v9 =	vadd.f32 v9, v56;
	v61 =	vadd.f32 v13, v13  }
0x113: {  	v8 =	vsel vm13, v8, v12;
	v6 =	vadd.f32 v6, v59  }
0x114: {  	v8 =	vsel vm14, v8, v9;
	v62 =	vsub.f32 $1.000000000e+00, v61  }
0x115: {  	vm15 =	vgt.s32 v7, $0x13;
	v6 =	vsel vm11, v8, v6  }
0x116: {  	v63 =	vsel vm0, v57, v60;
	p0 =	sne.s32 s30, $0x70;
	v7 =	vsel vm15, v38, v7;
	v6 =	vmul.f32 v62, v6  }
.Ltmp0:
0x117: {  	vm0 =	vlt.s32 v7, v63;
	(pc) =	sbr.rel @p0 .LBB2_3-.Ltmp0, $4  }
0x118: {  	v6 =	vnsel vm0, $0xF149F2CA, v6;
	vm0 =	vmmov vm1  }
0x119: {  	vm1 =	vmmov vm2;
	vm2 =	vmmov vm3;
	vm3 =	vmmov vm4  }
0x11a: {  	s22 =	sadd.s32 $0x10, s22;
	s25 =	sadd.s32 $0x10, s25;
	s24 =	sadd.s32 $0xFFFFFFF0, s24;
	vm4 =	vmmov vm5;
	vm5 =	vmmov vm6;
	vm6 =	vmmov vm7  }
0x11b: {  	s29 =	sadd.s32 $0x800, s29;
	s30 =	sadd.s32 $0x10, s30;
	vm7 =	vmmov vm8;
	vm8 =	vmmov vm9;
	vm9 =	vmmov vm10;
	[tilespmem:s31+$0x0] =	vst v6;
	s31 =	sadd.s32 $0x10, s31  }
0x11c: {  	s28 =	sadd.s32 $0x1, s28  }
0x11d: {  	p0 =	sne.s32 s28, $0x14  }
.Ltmp1:
0x11e: {  	_ = 	snop;
	(pc) =	sbr.rel @p0 .LBB2_2-.Ltmp1, $3  }
0x11f: {  	_ =	sdelay $0x1  }
0x120: {  	s26 =	sadd.s32 $0x1, s26;
	s11 =	sadd.s32 $0x80, s11  }
0x121: {  	s1 =	sadd.s32 $0xFFFFFF80, s1;
	s2 =	sadd.s32 $0x80, s2;
	s23 =	sadd.s32 $0x80, s23  }
0x122: {  	_ =	swait.ge [sflag:s17], $0x4000  }
0x123: {  	[sflag:s17] =	ssyncset.done $0x0  }
0x124: {  	[sflag:s17] =	ssyncadd.s32 $0xFFFFC000  }
0x125: {  	s21 =	sadd.s32 $0x1, s21;
	_ =	swait.ge [sflag:s18], $0x4000  }
0x126: {  	s1 =	simm.s32 $0x400;
	p0 =	sne.s32 s21, s9;
	[sflag:s18] =	ssyncset.done $0x0  }
.Ltmp2:
0x127: {  	s2 =	simm.s32 $0x18D00;
	[sflag:s18] =	ssyncadd.s32 $0xFFFFC000;
	(pc) =	sbr.rel @p0 .LBB2_1-.Ltmp2, $4  }
0x128: {  	[hbm4b:s8+s14] =	stream.strided.scatter [tilespmem:s2], [sflag:$0x5], $0xA00, s1, s14, $0x38;
	[tilespmem:$0x19700] =	vst v63  }
0x129: {  	_ =	swait.ge [sflag:s10], $0xA00  }
0x12a: {  	[sflag:s10] =	ssyncset.done $0x0  }
0x12b: {  	[sflag:s10] =	ssyncadd.s32 $0xFFFFF600  }
0x12c: {  	_ =	sfence.sel $0x180000  }
0x12d: {  	[bflag:$0x0] =	sbarrier.arrive $0xFFFF  }
0x12e: {  	_ =	strace $0x90000047  }
0x12f: {  	s0 =	stileid.u32;
	[bflag:$0x2] =	sbarrier.arrive $0xFFFF  }
0x130: {  	p0 =	sne.s32 s0, $0x0;
	s0 =	rddreg [dreg:$0x4]  }
0x131: {  	s0 =	sadd.s32 @!p0 $0x100000, s0  }
0x132: {  	[sflag:s0] =	ssyncadd.tile.s32 @!p0 $0x1;
	_ =	shalt  }
.Lfunc_end2:
_tile_overlayer_lowered:
.L_overlay_start_2:
0x133: {  	(tag) =	ssettag $0x2  }
0x134: {  	s0 =	rddreg [dreg:$0x0];
	s2 =	stileid.u32  }
0x135: {  	s1 =	rddreg [dreg:$0x1];
	p0 =	sne.s32 s2, $0x0  }
0x136: {  	s3 =	rddreg [dreg:$0x2];
	[bflag:$0x3] =	sbarrier.arrive $0xFFFF;
	s2 =	simm.s32 @!p0 $0x1C05  }
0x137: {  	[timem:s3], [sflag:s2] =	dma.local @!p0 [hbm:s0], s1  }
0x138: {  	s0 =	simm.s32 @!p0 $0x5  }
0x139: {  	_ =	swait.ge @!p0 [sflag:s0], s1  }
0x13a: {  	s1 =	ssub.s32 @!p0 $0x0, s1;
	[sflag:s0] =	ssyncset.done @!p0 $0x0  }
0x13b: {  	[sflag:s0] =	ssyncadd.s32 @!p0 s1  }
0x13c: {  	[bflag:$0x3] =	sbarrier.arrive $0xFFFF  }
0x13d: {  	_ =	shalt  }

</sc_bundles>
